<compile_context>
chip_gen: v7x
topology: tpu7x:2x2x1
jax: 0.10.2.dev20260603
libtpu: 0.0.44.dev20260713+nightly
codegen_flags: <defaults>
</compile_context>

<pallas_src>
import jax
import jax.numpy as jnp
from jax import lax
from jax.experimental import pallas as pl
from jax.experimental.pallas import tpu as pltpu
from jax.experimental.pallas import tpu_sc as plsc

N_JOB = 10000
N_CO = 10000
E = 320000
D = 128
NEG_SLOPE = 0.2

NC = 2
NS = 16
NW = NC * NS
EPT = E // NW
K = 80
NCHUNK = EPT // K
RPT = N_JOB // NS
KB = K
NCB = NCHUNK
NMETA = 4
NSPLIT = 2
DSTRIPE = 624
DREM = N_JOB - NS * DSTRIPE
L = 16


def _proj_body(xco, wco, bco, xjo, wjo, bjo, ls, ld, xc_o, as_o, ad_o):
    xc = jnp.dot(xco[...], wco[...], preferred_element_type=jnp.float32)
    xc = xc + bco[...]
    xc_o[...] = xc
    as_o[...] = jnp.dot(xc, ls[...], preferred_element_type=jnp.float32)[:, 0]
    xj = jnp.dot(xjo[...], wjo[...], preferred_element_type=jnp.float32)
    xj = xj + bjo[...]
    ad_o[...] = jnp.dot(xj, ld[...], preferred_element_type=jnp.float32)[:, 0]


def _proj(x_co, w_co, b_co, x_jo, w_jo, b_jo, ls, ld):
    return pl.pallas_call(
        _proj_body,
        out_shape=[
            jax.ShapeDtypeStruct((N_CO, D), jnp.float32),
            jax.ShapeDtypeStruct((N_CO,), jnp.float32),
            jax.ShapeDtypeStruct((N_JOB,), jnp.float32),
        ],
    )(x_co, w_co, b_co, x_jo, w_jo, b_jo, ls, ld)


def _sc_logits_body(asrc_hbm, adst_hbm, ei_hbm,
                    e_out, s_out,
                    src_f, dst_f, e_f, asrc_v, adst_v, s_v):
    cid = lax.axis_index("c")
    sid = lax.axis_index("s")
    wid = cid * NS + sid
    off = wid * EPT

    pltpu.sync_copy(ei_hbm.at[pl.ds(off, EPT)], src_f)
    pltpu.sync_copy(ei_hbm.at[pl.ds(E + off, EPT)], dst_f)
    pltpu.sync_copy(asrc_hbm, asrc_v)
    pltpu.sync_copy(adst_hbm, adst_v)

    z16 = jnp.zeros((L,), jnp.float32)

    def _zs(i, _):
        s_v[pl.ds(i * L, L)] = z16
        return 0
    lax.fori_loop(0, N_JOB // L, _zs, 0)

    def _sub(j, _):
        isrc = src_f[pl.ds(j * L, L)]
        idst = dst_f[pl.ds(j * L, L)]
        av = plsc.load_gather(asrc_v, [isrc])
        bv = plsc.load_gather(adst_v, [idst])
        al = av + bv
        al = jnp.where(al >= 0, al, NEG_SLOPE * al)
        ev = jnp.exp(al)
        e_f[pl.ds(j * L, L)] = ev
        plsc.addupdate_scatter(s_v, [idst], ev)
        return 0
    lax.fori_loop(0, EPT // L, _sub, 0, unroll=5)

    pltpu.sync_copy(e_f, e_out.at[pl.ds(off, EPT)])
    pltpu.sync_copy(s_v, s_out.at[wid])


def _sc_logits(a_src, a_dst, ei):
    mesh = plsc.VectorSubcoreMesh(core_axis_name="c", subcore_axis_name="s")
    fn = pl.kernel(
        _sc_logits_body,
        out_type=[
            jax.ShapeDtypeStruct((E,), jnp.float32),
            jax.ShapeDtypeStruct((NW, N_JOB), jnp.float32),
        ],
        mesh=mesh,
        scratch_types=[
            pltpu.VMEM((EPT,), jnp.int32),
            pltpu.VMEM((EPT,), jnp.int32),
            pltpu.VMEM((EPT,), jnp.float32),
            pltpu.VMEM((N_CO,), jnp.float32),
            pltpu.VMEM((N_JOB,), jnp.float32),
            pltpu.VMEM((N_JOB,), jnp.float32),
        ],
        compiler_params=pltpu.CompilerParams(needs_layout_passes=False),
    )
    return fn(a_src, a_dst, ei)


def _sc_scatter_body(xc_hbm, ei_hbm, e_hbm,
                     u_out,
                     sidx, didx, ebuf, rows_v, shared_u,
                     semi, semg, sems):
    cid = lax.axis_index("c")
    sid = lax.axis_index("s")
    wid = cid * NS + sid
    eoff = wid * EPT

    z16 = jnp.zeros((L,), jnp.float32)

    def _zrow(k, _):
        for r in range(D // L):
            rows_v[0, k, pl.ds(r * L, L)] = z16
        return 0
    lax.fori_loop(0, KB, _zrow, 0)

    base = sid * RPT

    def _zchunk(c, _):
        pltpu.sync_copy(rows_v.at[0], shared_u.at[pl.ds(base + c * KB, KB)])
        return 0
    lax.fori_loop(0, RPT // KB, _zchunk, 0)
    rem = RPT - (RPT // KB) * KB
    if rem:
        pltpu.sync_copy(rows_v.at[0, pl.ds(0, rem)],
                        shared_u.at[pl.ds(base + (RPT // KB) * KB, rem)])

    plsc.subcore_barrier()

    HB = KB // NSPLIT

    def _load_meta(c, slot):
        pltpu.async_copy(ei_hbm.at[pl.ds(eoff + c * KB, KB)],
                         sidx.at[slot], semi)
        for q in range(NSPLIT):
            pltpu.async_copy(
                ei_hbm.at[pl.ds(E + eoff + c * KB + q * HB, HB)],
                didx.at[NSPLIT * slot + q], semi)
        pltpu.async_copy(e_hbm.at[pl.ds(eoff + c * KB, KB)],
                         ebuf.at[slot], semi)

    def _wait_meta(c, slot):
        pltpu.make_async_copy(ei_hbm.at[pl.ds(eoff + c * KB, KB)],
                              sidx.at[slot], semi).wait()
        for q in range(NSPLIT):
            pltpu.make_async_copy(
                ei_hbm.at[pl.ds(E + eoff + c * KB + q * HB, HB)],
                didx.at[NSPLIT * slot + q], semi).wait()
        pltpu.make_async_copy(e_hbm.at[pl.ds(eoff + c * KB, KB)],
                              ebuf.at[slot], semi).wait()

    _load_meta(0, 0)
    _wait_meta(0, 0)
    pltpu.async_copy(xc_hbm.at[sidx.at[0]], rows_v.at[0], semg)
    _load_meta(1, 1)

    def _chunk_b(c, _):
        b = lax.rem(c, 2)
        nb = 1 - b
        m3 = lax.rem(c, NMETA)
        n3 = lax.rem(c + 1, NMETA)
        p3 = lax.rem(c + 2, NMETA)

        pltpu.make_async_copy(xc_hbm.at[sidx.at[m3]], rows_v.at[b],
                              semg).wait()

        @pl.when(c >= 1)
        def _():
            for q in range(NSPLIT):
                pltpu.make_async_copy(
                    rows_v.at[nb, pl.ds(q * HB, HB)],
                    shared_u.at[didx.at[NSPLIT * n3 + q]], sems).wait()

        @pl.when(c + 1 < NCB)
        def _():
            _wait_meta(c + 1, n3)
            pltpu.async_copy(xc_hbm.at[sidx.at[n3]], rows_v.at[nb], semg)

        @pl.when(c + 2 < NCB)
        def _():
            _load_meta(c + 2, p3)

        i0 = jnp.full((L,), m3, dtype=jnp.int32)

        def _row(k, _):
            ik = jnp.full((L,), k, dtype=jnp.int32)
            es = plsc.load_gather(ebuf, [i0, ik])
            for r in range(D // L):
                sl = pl.ds(r * L, L)
                rows_v[b, k, sl] = rows_v[b, k, sl] * es
            return 0
        for q in range(NSPLIT):
            lax.fori_loop(q * HB, (q + 1) * HB, _row, 0, unroll=5)
            pltpu.async_copy(rows_v.at[b, pl.ds(q * HB, HB)],
                             shared_u.at[didx.at[NSPLIT * m3 + q]], sems,
                             add=True)
        return 0
    lax.fori_loop(0, NCB, _chunk_b, 0)

    bl = lax.rem(NCB - 1, 2)
    ml = lax.rem(NCB - 1, NMETA)
    for q in range(NSPLIT):
        pltpu.make_async_copy(rows_v.at[bl, pl.ds(q * HB, HB)],
                              shared_u.at[didx.at[NSPLIT * ml + q]],
                              sems).wait()

    plsc.subcore_barrier()

    dbase = sid * DSTRIPE
    pltpu.sync_copy(shared_u.at[pl.ds(dbase, DSTRIPE)],
                    u_out.at[cid, pl.ds(dbase, DSTRIPE)])

    @pl.when(sid == 0)
    def _drain_tail():
        pltpu.sync_copy(shared_u.at[pl.ds(NS * DSTRIPE, DREM)],
                        u_out.at[cid, pl.ds(NS * DSTRIPE, DREM)])


def _sc_scatter(xc, ei, e2):
    mesh = plsc.VectorSubcoreMesh(core_axis_name="c", subcore_axis_name="s")
    fn = pl.kernel(
        _sc_scatter_body,
        out_type=jax.ShapeDtypeStruct((NC, N_JOB, D), jnp.float32),
        mesh=mesh,
        scratch_types=[
            pltpu.VMEM((NMETA, KB), jnp.int32),
            pltpu.VMEM((NSPLIT * NMETA, KB // NSPLIT), jnp.int32),
            pltpu.VMEM((NMETA, KB), jnp.float32),
            pltpu.VMEM((2, KB, D), jnp.float32),
            pltpu.VMEM_SHARED((N_JOB, D), jnp.float32),
            pltpu.SemaphoreType.DMA,
            pltpu.SemaphoreType.DMA,
            pltpu.SemaphoreType.DMA,
        ],
        compiler_params=pltpu.CompilerParams(needs_layout_passes=False),
    )
    return fn(xc, ei, e2)


def _final_body(u_ref, s_ref, w_ref, b_ref, o_ref):
    u = u_ref[0] + u_ref[1]
    r = jnp.maximum(u, 0.0)
    y = jnp.dot(r, w_ref[...], preferred_element_type=jnp.float32)
    s = jnp.sum(s_ref[...], axis=1, keepdims=True)
    o_ref[...] = (y / (s + 1e-16) + b_ref[0, 0])[:, 0]


def _final(u_parts, s_parts_t, mlp_w, mlp_b):
    return pl.pallas_call(
        _final_body,
        out_shape=jax.ShapeDtypeStruct((N_JOB,), jnp.float32),
    )(u_parts, s_parts_t, mlp_w, mlp_b)


@jax.jit
def kernel(x_job, x_company, edge_index_job_to_company, edge_index_company_to_job,
           proj_job_w, proj_job_b, proj_co_w, proj_co_b,
           lin_src_j2c, lin_dst_j2c, lin_src_c2j, lin_dst_c2j,
           k_lin_w, k_lin_b, q, mlp_w, mlp_b):
    del edge_index_job_to_company, lin_src_j2c, lin_dst_j2c, k_lin_w, k_lin_b, q

    ei = edge_index_company_to_job.reshape(2 * E)

    xc, a_src, a_dst = _proj(
        x_company, proj_co_w, proj_co_b.reshape(1, D),
        x_job, proj_job_w, proj_job_b.reshape(1, D),
        lin_src_c2j.reshape(D, 1), lin_dst_c2j.reshape(D, 1))

    e2, s_parts = _sc_logits(a_src, a_dst, ei)
    u_parts = _sc_scatter(xc, ei, e2)

    return _final(u_parts, s_parts.T, mlp_w, mlp_b.reshape(1, 1))

# --- scband reference (transcript-rebuilt; emitter-appended) ---
"""Pipeline reference for scband-hanregression-13597866459799 (READ-ONLY COPY).

The authoritative reference and input builder live on the scoring server;
editing this copy changes nothing except your own understanding.
"""

import jax, jax.numpy as jnp
import numpy as np

N_JOB = 10000
N_CO = 10000
E = 320000
D_IN = 128
D_HID = 128
HEADS = 1
D_HEAD = D_HID // HEADS
NEG_SLOPE = 0.2


def setup_inputs(seed: int = 0) -> dict:
    key = jax.random.key(seed)
    ks = jax.random.split(key, 20)
    inp = {}
    inp['x_job'] = jax.random.normal(ks[0], (N_JOB, D_IN), dtype=jnp.float32)
    inp['x_company'] = jax.random.normal(ks[1], (N_CO, D_IN), dtype=jnp.float32)
    inp['edge_index_job_to_company'] = jax.random.randint(ks[2], (2, E), 0, N_CO).astype(jnp.int32)
    inp['edge_index_company_to_job'] = jax.random.randint(ks[3], (2, E), 0, N_JOB).astype(jnp.int32)
    s = 1.0 / np.sqrt(D_IN)
    inp['proj_job_w'] = jax.random.uniform(ks[4], (D_IN, D_HID), minval=-s, maxval=s, dtype=jnp.float32)
    inp['proj_job_b'] = jnp.zeros((D_HID,), jnp.float32)
    inp['proj_co_w'] = jax.random.uniform(ks[5], (D_IN, D_HID), minval=-s, maxval=s, dtype=jnp.float32)
    inp['proj_co_b'] = jnp.zeros((D_HID,), jnp.float32)
    inp['lin_src_j2c'] = jax.random.normal(ks[6], (HEADS, D_HEAD), dtype=jnp.float32) * 0.1
    inp['lin_dst_j2c'] = jax.random.normal(ks[7], (HEADS, D_HEAD), dtype=jnp.float32) * 0.1
    inp['lin_src_c2j'] = jax.random.normal(ks[8], (HEADS, D_HEAD), dtype=jnp.float32) * 0.1
    inp['lin_dst_c2j'] = jax.random.normal(ks[9], (HEADS, D_HEAD), dtype=jnp.float32) * 0.1
    sk = 1.0 / np.sqrt(D_HID)
    inp['k_lin_w'] = jax.random.uniform(ks[10], (D_HID, D_HID), minval=-sk, maxval=sk, dtype=jnp.float32)
    inp['k_lin_b'] = jnp.zeros((D_HID,), jnp.float32)
    inp['q'] = jax.random.normal(ks[11], (D_HID,), dtype=jnp.float32) * 0.1
    inp['mlp_w'] = jax.random.uniform(ks[12], (D_HID * HEADS, 1), minval=-sk, maxval=sk, dtype=jnp.float32)
    inp['mlp_b'] = jnp.zeros((1,), jnp.float32)
    return inp


def _segment_softmax(alpha, idx, num_segments):
    m = jax.ops.segment_max(alpha, idx, num_segments=num_segments)
    m = jnp.where(jnp.isfinite(m), m, 0.0)
    e = jnp.exp(alpha - m[idx])
    s = jax.ops.segment_sum(e, idx, num_segments=num_segments)
    return e / (s[idx] + 1e-16)


def _han_edge(x_src, x_dst, edge_index, lin_src, lin_dst, n_dst):
    xs = x_src.reshape(-1, HEADS, D_HEAD)
    xd = x_dst.reshape(-1, HEADS, D_HEAD)
    a_src = (xs * lin_src[None]).sum(-1)
    a_dst = (xd * lin_dst[None]).sum(-1)
    src, dst = edge_index[0], edge_index[1]
    alpha = a_src[src] + a_dst[dst]
    alpha = jnp.where(alpha >= 0, alpha, NEG_SLOPE * alpha)
    alpha = _segment_softmax(alpha, dst, n_dst)
    msg = xs[src] * alpha[:, :, None]
    out = jax.ops.segment_sum(msg.reshape(-1, HEADS * D_HEAD), dst, num_segments=n_dst)
    return jax.nn.relu(out)


def _group(outs, q, k_w, k_b):
    out = jnp.stack(outs)
    attn_score = (q[None, :] * jnp.tanh(out @ k_w + k_b).mean(axis=1)).sum(-1)
    attn = jax.nn.softmax(attn_score, axis=0)
    return (attn[:, None, None] * out).sum(axis=0)


def reference(x_job, x_company, edge_index_job_to_company, edge_index_company_to_job,
              proj_job_w, proj_job_b, proj_co_w, proj_co_b,
              lin_src_j2c, lin_dst_j2c, lin_src_c2j, lin_dst_c2j,
              k_lin_w, k_lin_b, q, mlp_w, mlp_b):
    xj = x_job @ proj_job_w + proj_job_b
    xc = x_company @ proj_co_w + proj_co_b
    out_co = _han_edge(xj, xc, edge_index_job_to_company, lin_src_j2c, lin_dst_j2c, N_CO)
    out_job = _han_edge(xc, xj, edge_index_company_to_job, lin_src_c2j, lin_dst_c2j, N_JOB)
    job_final = _group([out_job], q, k_lin_w, k_lin_b)
    co_final = _group([out_co], q, k_lin_w, k_lin_b)
    pred = (job_final @ mlp_w + mlp_b).squeeze(-1)
    return pred

if __name__ == "__main__":
    import jax
    _d = setup_inputs()
    print(jax.jit(kernel)(*tuple(_d.values())))

</pallas_src>

<mosaic_0001>
#map = affine_map<(d0, d1) -> (0, 0)>
#map1 = affine_map<(d0, d1) -> (0)>
#map2 = affine_map<(d0, d1) -> (0, 0, 0)>
module attributes {stable_mosaic.version = 14 : i64} {
  func.func @_sc_scatter_body(%arg0: i32, %arg1: i32, %arg2: memref<10000x128xf32, #tpu.memory_space<hbm>>, %arg3: memref<640000xi32, #tpu.memory_space<hbm>>, %arg4: memref<320000xf32, #tpu.memory_space<hbm>>, %arg5: memref<2x10000x128xf32, #tpu.memory_space<hbm>>, %arg6: memref<4x80xi32, #tpu.memory_space<vmem>>, %arg7: memref<8x40xi32, #tpu.memory_space<vmem>>, %arg8: memref<4x80xf32, #tpu.memory_space<vmem>>, %arg9: memref<2x80x128xf32, #tpu.memory_space<vmem>>, %arg10: memref<10000x128xf32, #tpu.memory_space<vmem_shared>>, %arg11: memref<!tpu.dma_semaphore, #tpu.memory_space<semaphore_mem>>, %arg12: memref<!tpu.dma_semaphore, #tpu.memory_space<semaphore_mem>>, %arg13: memref<!tpu.dma_semaphore, #tpu.memory_space<semaphore_mem>>) attributes {dimension_semantics = [#tpu.dimension_semantics<core_parallel>, #tpu.dimension_semantics<subcore_parallel>], iteration_bounds = array<i64: 2, 16>, scalar_prefetch = 0 : i64, scratch_operands = 8 : i64, tpu.core_type = #tpu.core_type<sc_vector_subcore>, window_params = [{transform_indices = #map}, {transform_indices = #map1}, {transform_indices = #map1}, {transform_indices = #map2}]} {
    %mul3A = arith.constant 16 : i32
    %mul3A_0 = arith.muli %arg0, %mul3A : i32
    %add3A = arith.addi %mul3A_0, %arg1 : i32
    %mul3A_1 = arith.constant 10000 : i32
    %mul3A_2 = arith.muli %add3A, %mul3A_1 : i32
    %broadcast_in_dim3A = arith.constant 0.000000e+00 : f32
    %broadcast_in_dim3A_3 = vector.broadcast %broadcast_in_dim3A : f32 to vector<16xf32>
    %scan3A = arith.constant 0 : i32
    %scan3A_4 = arith.constant 0 : i32
    %scan3A_5 = arith.constant 80 : i32
    %scan3A_6 = arith.addi %scan3A_4, %scan3A_5 : i32
    %scan3A_7 = arith.constant 1 : i32
    %scan3A_8 = scf.for %scan3A_232 = %scan3A_4 to %scan3A_6 step %scan3A_7 iter_args(%scan3A_233 = %scan3A) -> (i32)  : i32 {
      %swap3A = arith.constant 0 : i32
      %swap3A_234 = arith.index_cast %swap3A : i32 to index
      %swap3A_235 = arith.index_cast %scan3A_232 : i32 to index
      %swap3A_236 = arith.constant 0 : index
      %swap3A_237 = tpu.vector_load %arg9[%swap3A_234, %swap3A_235, %swap3A_236] {strides = array<i32>} : memref<2x80x128xf32, #tpu.memory_space<vmem>>, vector<16xf32>,
      tpu.vector_store %arg9[%swap3A_234, %swap3A_235, %swap3A_236], %broadcast_in_dim3A_3 {strides = array<i32>} : memref<2x80x128xf32, #tpu.memory_space<vmem>>, vector<16xf32>,
      %swap3A_238 = arith.constant 0 : i32
      %swap3A_239 = arith.index_cast %swap3A_238 : i32 to index
      %swap3A_240 = arith.index_cast %scan3A_232 : i32 to index
      %swap3A_241 = arith.constant 16 : index
      %swap3A_242 = tpu.vector_load %arg9[%swap3A_239, %swap3A_240, %swap3A_241] {strides = array<i32>} : memref<2x80x128xf32, #tpu.memory_space<vmem>>, vector<16xf32>,
      tpu.vector_store %arg9[%swap3A_239, %swap3A_240, %swap3A_241], %broadcast_in_dim3A_3 {strides = array<i32>} : memref<2x80x128xf32, #tpu.memory_space<vmem>>, vector<16xf32>,
      %swap3A_243 = arith.constant 0 : i32
      %swap3A_244 = arith.index_cast %swap3A_243 : i32 to index
      %swap3A_245 = arith.index_cast %scan3A_232 : i32 to index
      %swap3A_246 = arith.constant 32 : index
      %swap3A_247 = tpu.vector_load %arg9[%swap3A_244, %swap3A_245, %swap3A_246] {strides = array<i32>} : memref<2x80x128xf32, #tpu.memory_space<vmem>>, vector<16xf32>,
      tpu.vector_store %arg9[%swap3A_244, %swap3A_245, %swap3A_246], %broadcast_in_dim3A_3 {strides = array<i32>} : memref<2x80x128xf32, #tpu.memory_space<vmem>>, vector<16xf32>,
      %swap3A_248 = arith.constant 0 : i32
      %swap3A_249 = arith.index_cast %swap3A_248 : i32 to index
      %swap3A_250 = arith.index_cast %scan3A_232 : i32 to index
      %swap3A_251 = arith.constant 48 : index
      %swap3A_252 = tpu.vector_load %arg9[%swap3A_249, %swap3A_250, %swap3A_251] {strides = array<i32>} : memref<2x80x128xf32, #tpu.memory_space<vmem>>, vector<16xf32>,
      tpu.vector_store %arg9[%swap3A_249, %swap3A_250, %swap3A_251], %broadcast_in_dim3A_3 {strides = array<i32>} : memref<2x80x128xf32, #tpu.memory_space<vmem>>, vector<16xf32>,
      %swap3A_253 = arith.constant 0 : i32
      %swap3A_254 = arith.index_cast %swap3A_253 : i32 to index
      %swap3A_255 = arith.index_cast %scan3A_232 : i32 to index
      %swap3A_256 = arith.constant 64 : index
      %swap3A_257 = tpu.vector_load %arg9[%swap3A_254, %swap3A_255, %swap3A_256] {strides = array<i32>} : memref<2x80x128xf32, #tpu.memory_space<vmem>>, vector<16xf32>,
      tpu.vector_store %arg9[%swap3A_254, %swap3A_255, %swap3A_256], %broadcast_in_dim3A_3 {strides = array<i32>} : memref<2x80x128xf32, #tpu.memory_space<vmem>>, vector<16xf32>,
      %swap3A_258 = arith.constant 0 : i32
      %swap3A_259 = arith.index_cast %swap3A_258 : i32 to index
      %swap3A_260 = arith.index_cast %scan3A_232 : i32 to index
      %swap3A_261 = arith.constant 80 : index
      %swap3A_262 = tpu.vector_load %arg9[%swap3A_259, %swap3A_260, %swap3A_261] {strides = array<i32>} : memref<2x80x128xf32, #tpu.memory_space<vmem>>, vector<16xf32>,
      tpu.vector_store %arg9[%swap3A_259, %swap3A_260, %swap3A_261], %broadcast_in_dim3A_3 {strides = array<i32>} : memref<2x80x128xf32, #tpu.memory_space<vmem>>, vector<16xf32>,
      %swap3A_263 = arith.constant 0 : i32
      %swap3A_264 = arith.index_cast %swap3A_263 : i32 to index
      %swap3A_265 = arith.index_cast %scan3A_232 : i32 to index
      %swap3A_266 = arith.constant 96 : index
      %swap3A_267 = tpu.vector_load %arg9[%swap3A_264, %swap3A_265, %swap3A_266] {strides = array<i32>} : memref<2x80x128xf32, #tpu.memory_space<vmem>>, vector<16xf32>,
      tpu.vector_store %arg9[%swap3A_264, %swap3A_265, %swap3A_266], %broadcast_in_dim3A_3 {strides = array<i32>} : memref<2x80x128xf32, #tpu.memory_space<vmem>>, vector<16xf32>,
      %swap3A_268 = arith.constant 0 : i32
      %swap3A_269 = arith.index_cast %swap3A_268 : i32 to index
      %swap3A_270 = arith.index_cast %scan3A_232 : i32 to index
      %swap3A_271 = arith.constant 112 : index
      %swap3A_272 = tpu.vector_load %arg9[%swap3A_269, %swap3A_270, %swap3A_271] {strides = array<i32>} : memref<2x80x128xf32, #tpu.memory_space<vmem>>, vector<16xf32>,
      tpu.vector_store %arg9[%swap3A_269, %swap3A_270, %swap3A_271], %broadcast_in_dim3A_3 {strides = array<i32>} : memref<2x80x128xf32, #tpu.memory_space<vmem>>, vector<16xf32>,
      %scan3A_273 = arith.constant 0 : i32
      scf.yield %scan3A_273 : i32
    }
    %scan3A_9 = arith.constant 80 : i32
    %mul3A_10 = arith.constant 625 : i32
    %mul3A_11 = arith.muli %arg1, %mul3A_10 : i32
    %scan3A_12 = arith.constant 0 : i32
    %scan3A_13 = arith.constant 0 : i32
    %scan3A_14 = arith.constant 7 : i32
    %scan3A_15 = arith.addi %scan3A_13, %scan3A_14 : i32
    %scan3A_16 = arith.constant 1 : i32
    %scan3A_17 = scf.for %scan3A_232 = %scan3A_13 to %scan3A_15 step %scan3A_16 iter_args(%scan3A_233 = %scan3A_12) -> (i32)  : i32 {
      %mul3A_234 = arith.constant 80 : i32
      %mul3A_235 = arith.muli %scan3A_232, %mul3A_234 : i32
      %add3A_236 = arith.addi %mul3A_11, %mul3A_235 : i32
      %run_scoped3A_237 = arith.constant 0 : i32
      "tpu.region"() ({
        %run_scoped3A_239 = tpu.sem_alloc : memref<!tpu.dma_semaphore, #tpu.memory_space<semaphore_mem>>
        %dma_start3A_240 = arith.constant 0 : i32
        %dma_start3A_241 = arith.constant 0 : i32
        %dma_start3A_242 = tpu.memref_slice %arg9[%run_scoped3A_237, %dma_start3A_240, %dma_start3A_241] : memref<2x80x128xf32, #tpu.memory_space<vmem>> -> memref<1x80x128xf32, #tpu.memory_space<vmem>>
        %dma_start3A_243 = tpu.memref_squeeze %dma_start3A_242 : memref<1x80x128xf32, #tpu.memory_space<vmem>> -> memref<80x128xf32, #tpu.memory_space<vmem>>
        %dma_start3A_244 = arith.constant 0 : i32
        %dma_start3A_245 = tpu.memref_slice %arg10[%add3A_236, %dma_start3A_244] : memref<10000x128xf32, #tpu.memory_space<vmem_shared>> -> memref<80x128xf32, #tpu.memory_space<vmem_shared>>
        %dma_start3A_246 = arith.constant 0 : i32
        %dma_start3A_247 = tpu.memref_slice %arg10[%add3A_236, %dma_start3A_246] : memref<10000x128xf32, #tpu.memory_space<vmem_shared>> -> memref<80x128xf32, #tpu.memory_space<vmem_shared>>
        %dma_start3A_248 = arith.constant 0 : i32
        %dma_start3A_249 = arith.constant 0 : i32
        %dma_start3A_250 = tpu.memref_slice %arg9[%run_scoped3A_237, %dma_start3A_248, %dma_start3A_249] : memref<2x80x128xf32, #tpu.memory_space<vmem>> -> memref<1x80x128xf32, #tpu.memory_space<vmem>>
        %dma_start3A_251 = tpu.memref_squeeze %dma_start3A_250 : memref<1x80x128xf32, #tpu.memory_space<vmem>> -> memref<80x128xf32, #tpu.memory_space<vmem>>
        tpu.enqueue_dma source(%dma_start3A_251 : memref<80x128xf32, #tpu.memory_space<vmem>>) target(%dma_start3A_247 : memref<80x128xf32, #tpu.memory_space<vmem_shared>>) target_semaphore(%run_scoped3A_239 : memref<!tpu.dma_semaphore, #tpu.memory_space<semaphore_mem>>)
        %dma_wait3A_252 = arith.constant 0 : i32
        %dma_wait3A_253 = arith.constant 0 : i32
        %dma_wait3A_254 = tpu.memref_slice %arg9[%run_scoped3A_237, %dma_wait3A_252, %dma_wait3A_253] : memref<2x80x128xf32, #tpu.memory_space<vmem>> -> memref<1x80x128xf32, #tpu.memory_space<vmem>>
        %dma_wait3A_255 = tpu.memref_squeeze %dma_wait3A_254 : memref<1x80x128xf32, #tpu.memory_space<vmem>> -> memref<80x128xf32, #tpu.memory_space<vmem>>
        %dma_wait3A_256 = arith.constant 0 : i32
        %dma_wait3A_257 = tpu.memref_slice %arg10[%add3A_236, %dma_wait3A_256] : memref<10000x128xf32, #tpu.memory_space<vmem_shared>> -> memref<80x128xf32, #tpu.memory_space<vmem_shared>>
        %dma_wait3A_258 = arith.constant 0 : i32
        %dma_wait3A_259 = tpu.memref_slice %arg10[%add3A_236, %dma_wait3A_258] : memref<10000x128xf32, #tpu.memory_space<vmem_shared>> -> memref<80x128xf32, #tpu.memory_space<vmem_shared>>
        %dma_wait3A_260 = arith.constant 0 : i32
        %dma_wait3A_261 = arith.constant 0 : i32
        %dma_wait3A_262 = tpu.memref_slice %arg9[%run_scoped3A_237, %dma_wait3A_260, %dma_wait3A_261] : memref<2x80x128xf32, #tpu.memory_space<vmem>> -> memref<1x80x128xf32, #tpu.memory_space<vmem>>
        %dma_wait3A_263 = tpu.memref_squeeze %dma_wait3A_262 : memref<1x80x128xf32, #tpu.memory_space<vmem>> -> memref<80x128xf32, #tpu.memory_space<vmem>>
        tpu.wait_dma2 semaphore(%run_scoped3A_239 : memref<!tpu.dma_semaphore, #tpu.memory_space<semaphore_mem>>) src(%dma_wait3A_263 : memref<80x128xf32, #tpu.memory_space<vmem>>) dst(%dma_wait3A_259 : memref<80x128xf32, #tpu.memory_space<vmem_shared>>)
        tpu.yield
      }) : () -> ()
      %scan3A_238 = arith.constant 0 : i32
      scf.yield %scan3A_238 : i32
    }
    %scan3A_18 = arith.constant 7 : i32
    %add3A_19 = arith.constant 560 : i32
    %add3A_20 = arith.addi %mul3A_11, %add3A_19 : i32
    %run_scoped3A = arith.constant 0 : i32
    "tpu.region"() ({
      %run_scoped3A_232 = tpu.sem_alloc : memref<!tpu.dma_semaphore, #tpu.memory_space<semaphore_mem>>
      %dma_start3A_233 = arith.constant 0 : i32
      %dma_start3A_234 = arith.constant 0 : i32
      %dma_start3A_235 = tpu.memref_slice %arg9[%run_scoped3A, %dma_start3A_233, %dma_start3A_234] : memref<2x80x128xf32, #tpu.memory_space<vmem>> -> memref<1x65x128xf32, #tpu.memory_space<vmem>>
      %dma_start3A_236 = tpu.memref_squeeze %dma_start3A_235 : memref<1x65x128xf32, #tpu.memory_space<vmem>> -> memref<65x128xf32, #tpu.memory_space<vmem>>
      %dma_start3A_237 = arith.constant 0 : i32
      %dma_start3A_238 = tpu.memref_slice %arg10[%add3A_20, %dma_start3A_237] : memref<10000x128xf32, #tpu.memory_space<vmem_shared>> -> memref<65x128xf32, #tpu.memory_space<vmem_shared>>
      %dma_start3A_239 = arith.constant 0 : i32
      %dma_start3A_240 = tpu.memref_slice %arg10[%add3A_20, %dma_start3A_239] : memref<10000x128xf32, #tpu.memory_space<vmem_shared>> -> memref<65x128xf32, #tpu.memory_space<vmem_shared>>
      %dma_start3A_241 = arith.constant 0 : i32
      %dma_start3A_242 = arith.constant 0 : i32
      %dma_start3A_243 = tpu.memref_slice %arg9[%run_scoped3A, %dma_start3A_241, %dma_start3A_242] : memref<2x80x128xf32, #tpu.memory_space<vmem>> -> memref<1x65x128xf32, #tpu.memory_space<vmem>>
      %dma_start3A_244 = tpu.memref_squeeze %dma_start3A_243 : memref<1x65x128xf32, #tpu.memory_space<vmem>> -> memref<65x128xf32, #tpu.memory_space<vmem>>
      tpu.enqueue_dma source(%dma_start3A_244 : memref<65x128xf32, #tpu.memory_space<vmem>>) target(%dma_start3A_240 : memref<65x128xf32, #tpu.memory_space<vmem_shared>>) target_semaphore(%run_scoped3A_232 : memref<!tpu.dma_semaphore, #tpu.memory_space<semaphore_mem>>)
      %dma_wait3A_245 = arith.constant 0 : i32
      %dma_wait3A_246 = arith.constant 0 : i32
      %dma_wait3A_247 = tpu.memref_slice %arg9[%run_scoped3A, %dma_wait3A_245, %dma_wait3A_246] : memref<2x80x128xf32, #tpu.memory_space<vmem>> -> memref<1x65x128xf32, #tpu.memory_space<vmem>>
      %dma_wait3A_248 = tpu.memref_squeeze %dma_wait3A_247 : memref<1x65x128xf32, #tpu.memory_space<vmem>> -> memref<65x128xf32, #tpu.memory_space<vmem>>
      %dma_wait3A_249 = arith.constant 0 : i32
      %dma_wait3A_250 = tpu.memref_slice %arg10[%add3A_20, %dma_wait3A_249] : memref<10000x128xf32, #tpu.memory_space<vmem_shared>> -> memref<65x128xf32, #tpu.memory_space<vmem_shared>>
      %dma_wait3A_251 = arith.constant 0 : i32
      %dma_wait3A_252 = tpu.memref_slice %arg10[%add3A_20, %dma_wait3A_251] : memref<10000x128xf32, #tpu.memory_space<vmem_shared>> -> memref<65x128xf32, #tpu.memory_space<vmem_shared>>
      %dma_wait3A_253 = arith.constant 0 : i32
      %dma_wait3A_254 = arith.constant 0 : i32
      %dma_wait3A_255 = tpu.memref_slice %arg9[%run_scoped3A, %dma_wait3A_253, %dma_wait3A_254] : memref<2x80x128xf32, #tpu.memory_space<vmem>> -> memref<1x65x128xf32, #tpu.memory_space<vmem>>
      %dma_wait3A_256 = tpu.memref_squeeze %dma_wait3A_255 : memref<1x65x128xf32, #tpu.memory_space<vmem>> -> memref<65x128xf32, #tpu.memory_space<vmem>>
      tpu.wait_dma2 semaphore(%run_scoped3A_232 : memref<!tpu.dma_semaphore, #tpu.memory_space<semaphore_mem>>) src(%dma_wait3A_256 : memref<65x128xf32, #tpu.memory_space<vmem>>) dst(%dma_wait3A_252 : memref<65x128xf32, #tpu.memory_space<vmem_shared>>)
      tpu.yield
    }) : () -> ()
    %barrier3A = arith.constant 0 : index
    tpu.barrier barrier_id(%barrier3A)
    %add3A_21 = arith.constant 0 : i32
    %add3A_22 = arith.addi %mul3A_2, %add3A_21 : i32
    %dma_start3A = arith.constant 0 : i32
    %dma_start3A_23 = arith.constant 0 : i32
    %dma_start3A_24 = tpu.memref_slice %arg6[%dma_start3A, %dma_start3A_23] : memref<4x80xi32, #tpu.memory_space<vmem>> -> memref<1x80xi32, #tpu.memory_space<vmem>>
    %dma_start3A_25 = tpu.memref_squeeze %dma_start3A_24 : memref<1x80xi32, #tpu.memory_space<vmem>> -> memref<80xi32, #tpu.memory_space<vmem>>
    %dma_start3A_26 = tpu.memref_slice %arg3[%add3A_22] : memref<640000xi32, #tpu.memory_space<hbm>> -> memref<80xi32, #tpu.memory_space<hbm>>
    %dma_start3A_27 = arith.constant 0 : i32
    %dma_start3A_28 = tpu.memref_slice %arg6[%dma_start3A, %dma_start3A_27] : memref<4x80xi32, #tpu.memory_space<vmem>> -> memref<1x80xi32, #tpu.memory_space<vmem>>
    %dma_start3A_29 = tpu.memref_squeeze %dma_start3A_28 : memref<1x80xi32, #tpu.memory_space<vmem>> -> memref<80xi32, #tpu.memory_space<vmem>>
    %dma_start3A_30 = tpu.memref_slice %arg3[%add3A_22] : memref<640000xi32, #tpu.memory_space<hbm>> -> memref<80xi32, #tpu.memory_space<hbm>>
    tpu.enqueue_dma source(%dma_start3A_30 : memref<80xi32, #tpu.memory_space<hbm>>) target(%dma_start3A_29 : memref<80xi32, #tpu.memory_space<vmem>>) target_semaphore(%arg11 : memref<!tpu.dma_semaphore, #tpu.memory_space<semaphore_mem>>)
    %add3A_31 = arith.constant 320000 : i32
    %add3A_32 = arith.addi %add3A_31, %mul3A_2 : i32
    %add3A_33 = arith.constant 0 : i32
    %add3A_34 = arith.addi %add3A_32, %add3A_33 : i32
    %add3A_35 = arith.constant 0 : i32
    %add3A_36 = arith.addi %add3A_34, %add3A_35 : i32
    %dma_start3A_37 = arith.constant 0 : i32
    %dma_start3A_38 = arith.constant 0 : i32
    %dma_start3A_39 = tpu.memref_slice %arg7[%dma_start3A_37, %dma_start3A_38] : memref<8x40xi32, #tpu.memory_space<vmem>> -> memref<1x40xi32, #tpu.memory_space<vmem>>
    %dma_start3A_40 = tpu.memref_squeeze %dma_start3A_39 : memref<1x40xi32, #tpu.memory_space<vmem>> -> memref<40xi32, #tpu.memory_space<vmem>>
    %dma_start3A_41 = tpu.memref_slice %arg3[%add3A_36] : memref<640000xi32, #tpu.memory_space<hbm>> -> memref<40xi32, #tpu.memory_space<hbm>>
    %dma_start3A_42 = arith.constant 0 : i32
    %dma_start3A_43 = tpu.memref_slice %arg7[%dma_start3A_37, %dma_start3A_42] : memref<8x40xi32, #tpu.memory_space<vmem>> -> memref<1x40xi32, #tpu.memory_space<vmem>>
    %dma_start3A_44 = tpu.memref_squeeze %dma_start3A_43 : memref<1x40xi32, #tpu.memory_space<vmem>> -> memref<40xi32, #tpu.memory_space<vmem>>
    %dma_start3A_45 = tpu.memref_slice %arg3[%add3A_36] : memref<640000xi32, #tpu.memory_space<hbm>> -> memref<40xi32, #tpu.memory_space<hbm>>
    tpu.enqueue_dma source(%dma_start3A_45 : memref<40xi32, #tpu.memory_space<hbm>>) target(%dma_start3A_44 : memref<40xi32, #tpu.memory_space<vmem>>) target_semaphore(%arg11 : memref<!tpu.dma_semaphore, #tpu.memory_space<semaphore_mem>>)
    %add3A_46 = arith.constant 320000 : i32
    %add3A_47 = arith.addi %add3A_46, %mul3A_2 : i32
    %add3A_48 = arith.constant 0 : i32
    %add3A_49 = arith.addi %add3A_47, %add3A_48 : i32
    %add3A_50 = arith.constant 40 : i32
    %add3A_51 = arith.addi %add3A_49, %add3A_50 : i32
    %dma_start3A_52 = arith.constant 1 : i32
    %dma_start3A_53 = arith.constant 0 : i32
    %dma_start3A_54 = tpu.memref_slice %arg7[%dma_start3A_52, %dma_start3A_53] : memref<8x40xi32, #tpu.memory_space<vmem>> -> memref<1x40xi32, #tpu.memory_space<vmem>>
    %dma_start3A_55 = tpu.memref_squeeze %dma_start3A_54 : memref<1x40xi32, #tpu.memory_space<vmem>> -> memref<40xi32, #tpu.memory_space<vmem>>
    %dma_start3A_56 = tpu.memref_slice %arg3[%add3A_51] : memref<640000xi32, #tpu.memory_space<hbm>> -> memref<40xi32, #tpu.memory_space<hbm>>
    %dma_start3A_57 = arith.constant 0 : i32
    %dma_start3A_58 = tpu.memref_slice %arg7[%dma_start3A_52, %dma_start3A_57] : memref<8x40xi32, #tpu.memory_space<vmem>> -> memref<1x40xi32, #tpu.memory_space<vmem>>
    %dma_start3A_59 = tpu.memref_squeeze %dma_start3A_58 : memref<1x40xi32, #tpu.memory_space<vmem>> -> memref<40xi32, #tpu.memory_space<vmem>>
    %dma_start3A_60 = tpu.memref_slice %arg3[%add3A_51] : memref<640000xi32, #tpu.memory_space<hbm>> -> memref<40xi32, #tpu.memory_space<hbm>>
    tpu.enqueue_dma source(%dma_start3A_60 : memref<40xi32, #tpu.memory_space<hbm>>) target(%dma_start3A_59 : memref<40xi32, #tpu.memory_space<vmem>>) target_semaphore(%arg11 : memref<!tpu.dma_semaphore, #tpu.memory_space<semaphore_mem>>)
    %add3A_61 = arith.constant 0 : i32
    %add3A_62 = arith.addi %mul3A_2, %add3A_61 : i32
    %dma_start3A_63 = arith.constant 0 : i32
    %dma_start3A_64 = arith.constant 0 : i32
    %dma_start3A_65 = tpu.memref_slice %arg8[%dma_start3A_63, %dma_start3A_64] : memref<4x80xf32, #tpu.memory_space<vmem>> -> memref<1x80xf32, #tpu.memory_space<vmem>>
    %dma_start3A_66 = tpu.memref_squeeze %dma_start3A_65 : memref<1x80xf32, #tpu.memory_space<vmem>> -> memref<80xf32, #tpu.memory_space<vmem>>
    %dma_start3A_67 = tpu.memref_slice %arg4[%add3A_62] : memref<320000xf32, #tpu.memory_space<hbm>> -> memref<80xf32, #tpu.memory_space<hbm>>
    %dma_start3A_68 = arith.constant 0 : i32
    %dma_start3A_69 = tpu.memref_slice %arg8[%dma_start3A_63, %dma_start3A_68] : memref<4x80xf32, #tpu.memory_space<vmem>> -> memref<1x80xf32, #tpu.memory_space<vmem>>
    %dma_start3A_70 = tpu.memref_squeeze %dma_start3A_69 : memref<1x80xf32, #tpu.memory_space<vmem>> -> memref<80xf32, #tpu.memory_space<vmem>>
    %dma_start3A_71 = tpu.memref_slice %arg4[%add3A_62] : memref<320000xf32, #tpu.memory_space<hbm>> -> memref<80xf32, #tpu.memory_space<hbm>>
    tpu.enqueue_dma source(%dma_start3A_71 : memref<80xf32, #tpu.memory_space<hbm>>) target(%dma_start3A_70 : memref<80xf32, #tpu.memory_space<vmem>>) target_semaphore(%arg11 : memref<!tpu.dma_semaphore, #tpu.memory_space<semaphore_mem>>)
    %add3A_72 = arith.constant 0 : i32
    %add3A_73 = arith.addi %mul3A_2, %add3A_72 : i32
    %dma_wait3A = arith.constant 0 : i32
    %dma_wait3A_74 = arith.constant 0 : i32
    %dma_wait3A_75 = tpu.memref_slice %arg6[%dma_wait3A, %dma_wait3A_74] : memref<4x80xi32, #tpu.memory_space<vmem>> -> memref<1x80xi32, #tpu.memory_space<vmem>>
    %dma_wait3A_76 = tpu.memref_squeeze %dma_wait3A_75 : memref<1x80xi32, #tpu.memory_space<vmem>> -> memref<80xi32, #tpu.memory_space<vmem>>
    %dma_wait3A_77 = tpu.memref_slice %arg3[%add3A_73] : memref<640000xi32, #tpu.memory_space<hbm>> -> memref<80xi32, #tpu.memory_space<hbm>>
    %dma_wait3A_78 = arith.constant 0 : i32
    %dma_wait3A_79 = tpu.memref_slice %arg6[%dma_wait3A, %dma_wait3A_78] : memref<4x80xi32, #tpu.memory_space<vmem>> -> memref<1x80xi32, #tpu.memory_space<vmem>>
    %dma_wait3A_80 = tpu.memref_squeeze %dma_wait3A_79 : memref<1x80xi32, #tpu.memory_space<vmem>> -> memref<80xi32, #tpu.memory_space<vmem>>
    %dma_wait3A_81 = tpu.memref_slice %arg3[%add3A_73] : memref<640000xi32, #tpu.memory_space<hbm>> -> memref<80xi32, #tpu.memory_space<hbm>>
    tpu.wait_dma2 semaphore(%arg11 : memref<!tpu.dma_semaphore, #tpu.memory_space<semaphore_mem>>) src(%dma_wait3A_81 : memref<80xi32, #tpu.memory_space<hbm>>) dst(%dma_wait3A_80 : memref<80xi32, #tpu.memory_space<vmem>>)
    %add3A_82 = arith.constant 320000 : i32
    %add3A_83 = arith.addi %add3A_82, %mul3A_2 : i32
    %add3A_84 = arith.constant 0 : i32
    %add3A_85 = arith.addi %add3A_83, %add3A_84 : i32
    %add3A_86 = arith.constant 0 : i32
    %add3A_87 = arith.addi %add3A_85, %add3A_86 : i32
    %dma_wait3A_88 = arith.constant 0 : i32
    %dma_wait3A_89 = arith.constant 0 : i32
    %dma_wait3A_90 = tpu.memref_slice %arg7[%dma_wait3A_88, %dma_wait3A_89] : memref<8x40xi32, #tpu.memory_space<vmem>> -> memref<1x40xi32, #tpu.memory_space<vmem>>
    %dma_wait3A_91 = tpu.memref_squeeze %dma_wait3A_90 : memref<1x40xi32, #tpu.memory_space<vmem>> -> memref<40xi32, #tpu.memory_space<vmem>>
    %dma_wait3A_92 = tpu.memref_slice %arg3[%add3A_87] : memref<640000xi32, #tpu.memory_space<hbm>> -> memref<40xi32, #tpu.memory_space<hbm>>
    %dma_wait3A_93 = arith.constant 0 : i32
    %dma_wait3A_94 = tpu.memref_slice %arg7[%dma_wait3A_88, %dma_wait3A_93] : memref<8x40xi32, #tpu.memory_space<vmem>> -> memref<1x40xi32, #tpu.memory_space<vmem>>
    %dma_wait3A_95 = tpu.memref_squeeze %dma_wait3A_94 : memref<1x40xi32, #tpu.memory_space<vmem>> -> memref<40xi32, #tpu.memory_space<vmem>>
    %dma_wait3A_96 = tpu.memref_slice %arg3[%add3A_87] : memref<640000xi32, #tpu.memory_space<hbm>> -> memref<40xi32, #tpu.memory_space<hbm>>
    tpu.wait_dma2 semaphore(%arg11 : memref<!tpu.dma_semaphore, #tpu.memory_space<semaphore_mem>>) src(%dma_wait3A_96 : memref<40xi32, #tpu.memory_space<hbm>>) dst(%dma_wait3A_95 : memref<40xi32, #tpu.memory_space<vmem>>)
    %add3A_97 = arith.constant 320000 : i32
    %add3A_98 = arith.addi %add3A_97, %mul3A_2 : i32
    %add3A_99 = arith.constant 0 : i32
    %add3A_100 = arith.addi %add3A_98, %add3A_99 : i32
    %add3A_101 = arith.constant 40 : i32
    %add3A_102 = arith.addi %add3A_100, %add3A_101 : i32
    %dma_wait3A_103 = arith.constant 1 : i32
    %dma_wait3A_104 = arith.constant 0 : i32
    %dma_wait3A_105 = tpu.memref_slice %arg7[%dma_wait3A_103, %dma_wait3A_104] : memref<8x40xi32, #tpu.memory_space<vmem>> -> memref<1x40xi32, #tpu.memory_space<vmem>>
    %dma_wait3A_106 = tpu.memref_squeeze %dma_wait3A_105 : memref<1x40xi32, #tpu.memory_space<vmem>> -> memref<40xi32, #tpu.memory_space<vmem>>
    %dma_wait3A_107 = tpu.memref_slice %arg3[%add3A_102] : memref<640000xi32, #tpu.memory_space<hbm>> -> memref<40xi32, #tpu.memory_space<hbm>>
    %dma_wait3A_108 = arith.constant 0 : i32
    %dma_wait3A_109 = tpu.memref_slice %arg7[%dma_wait3A_103, %dma_wait3A_108] : memref<8x40xi32, #tpu.memory_space<vmem>> -> memref<1x40xi32, #tpu.memory_space<vmem>>
    %dma_wait3A_110 = tpu.memref_squeeze %dma_wait3A_109 : memref<1x40xi32, #tpu.memory_space<vmem>> -> memref<40xi32, #tpu.memory_space<vmem>>
    %dma_wait3A_111 = tpu.memref_slice %arg3[%add3A_102] : memref<640000xi32, #tpu.memory_space<hbm>> -> memref<40xi32, #tpu.memory_space<hbm>>
    tpu.wait_dma2 semaphore(%arg11 : memref<!tpu.dma_semaphore, #tpu.memory_space<semaphore_mem>>) src(%dma_wait3A_111 : memref<40xi32, #tpu.memory_space<hbm>>) dst(%dma_wait3A_110 : memref<40xi32, #tpu.memory_space<vmem>>)
    %add3A_112 = arith.constant 0 : i32
    %add3A_113 = arith.addi %mul3A_2, %add3A_112 : i32
    %dma_wait3A_114 = arith.constant 0 : i32
    %dma_wait3A_115 = arith.constant 0 : i32
    %dma_wait3A_116 = tpu.memref_slice %arg8[%dma_wait3A_114, %dma_wait3A_115] : memref<4x80xf32, #tpu.memory_space<vmem>> -> memref<1x80xf32, #tpu.memory_space<vmem>>
    %dma_wait3A_117 = tpu.memref_squeeze %dma_wait3A_116 : memref<1x80xf32, #tpu.memory_space<vmem>> -> memref<80xf32, #tpu.memory_space<vmem>>
    %dma_wait3A_118 = tpu.memref_slice %arg4[%add3A_113] : memref<320000xf32, #tpu.memory_space<hbm>> -> memref<80xf32, #tpu.memory_space<hbm>>
    %dma_wait3A_119 = arith.constant 0 : i32
    %dma_wait3A_120 = tpu.memref_slice %arg8[%dma_wait3A_114, %dma_wait3A_119] : memref<4x80xf32, #tpu.memory_space<vmem>> -> memref<1x80xf32, #tpu.memory_space<vmem>>
    %dma_wait3A_121 = tpu.memref_squeeze %dma_wait3A_120 : memref<1x80xf32, #tpu.memory_space<vmem>> -> memref<80xf32, #tpu.memory_space<vmem>>
    %dma_wait3A_122 = tpu.memref_slice %arg4[%add3A_113] : memref<320000xf32, #tpu.memory_space<hbm>> -> memref<80xf32, #tpu.memory_space<hbm>>
    tpu.wait_dma2 semaphore(%arg11 : memref<!tpu.dma_semaphore, #tpu.memory_space<semaphore_mem>>) src(%dma_wait3A_122 : memref<80xf32, #tpu.memory_space<hbm>>) dst(%dma_wait3A_121 : memref<80xf32, #tpu.memory_space<vmem>>)
    %dma_start3A_123 = arith.constant 0 : i32
    %dma_start3A_124 = arith.constant 0 : i32
    %dma_start3A_125 = arith.constant 0 : i32
    %dma_start3A_126 = arith.constant 0 : i32
    %dma_start3A_127 = tpu.memref_slice %arg9[%dma_start3A_124, %dma_start3A_125, %dma_start3A_126] : memref<2x80x128xf32, #tpu.memory_space<vmem>> -> memref<1x80x128xf32, #tpu.memory_space<vmem>>
    %dma_start3A_128 = tpu.memref_squeeze %dma_start3A_127 : memref<1x80x128xf32, #tpu.memory_space<vmem>> -> memref<80x128xf32, #tpu.memory_space<vmem>>
    %dma_start3A_129 = arith.constant 0 : i32
    %dma_start3A_130 = tpu.memref_slice %arg6[%dma_start3A_123, %dma_start3A_129] : memref<4x80xi32, #tpu.memory_space<vmem>> -> memref<1x80xi32, #tpu.memory_space<vmem>>
    %dma_start3A_131 = tpu.memref_squeeze %dma_start3A_130 : memref<1x80xi32, #tpu.memory_space<vmem>> -> memref<80xi32, #tpu.memory_space<vmem>>
    %dma_start3A_132 = arith.constant 0 : i32
    %dma_start3A_133 = arith.constant 0 : i32
    %dma_start3A_134 = tpu.memref_slice %arg2[%dma_start3A_132, %dma_start3A_133] : memref<10000x128xf32, #tpu.memory_space<hbm>> -> memref<10000x128xf32, #tpu.memory_space<hbm>>
    tpu.enqueue_indirect_dma source(%dma_start3A_134 : memref<10000x128xf32, #tpu.memory_space<hbm>>) target(%dma_start3A_128 : memref<80x128xf32, #tpu.memory_space<vmem>>) offsets(%dma_start3A_131 : memref<80xi32, #tpu.memory_space<vmem>>) semaphore(%arg12 : memref<!tpu.dma_semaphore, #tpu.memory_space<semaphore_mem>>)
    %add3A_135 = arith.constant 80 : i32
    %add3A_136 = arith.addi %mul3A_2, %add3A_135 : i32
    %dma_start3A_137 = arith.constant 1 : i32
    %dma_start3A_138 = arith.constant 0 : i32
    %dma_start3A_139 = tpu.memref_slice %arg6[%dma_start3A_137, %dma_start3A_138] : memref<4x80xi32, #tpu.memory_space<vmem>> -> memref<1x80xi32, #tpu.memory_space<vmem>>
    %dma_start3A_140 = tpu.memref_squeeze %dma_start3A_139 : memref<1x80xi32, #tpu.memory_space<vmem>> -> memref<80xi32, #tpu.memory_space<vmem>>
    %dma_start3A_141 = tpu.memref_slice %arg3[%add3A_136] : memref<640000xi32, #tpu.memory_space<hbm>> -> memref<80xi32, #tpu.memory_space<hbm>>
    %dma_start3A_142 = arith.constant 0 : i32
    %dma_start3A_143 = tpu.memref_slice %arg6[%dma_start3A_137, %dma_start3A_142] : memref<4x80xi32, #tpu.memory_space<vmem>> -> memref<1x80xi32, #tpu.memory_space<vmem>>
    %dma_start3A_144 = tpu.memref_squeeze %dma_start3A_143 : memref<1x80xi32, #tpu.memory_space<vmem>> -> memref<80xi32, #tpu.memory_space<vmem>>
    %dma_start3A_145 = tpu.memref_slice %arg3[%add3A_136] : memref<640000xi32, #tpu.memory_space<hbm>> -> memref<80xi32, #tpu.memory_space<hbm>>
    tpu.enqueue_dma source(%dma_start3A_145 : memref<80xi32, #tpu.memory_space<hbm>>) target(%dma_start3A_144 : memref<80xi32, #tpu.memory_space<vmem>>) target_semaphore(%arg11 : memref<!tpu.dma_semaphore, #tpu.memory_space<semaphore_mem>>)
    %add3A_146 = arith.constant 320000 : i32
    %add3A_147 = arith.addi %add3A_146, %mul3A_2 : i32
    %add3A_148 = arith.constant 80 : i32
    %add3A_149 = arith.addi %add3A_147, %add3A_148 : i32
    %add3A_150 = arith.constant 0 : i32
    %add3A_151 = arith.addi %add3A_149, %add3A_150 : i32
    %dma_start3A_152 = arith.constant 2 : i32
    %dma_start3A_153 = arith.constant 0 : i32
    %dma_start3A_154 = tpu.memref_slice %arg7[%dma_start3A_152, %dma_start3A_153] : memref<8x40xi32, #tpu.memory_space<vmem>> -> memref<1x40xi32, #tpu.memory_space<vmem>>
    %dma_start3A_155 = tpu.memref_squeeze %dma_start3A_154 : memref<1x40xi32, #tpu.memory_space<vmem>> -> memref<40xi32, #tpu.memory_space<vmem>>
    %dma_start3A_156 = tpu.memref_slice %arg3[%add3A_151] : memref<640000xi32, #tpu.memory_space<hbm>> -> memref<40xi32, #tpu.memory_space<hbm>>
    %dma_start3A_157 = arith.constant 0 : i32
    %dma_start3A_158 = tpu.memref_slice %arg7[%dma_start3A_152, %dma_start3A_157] : memref<8x40xi32, #tpu.memory_space<vmem>> -> memref<1x40xi32, #tpu.memory_space<vmem>>
    %dma_start3A_159 = tpu.memref_squeeze %dma_start3A_158 : memref<1x40xi32, #tpu.memory_space<vmem>> -> memref<40xi32, #tpu.memory_space<vmem>>
    %dma_start3A_160 = tpu.memref_slice %arg3[%add3A_151] : memref<640000xi32, #tpu.memory_space<hbm>> -> memref<40xi32, #tpu.memory_space<hbm>>
    tpu.enqueue_dma source(%dma_start3A_160 : memref<40xi32, #tpu.memory_space<hbm>>) target(%dma_start3A_159 : memref<40xi32, #tpu.memory_space<vmem>>) target_semaphore(%arg11 : memref<!tpu.dma_semaphore, #tpu.memory_space<semaphore_mem>>)
    %add3A_161 = arith.constant 320000 : i32
    %add3A_162 = arith.addi %add3A_161, %mul3A_2 : i32
    %add3A_163 = arith.constant 80 : i32
    %add3A_164 = arith.addi %add3A_162, %add3A_163 : i32
    %add3A_165 = arith.constant 40 : i32
    %add3A_166 = arith.addi %add3A_164, %add3A_165 : i32
    %dma_start3A_167 = arith.constant 3 : i32
    %dma_start3A_168 = arith.constant 0 : i32
    %dma_start3A_169 = tpu.memref_slice %arg7[%dma_start3A_167, %dma_start3A_168] : memref<8x40xi32, #tpu.memory_space<vmem>> -> memref<1x40xi32, #tpu.memory_space<vmem>>
    %dma_start3A_170 = tpu.memref_squeeze %dma_start3A_169 : memref<1x40xi32, #tpu.memory_space<vmem>> -> memref<40xi32, #tpu.memory_space<vmem>>
    %dma_start3A_171 = tpu.memref_slice %arg3[%add3A_166] : memref<640000xi32, #tpu.memory_space<hbm>> -> memref<40xi32, #tpu.memory_space<hbm>>
    %dma_start3A_172 = arith.constant 0 : i32
    %dma_start3A_173 = tpu.memref_slice %arg7[%dma_start3A_167, %dma_start3A_172] : memref<8x40xi32, #tpu.memory_space<vmem>> -> memref<1x40xi32, #tpu.memory_space<vmem>>
    %dma_start3A_174 = tpu.memref_squeeze %dma_start3A_173 : memref<1x40xi32, #tpu.memory_space<vmem>> -> memref<40xi32, #tpu.memory_space<vmem>>
    %dma_start3A_175 = tpu.memref_slice %arg3[%add3A_166] : memref<640000xi32, #tpu.memory_space<hbm>> -> memref<40xi32, #tpu.memory_space<hbm>>
    tpu.enqueue_dma source(%dma_start3A_175 : memref<40xi32, #tpu.memory_space<hbm>>) target(%dma_start3A_174 : memref<40xi32, #tpu.memory_space<vmem>>) target_semaphore(%arg11 : memref<!tpu.dma_semaphore, #tpu.memory_space<semaphore_mem>>)
    %add3A_176 = arith.constant 80 : i32
    %add3A_177 = arith.addi %mul3A_2, %add3A_176 : i32
    %dma_start3A_178 = arith.constant 1 : i32
    %dma_start3A_179 = arith.constant 0 : i32
    %dma_start3A_180 = tpu.memref_slice %arg8[%dma_start3A_178, %dma_start3A_179] : memref<4x80xf32, #tpu.memory_space<vmem>> -> memref<1x80xf32, #tpu.memory_space<vmem>>
    %dma_start3A_181 = tpu.memref_squeeze %dma_start3A_180 : memref<1x80xf32, #tpu.memory_space<vmem>> -> memref<80xf32, #tpu.memory_space<vmem>>
    %dma_start3A_182 = tpu.memref_slice %arg4[%add3A_177] : memref<320000xf32, #tpu.memory_space<hbm>> -> memref<80xf32, #tpu.memory_space<hbm>>
    %dma_start3A_183 = arith.constant 0 : i32
    %dma_start3A_184 = tpu.memref_slice %arg8[%dma_start3A_178, %dma_start3A_183] : memref<4x80xf32, #tpu.memory_space<vmem>> -> memref<1x80xf32, #tpu.memory_space<vmem>>
    %dma_start3A_185 = tpu.memref_squeeze %dma_start3A_184 : memref<1x80xf32, #tpu.memory_space<vmem>> -> memref<80xf32, #tpu.memory_space<vmem>>
    %dma_start3A_186 = tpu.memref_slice %arg4[%add3A_177] : memref<320000xf32, #tpu.memory_space<hbm>> -> memref<80xf32, #tpu.memory_space<hbm>>
    tpu.enqueue_dma source(%dma_start3A_186 : memref<80xf32, #tpu.memory_space<hbm>>) target(%dma_start3A_185 : memref<80xf32, #tpu.memory_space<vmem>>) target_semaphore(%arg11 : memref<!tpu.dma_semaphore, #tpu.memory_space<semaphore_mem>>)
    %scan3A_187 = arith.constant 0 : i32
    %scan3A_188 = arith.constant 0 : i32
    %scan3A_189 = arith.constant 125 : i32
    %scan3A_190 = arith.addi %scan3A_188, %scan3A_189 : i32
    %scan3A_191 = arith.constant 1 : i32
    %scan3A_192 = scf.for %scan3A_232 = %scan3A_188 to %scan3A_190 step %scan3A_191 iter_args(%scan3A_233 = %scan3A_187) -> (i32)  : i32 {
      %rem3A_234 = arith.constant 2 : i32
      %rem3A_235 = arith.remsi %scan3A_232, %rem3A_234 : i32
      %sub3A = arith.constant 1 : i32
      %sub3A_236 = arith.subi %sub3A, %rem3A_235 : i32
      %rem3A_237 = arith.constant 4 : i32
      %rem3A_238 = arith.remsi %scan3A_232, %rem3A_237 : i32
      %add3A_239 = arith.constant 1 : i32
      %add3A_240 = arith.addi %scan3A_232, %add3A_239 : i32
      %rem3A_241 = arith.constant 4 : i32
      %rem3A_242 = arith.remsi %add3A_240, %rem3A_241 : i32
      %add3A_243 = arith.constant 2 : i32
      %add3A_244 = arith.addi %scan3A_232, %add3A_243 : i32
      %rem3A_245 = arith.constant 4 : i32
      %rem3A_246 = arith.remsi %add3A_244, %rem3A_245 : i32
      %dma_wait3A_247 = arith.constant 0 : i32
      %dma_wait3A_248 = arith.constant 0 : i32
      %dma_wait3A_249 = tpu.memref_slice %arg9[%rem3A_235, %dma_wait3A_247, %dma_wait3A_248] : memref<2x80x128xf32, #tpu.memory_space<vmem>> -> memref<1x80x128xf32, #tpu.memory_space<vmem>>
      %dma_wait3A_250 = tpu.memref_squeeze %dma_wait3A_249 : memref<1x80x128xf32, #tpu.memory_space<vmem>> -> memref<80x128xf32, #tpu.memory_space<vmem>>
      %dma_wait3A_251 = arith.constant 0 : i32
      %dma_wait3A_252 = tpu.memref_slice %arg6[%rem3A_238, %dma_wait3A_251] : memref<4x80xi32, #tpu.memory_space<vmem>> -> memref<1x80xi32, #tpu.memory_space<vmem>>
      %dma_wait3A_253 = tpu.memref_squeeze %dma_wait3A_252 : memref<1x80xi32, #tpu.memory_space<vmem>> -> memref<80xi32, #tpu.memory_space<vmem>>
      %dma_wait3A_254 = arith.constant 0 : i32
      %dma_wait3A_255 = arith.constant 0 : i32
      %dma_wait3A_256 = tpu.memref_slice %arg2[%dma_wait3A_254, %dma_wait3A_255] : memref<10000x128xf32, #tpu.memory_space<hbm>> -> memref<10000x128xf32, #tpu.memory_space<hbm>>
      tpu.wait_indirect_dma semaphore(%arg12 : memref<!tpu.dma_semaphore, #tpu.memory_space<semaphore_mem>>) src(%dma_wait3A_256 : memref<10000x128xf32, #tpu.memory_space<hbm>>) dst(%dma_wait3A_250 : memref<80x128xf32, #tpu.memory_space<vmem>>)
      %ge3A = arith.constant 1 : i32
      %ge3A_257 = arith.cmpi sge, %scan3A_232, %ge3A : i32
      %convert_element_type3A_258 = arith.extui %ge3A_257 : i1 to i32
      %cond3A_259 = arith.constant 0 : i32
      %cond3A_260 = arith.cmpi ne, %convert_element_type3A_258, %cond3A_259 : i32
      scf.if %cond3A_260 {
        %mul3A_318 = arith.constant 2 : i32
        %mul3A_319 = arith.muli %mul3A_318, %rem3A_242 : i32
        %add3A_320 = arith.constant 0 : i32
        %add3A_321 = arith.addi %mul3A_319, %add3A_320 : i32
        %dma_wait3A_322 = arith.constant 0 : i32
        %dma_wait3A_323 = arith.constant 0 : i32
        %dma_wait3A_324 = tpu.memref_slice %arg9[%sub3A_236, %dma_wait3A_322, %dma_wait3A_323] : memref<2x80x128xf32, #tpu.memory_space<vmem>> -> memref<1x40x128xf32, #tpu.memory_space<vmem>>
        %dma_wait3A_325 = tpu.memref_squeeze %dma_wait3A_324 : memref<1x40x128xf32, #tpu.memory_space<vmem>> -> memref<40x128xf32, #tpu.memory_space<vmem>>
        %dma_wait3A_326 = arith.constant 0 : i32
        %dma_wait3A_327 = tpu.memref_slice %arg7[%add3A_321, %dma_wait3A_326] : memref<8x40xi32, #tpu.memory_space<vmem>> -> memref<1x40xi32, #tpu.memory_space<vmem>>
        %dma_wait3A_328 = tpu.memref_squeeze %dma_wait3A_327 : memref<1x40xi32, #tpu.memory_space<vmem>> -> memref<40xi32, #tpu.memory_space<vmem>>
        %dma_wait3A_329 = arith.constant 0 : i32
        %dma_wait3A_330 = arith.constant 0 : i32
        %dma_wait3A_331 = tpu.memref_slice %arg10[%dma_wait3A_329, %dma_wait3A_330] : memref<10000x128xf32, #tpu.memory_space<vmem_shared>> -> memref<10000x128xf32, #tpu.memory_space<vmem_shared>>
        tpu.wait_indirect_dma semaphore(%arg13 : memref<!tpu.dma_semaphore, #tpu.memory_space<semaphore_mem>>) src(%dma_wait3A_325 : memref<40x128xf32, #tpu.memory_space<vmem>>) dst(%dma_wait3A_331 : memref<10000x128xf32, #tpu.memory_space<vmem_shared>>)
        %mul3A_332 = arith.constant 2 : i32
        %mul3A_333 = arith.muli %mul3A_332, %rem3A_242 : i32
        %add3A_334 = arith.constant 1 : i32
        %add3A_335 = arith.addi %mul3A_333, %add3A_334 : i32
        %dma_wait3A_336 = arith.constant 40 : i32
        %dma_wait3A_337 = arith.constant 0 : i32
        %dma_wait3A_338 = tpu.memref_slice %arg9[%sub3A_236, %dma_wait3A_336, %dma_wait3A_337] : memref<2x80x128xf32, #tpu.memory_space<vmem>> -> memref<1x40x128xf32, #tpu.memory_space<vmem>>
        %dma_wait3A_339 = tpu.memref_squeeze %dma_wait3A_338 : memref<1x40x128xf32, #tpu.memory_space<vmem>> -> memref<40x128xf32, #tpu.memory_space<vmem>>
        %dma_wait3A_340 = arith.constant 0 : i32
        %dma_wait3A_341 = tpu.memref_slice %arg7[%add3A_335, %dma_wait3A_340] : memref<8x40xi32, #tpu.memory_space<vmem>> -> memref<1x40xi32, #tpu.memory_space<vmem>>
        %dma_wait3A_342 = tpu.memref_squeeze %dma_wait3A_341 : memref<1x40xi32, #tpu.memory_space<vmem>> -> memref<40xi32, #tpu.memory_space<vmem>>
        %dma_wait3A_343 = arith.constant 0 : i32
        %dma_wait3A_344 = arith.constant 0 : i32
        %dma_wait3A_345 = tpu.memref_slice %arg10[%dma_wait3A_343, %dma_wait3A_344] : memref<10000x128xf32, #tpu.memory_space<vmem_shared>> -> memref<10000x128xf32, #tpu.memory_space<vmem_shared>>
        tpu.wait_indirect_dma semaphore(%arg13 : memref<!tpu.dma_semaphore, #tpu.memory_space<semaphore_mem>>) src(%dma_wait3A_339 : memref<40x128xf32, #tpu.memory_space<vmem>>) dst(%dma_wait3A_345 : memref<10000x128xf32, #tpu.memory_space<vmem_shared>>)
      } else {
      }
      %add3A_261 = arith.constant 1 : i32
      %add3A_262 = arith.addi %scan3A_232, %add3A_261 : i32
      %lt3A = arith.constant 125 : i32
      %lt3A_263 = arith.cmpi slt, %add3A_262, %lt3A : i32
      %convert_element_type3A_264 = arith.extui %lt3A_263 : i1 to i32
      %cond3A_265 = arith.constant 0 : i32
      %cond3A_266 = arith.cmpi ne, %convert_element_type3A_264, %cond3A_265 : i32
      scf.if %cond3A_266 {
        %add3A_318 = arith.constant 1 : i32
        %add3A_319 = arith.addi %scan3A_232, %add3A_318 : i32
        %mul3A_320 = arith.constant 80 : i32
        %mul3A_321 = arith.muli %add3A_319, %mul3A_320 : i32
        %add3A_322 = arith.addi %mul3A_2, %mul3A_321 : i32
        %dma_wait3A_323 = arith.constant 0 : i32
        %dma_wait3A_324 = tpu.memref_slice %arg6[%rem3A_242, %dma_wait3A_323] : memref<4x80xi32, #tpu.memory_space<vmem>> -> memref<1x80xi32, #tpu.memory_space<vmem>>
        %dma_wait3A_325 = tpu.memref_squeeze %dma_wait3A_324 : memref<1x80xi32, #tpu.memory_space<vmem>> -> memref<80xi32, #tpu.memory_space<vmem>>
        %dma_wait3A_326 = tpu.memref_slice %arg3[%add3A_322] : memref<640000xi32, #tpu.memory_space<hbm>> -> memref<80xi32, #tpu.memory_space<hbm>>
        %dma_wait3A_327 = arith.constant 0 : i32
        %dma_wait3A_328 = tpu.memref_slice %arg6[%rem3A_242, %dma_wait3A_327] : memref<4x80xi32, #tpu.memory_space<vmem>> -> memref<1x80xi32, #tpu.memory_space<vmem>>
        %dma_wait3A_329 = tpu.memref_squeeze %dma_wait3A_328 : memref<1x80xi32, #tpu.memory_space<vmem>> -> memref<80xi32, #tpu.memory_space<vmem>>
        %dma_wait3A_330 = tpu.memref_slice %arg3[%add3A_322] : memref<640000xi32, #tpu.memory_space<hbm>> -> memref<80xi32, #tpu.memory_space<hbm>>
        tpu.wait_dma2 semaphore(%arg11 : memref<!tpu.dma_semaphore, #tpu.memory_space<semaphore_mem>>) src(%dma_wait3A_330 : memref<80xi32, #tpu.memory_space<hbm>>) dst(%dma_wait3A_329 : memref<80xi32, #tpu.memory_space<vmem>>)
        %add3A_331 = arith.constant 320000 : i32
        %add3A_332 = arith.addi %add3A_331, %mul3A_2 : i32
        %mul3A_333 = arith.constant 80 : i32
        %mul3A_334 = arith.muli %add3A_319, %mul3A_333 : i32
        %add3A_335 = arith.addi %add3A_332, %mul3A_334 : i32
        %add3A_336 = arith.constant 0 : i32
        %add3A_337 = arith.addi %add3A_335, %add3A_336 : i32
        %mul3A_338 = arith.constant 2 : i32
        %mul3A_339 = arith.muli %mul3A_338, %rem3A_242 : i32
        %add3A_340 = arith.constant 0 : i32
        %add3A_341 = arith.addi %mul3A_339, %add3A_340 : i32
        %dma_wait3A_342 = arith.constant 0 : i32
        %dma_wait3A_343 = tpu.memref_slice %arg7[%add3A_341, %dma_wait3A_342] : memref<8x40xi32, #tpu.memory_space<vmem>> -> memref<1x40xi32, #tpu.memory_space<vmem>>
        %dma_wait3A_344 = tpu.memref_squeeze %dma_wait3A_343 : memref<1x40xi32, #tpu.memory_space<vmem>> -> memref<40xi32, #tpu.memory_space<vmem>>
        %dma_wait3A_345 = tpu.memref_slice %arg3[%add3A_337] : memref<640000xi32, #tpu.memory_space<hbm>> -> memref<40xi32, #tpu.memory_space<hbm>>
        %dma_wait3A_346 = arith.constant 0 : i32
        %dma_wait3A_347 = tpu.memref_slice %arg7[%add3A_341, %dma_wait3A_346] : memref<8x40xi32, #tpu.memory_space<vmem>> -> memref<1x40xi32, #tpu.memory_space<vmem>>
        %dma_wait3A_348 = tpu.memref_squeeze %dma_wait3A_347 : memref<1x40xi32, #tpu.memory_space<vmem>> -> memref<40xi32, #tpu.memory_space<vmem>>
        %dma_wait3A_349 = tpu.memref_slice %arg3[%add3A_337] : memref<640000xi32, #tpu.memory_space<hbm>> -> memref<40xi32, #tpu.memory_space<hbm>>
        tpu.wait_dma2 semaphore(%arg11 : memref<!tpu.dma_semaphore, #tpu.memory_space<semaphore_mem>>) src(%dma_wait3A_349 : memref<40xi32, #tpu.memory_space<hbm>>) dst(%dma_wait3A_348 : memref<40xi32, #tpu.memory_space<vmem>>)
        %add3A_350 = arith.constant 320000 : i32
        %add3A_351 = arith.addi %add3A_350, %mul3A_2 : i32
        %mul3A_352 = arith.constant 80 : i32
        %mul3A_353 = arith.muli %add3A_319, %mul3A_352 : i32
        %add3A_354 = arith.addi %add3A_351, %mul3A_353 : i32
        %add3A_355 = arith.constant 40 : i32
        %add3A_356 = arith.addi %add3A_354, %add3A_355 : i32
        %mul3A_357 = arith.constant 2 : i32
        %mul3A_358 = arith.muli %mul3A_357, %rem3A_242 : i32
        %add3A_359 = arith.constant 1 : i32
        %add3A_360 = arith.addi %mul3A_358, %add3A_359 : i32
        %dma_wait3A_361 = arith.constant 0 : i32
        %dma_wait3A_362 = tpu.memref_slice %arg7[%add3A_360, %dma_wait3A_361] : memref<8x40xi32, #tpu.memory_space<vmem>> -> memref<1x40xi32, #tpu.memory_space<vmem>>
        %dma_wait3A_363 = tpu.memref_squeeze %dma_wait3A_362 : memref<1x40xi32, #tpu.memory_space<vmem>> -> memref<40xi32, #tpu.memory_space<vmem>>
        %dma_wait3A_364 = tpu.memref_slice %arg3[%add3A_356] : memref<640000xi32, #tpu.memory_space<hbm>> -> memref<40xi32, #tpu.memory_space<hbm>>
        %dma_wait3A_365 = arith.constant 0 : i32
        %dma_wait3A_366 = tpu.memref_slice %arg7[%add3A_360, %dma_wait3A_365] : memref<8x40xi32, #tpu.memory_space<vmem>> -> memref<1x40xi32, #tpu.memory_space<vmem>>
        %dma_wait3A_367 = tpu.memref_squeeze %dma_wait3A_366 : memref<1x40xi32, #tpu.memory_space<vmem>> -> memref<40xi32, #tpu.memory_space<vmem>>
        %dma_wait3A_368 = tpu.memref_slice %arg3[%add3A_356] : memref<640000xi32, #tpu.memory_space<hbm>> -> memref<40xi32, #tpu.memory_space<hbm>>
        tpu.wait_dma2 semaphore(%arg11 : memref<!tpu.dma_semaphore, #tpu.memory_space<semaphore_mem>>) src(%dma_wait3A_368 : memref<40xi32, #tpu.memory_space<hbm>>) dst(%dma_wait3A_367 : memref<40xi32, #tpu.memory_space<vmem>>)
        %mul3A_369 = arith.constant 80 : i32
        %mul3A_370 = arith.muli %add3A_319, %mul3A_369 : i32
        %add3A_371 = arith.addi %mul3A_2, %mul3A_370 : i32
        %dma_wait3A_372 = arith.constant 0 : i32
        %dma_wait3A_373 = tpu.memref_slice %arg8[%rem3A_242, %dma_wait3A_372] : memref<4x80xf32, #tpu.memory_space<vmem>> -> memref<1x80xf32, #tpu.memory_space<vmem>>
        %dma_wait3A_374 = tpu.memref_squeeze %dma_wait3A_373 : memref<1x80xf32, #tpu.memory_space<vmem>> -> memref<80xf32, #tpu.memory_space<vmem>>
        %dma_wait3A_375 = tpu.memref_slice %arg4[%add3A_371] : memref<320000xf32, #tpu.memory_space<hbm>> -> memref<80xf32, #tpu.memory_space<hbm>>
        %dma_wait3A_376 = arith.constant 0 : i32
        %dma_wait3A_377 = tpu.memref_slice %arg8[%rem3A_242, %dma_wait3A_376] : memref<4x80xf32, #tpu.memory_space<vmem>> -> memref<1x80xf32, #tpu.memory_space<vmem>>
        %dma_wait3A_378 = tpu.memref_squeeze %dma_wait3A_377 : memref<1x80xf32, #tpu.memory_space<vmem>> -> memref<80xf32, #tpu.memory_space<vmem>>
        %dma_wait3A_379 = tpu.memref_slice %arg4[%add3A_371] : memref<320000xf32, #tpu.memory_space<hbm>> -> memref<80xf32, #tpu.memory_space<hbm>>
        tpu.wait_dma2 semaphore(%arg11 : memref<!tpu.dma_semaphore, #tpu.memory_space<semaphore_mem>>) src(%dma_wait3A_379 : memref<80xf32, #tpu.memory_space<hbm>>) dst(%dma_wait3A_378 : memref<80xf32, #tpu.memory_space<vmem>>)
        %dma_start3A_380 = arith.constant 0 : i32
        %dma_start3A_381 = arith.constant 0 : i32
        %dma_start3A_382 = tpu.memref_slice %arg9[%sub3A_236, %dma_start3A_380, %dma_start3A_381] : memref<2x80x128xf32, #tpu.memory_space<vmem>> -> memref<1x80x128xf32, #tpu.memory_space<vmem>>
        %dma_start3A_383 = tpu.memref_squeeze %dma_start3A_382 : memref<1x80x128xf32, #tpu.memory_space<vmem>> -> memref<80x128xf32, #tpu.memory_space<vmem>>
        %dma_start3A_384 = arith.constant 0 : i32
        %dma_start3A_385 = tpu.memref_slice %arg6[%rem3A_242, %dma_start3A_384] : memref<4x80xi32, #tpu.memory_space<vmem>> -> memref<1x80xi32, #tpu.memory_space<vmem>>
        %dma_start3A_386 = tpu.memref_squeeze %dma_start3A_385 : memref<1x80xi32, #tpu.memory_space<vmem>> -> memref<80xi32, #tpu.memory_space<vmem>>
        %dma_start3A_387 = arith.constant 0 : i32
        %dma_start3A_388 = arith.constant 0 : i32
        %dma_start3A_389 = tpu.memref_slice %arg2[%dma_start3A_387, %dma_start3A_388] : memref<10000x128xf32, #tpu.memory_space<hbm>> -> memref<10000x128xf32, #tpu.memory_space<hbm>>
        tpu.enqueue_indirect_dma source(%dma_start3A_389 : memref<10000x128xf32, #tpu.memory_space<hbm>>) target(%dma_start3A_383 : memref<80x128xf32, #tpu.memory_space<vmem>>) offsets(%dma_start3A_386 : memref<80xi32, #tpu.memory_space<vmem>>) semaphore(%arg12 : memref<!tpu.dma_semaphore, #tpu.memory_space<semaphore_mem>>)
      } else {
      }
      %add3A_267 = arith.constant 2 : i32
      %add3A_268 = arith.addi %scan3A_232, %add3A_267 : i32
      %lt3A_269 = arith.constant 125 : i32
      %lt3A_270 = arith.cmpi slt, %add3A_268, %lt3A_269 : i32
      %convert_element_type3A_271 = arith.extui %lt3A_270 : i1 to i32
      %cond3A_272 = arith.constant 0 : i32
      %cond3A_273 = arith.cmpi ne, %convert_element_type3A_271, %cond3A_272 : i32
      scf.if %cond3A_273 {
        %add3A_318 = arith.constant 2 : i32
        %add3A_319 = arith.addi %scan3A_232, %add3A_318 : i32
        %mul3A_320 = arith.constant 80 : i32
        %mul3A_321 = arith.muli %add3A_319, %mul3A_320 : i32
        %add3A_322 = arith.addi %mul3A_2, %mul3A_321 : i32
        %dma_start3A_323 = arith.constant 0 : i32
        %dma_start3A_324 = tpu.memref_slice %arg6[%rem3A_246, %dma_start3A_323] : memref<4x80xi32, #tpu.memory_space<vmem>> -> memref<1x80xi32, #tpu.memory_space<vmem>>
        %dma_start3A_325 = tpu.memref_squeeze %dma_start3A_324 : memref<1x80xi32, #tpu.memory_space<vmem>> -> memref<80xi32, #tpu.memory_space<vmem>>
        %dma_start3A_326 = tpu.memref_slice %arg3[%add3A_322] : memref<640000xi32, #tpu.memory_space<hbm>> -> memref<80xi32, #tpu.memory_space<hbm>>
        %dma_start3A_327 = arith.constant 0 : i32
        %dma_start3A_328 = tpu.memref_slice %arg6[%rem3A_246, %dma_start3A_327] : memref<4x80xi32, #tpu.memory_space<vmem>> -> memref<1x80xi32, #tpu.memory_space<vmem>>
        %dma_start3A_329 = tpu.memref_squeeze %dma_start3A_328 : memref<1x80xi32, #tpu.memory_space<vmem>> -> memref<80xi32, #tpu.memory_space<vmem>>
        %dma_start3A_330 = tpu.memref_slice %arg3[%add3A_322] : memref<640000xi32, #tpu.memory_space<hbm>> -> memref<80xi32, #tpu.memory_space<hbm>>
        tpu.enqueue_dma source(%dma_start3A_330 : memref<80xi32, #tpu.memory_space<hbm>>) target(%dma_start3A_329 : memref<80xi32, #tpu.memory_space<vmem>>) target_semaphore(%arg11 : memref<!tpu.dma_semaphore, #tpu.memory_space<semaphore_mem>>)
        %add3A_331 = arith.constant 320000 : i32
        %add3A_332 = arith.addi %add3A_331, %mul3A_2 : i32
        %mul3A_333 = arith.constant 80 : i32
        %mul3A_334 = arith.muli %add3A_319, %mul3A_333 : i32
        %add3A_335 = arith.addi %add3A_332, %mul3A_334 : i32
        %add3A_336 = arith.constant 0 : i32
        %add3A_337 = arith.addi %add3A_335, %add3A_336 : i32
        %mul3A_338 = arith.constant 2 : i32
        %mul3A_339 = arith.muli %mul3A_338, %rem3A_246 : i32
        %add3A_340 = arith.constant 0 : i32
        %add3A_341 = arith.addi %mul3A_339, %add3A_340 : i32
        %dma_start3A_342 = arith.constant 0 : i32
        %dma_start3A_343 = tpu.memref_slice %arg7[%add3A_341, %dma_start3A_342] : memref<8x40xi32, #tpu.memory_space<vmem>> -> memref<1x40xi32, #tpu.memory_space<vmem>>
        %dma_start3A_344 = tpu.memref_squeeze %dma_start3A_343 : memref<1x40xi32, #tpu.memory_space<vmem>> -> memref<40xi32, #tpu.memory_space<vmem>>
        %dma_start3A_345 = tpu.memref_slice %arg3[%add3A_337] : memref<640000xi32, #tpu.memory_space<hbm>> -> memref<40xi32, #tpu.memory_space<hbm>>
        %dma_start3A_346 = arith.constant 0 : i32
        %dma_start3A_347 = tpu.memref_slice %arg7[%add3A_341, %dma_start3A_346] : memref<8x40xi32, #tpu.memory_space<vmem>> -> memref<1x40xi32, #tpu.memory_space<vmem>>
        %dma_start3A_348 = tpu.memref_squeeze %dma_start3A_347 : memref<1x40xi32, #tpu.memory_space<vmem>> -> memref<40xi32, #tpu.memory_space<vmem>>
        %dma_start3A_349 = tpu.memref_slice %arg3[%add3A_337] : memref<640000xi32, #tpu.memory_space<hbm>> -> memref<40xi32, #tpu.memory_space<hbm>>
        tpu.enqueue_dma source(%dma_start3A_349 : memref<40xi32, #tpu.memory_space<hbm>>) target(%dma_start3A_348 : memref<40xi32, #tpu.memory_space<vmem>>) target_semaphore(%arg11 : memref<!tpu.dma_semaphore, #tpu.memory_space<semaphore_mem>>)
        %add3A_350 = arith.constant 320000 : i32
        %add3A_351 = arith.addi %add3A_350, %mul3A_2 : i32
        %mul3A_352 = arith.constant 80 : i32
        %mul3A_353 = arith.muli %add3A_319, %mul3A_352 : i32
        %add3A_354 = arith.addi %add3A_351, %mul3A_353 : i32
        %add3A_355 = arith.constant 40 : i32
        %add3A_356 = arith.addi %add3A_354, %add3A_355 : i32
        %mul3A_357 = arith.constant 2 : i32
        %mul3A_358 = arith.muli %mul3A_357, %rem3A_246 : i32
        %add3A_359 = arith.constant 1 : i32
        %add3A_360 = arith.addi %mul3A_358, %add3A_359 : i32
        %dma_start3A_361 = arith.constant 0 : i32
        %dma_start3A_362 = tpu.memref_slice %arg7[%add3A_360, %dma_start3A_361] : memref<8x40xi32, #tpu.memory_space<vmem>> -> memref<1x40xi32, #tpu.memory_space<vmem>>
        %dma_start3A_363 = tpu.memref_squeeze %dma_start3A_362 : memref<1x40xi32, #tpu.memory_space<vmem>> -> memref<40xi32, #tpu.memory_space<vmem>>
        %dma_start3A_364 = tpu.memref_slice %arg3[%add3A_356] : memref<640000xi32, #tpu.memory_space<hbm>> -> memref<40xi32, #tpu.memory_space<hbm>>
        %dma_start3A_365 = arith.constant 0 : i32
        %dma_start3A_366 = tpu.memref_slice %arg7[%add3A_360, %dma_start3A_365] : memref<8x40xi32, #tpu.memory_space<vmem>> -> memref<1x40xi32, #tpu.memory_space<vmem>>
        %dma_start3A_367 = tpu.memref_squeeze %dma_start3A_366 : memref<1x40xi32, #tpu.memory_space<vmem>> -> memref<40xi32, #tpu.memory_space<vmem>>
        %dma_start3A_368 = tpu.memref_slice %arg3[%add3A_356] : memref<640000xi32, #tpu.memory_space<hbm>> -> memref<40xi32, #tpu.memory_space<hbm>>
        tpu.enqueue_dma source(%dma_start3A_368 : memref<40xi32, #tpu.memory_space<hbm>>) target(%dma_start3A_367 : memref<40xi32, #tpu.memory_space<vmem>>) target_semaphore(%arg11 : memref<!tpu.dma_semaphore, #tpu.memory_space<semaphore_mem>>)
        %mul3A_369 = arith.constant 80 : i32
        %mul3A_370 = arith.muli %add3A_319, %mul3A_369 : i32
        %add3A_371 = arith.addi %mul3A_2, %mul3A_370 : i32
        %dma_start3A_372 = arith.constant 0 : i32
        %dma_start3A_373 = tpu.memref_slice %arg8[%rem3A_246, %dma_start3A_372] : memref<4x80xf32, #tpu.memory_space<vmem>> -> memref<1x80xf32, #tpu.memory_space<vmem>>
        %dma_start3A_374 = tpu.memref_squeeze %dma_start3A_373 : memref<1x80xf32, #tpu.memory_space<vmem>> -> memref<80xf32, #tpu.memory_space<vmem>>
        %dma_start3A_375 = tpu.memref_slice %arg4[%add3A_371] : memref<320000xf32, #tpu.memory_space<hbm>> -> memref<80xf32, #tpu.memory_space<hbm>>
        %dma_start3A_376 = arith.constant 0 : i32
        %dma_start3A_377 = tpu.memref_slice %arg8[%rem3A_246, %dma_start3A_376] : memref<4x80xf32, #tpu.memory_space<vmem>> -> memref<1x80xf32, #tpu.memory_space<vmem>>
        %dma_start3A_378 = tpu.memref_squeeze %dma_start3A_377 : memref<1x80xf32, #tpu.memory_space<vmem>> -> memref<80xf32, #tpu.memory_space<vmem>>
        %dma_start3A_379 = tpu.memref_slice %arg4[%add3A_371] : memref<320000xf32, #tpu.memory_space<hbm>> -> memref<80xf32, #tpu.memory_space<hbm>>
        tpu.enqueue_dma source(%dma_start3A_379 : memref<80xf32, #tpu.memory_space<hbm>>) target(%dma_start3A_378 : memref<80xf32, #tpu.memory_space<vmem>>) target_semaphore(%arg11 : memref<!tpu.dma_semaphore, #tpu.memory_space<semaphore_mem>>)
      } else {
      }
      %broadcast_in_dim3A_274 = vector.broadcast %rem3A_238 : i32 to vector<16xi32>
      %scan3A_275 = arith.constant 0 : i32
      %scan3A_276 = arith.constant 0 : i32
      %scan3A_277 = arith.constant 40 : i32
      %scan3A_278 = arith.addi %scan3A_276, %scan3A_277 : i32
      %scan3A_279 = arith.constant 5 : i32
      %scan3A_280 = scf.for %scan3A_318 = %scan3A_276 to %scan3A_278 step %scan3A_279 iter_args(%scan3A_319 = %scan3A_275) -> (i32)  : i32 {
        %broadcast_in_dim3A_320 = vector.broadcast %scan3A_318 : i32 to vector<16xi32>
        %gather3A = tpu.vector_load_idx %arg8[%broadcast_in_dim3A_274, %broadcast_in_dim3A_320] : memref<4x80xf32, #tpu.memory_space<vmem>>[vector<16xi32>, vector<16xi32>], vector<16xf32>,
        %get3A = arith.index_cast %rem3A_235 : i32 to index
        %get3A_321 = arith.index_cast %scan3A_318 : i32 to index
        %get3A_322 = arith.constant 0 : index
        %get3A_323 = tpu.vector_load %arg9[%get3A, %get3A_321, %get3A_322] {strides = array<i32>} : memref<2x80x128xf32, #tpu.memory_space<vmem>>, vector<16xf32>,
        %mul3A_324 = arith.mulf %get3A_323, %gather3A : vector<16xf32>
        %swap3A = arith.index_cast %rem3A_235 : i32 to index
        %swap3A_325 = arith.index_cast %scan3A_318 : i32 to index
        %swap3A_326 = arith.constant 0 : index
        %swap3A_327 = tpu.vector_load %arg9[%swap3A, %swap3A_325, %swap3A_326] {strides = array<i32>} : memref<2x80x128xf32, #tpu.memory_space<vmem>>, vector<16xf32>,
        tpu.vector_store %arg9[%swap3A, %swap3A_325, %swap3A_326], %mul3A_324 {strides = array<i32>} : memref<2x80x128xf32, #tpu.memory_space<vmem>>, vector<16xf32>,
        %get3A_328 = arith.index_cast %rem3A_235 : i32 to index
        %get3A_329 = arith.index_cast %scan3A_318 : i32 to index
        %get3A_330 = arith.constant 16 : index
        %get3A_331 = tpu.vector_load %arg9[%get3A_328, %get3A_329, %get3A_330] {strides = array<i32>} : memref<2x80x128xf32, #tpu.memory_space<vmem>>, vector<16xf32>,
        %mul3A_332 = arith.mulf %get3A_331, %gather3A : vector<16xf32>
        %swap3A_333 = arith.index_cast %rem3A_235 : i32 to index
        %swap3A_334 = arith.index_cast %scan3A_318 : i32 to index
        %swap3A_335 = arith.constant 16 : index
        %swap3A_336 = tpu.vector_load %arg9[%swap3A_333, %swap3A_334, %swap3A_335] {strides = array<i32>} : memref<2x80x128xf32, #tpu.memory_space<vmem>>, vector<16xf32>,
        tpu.vector_store %arg9[%swap3A_333, %swap3A_334, %swap3A_335], %mul3A_332 {strides = array<i32>} : memref<2x80x128xf32, #tpu.memory_space<vmem>>, vector<16xf32>,
        %get3A_337 = arith.index_cast %rem3A_235 : i32 to index
        %get3A_338 = arith.index_cast %scan3A_318 : i32 to index
        %get3A_339 = arith.constant 32 : index
        %get3A_340 = tpu.vector_load %arg9[%get3A_337, %get3A_338, %get3A_339] {strides = array<i32>} : memref<2x80x128xf32, #tpu.memory_space<vmem>>, vector<16xf32>,
        %mul3A_341 = arith.mulf %get3A_340, %gather3A : vector<16xf32>
        %swap3A_342 = arith.index_cast %rem3A_235 : i32 to index
        %swap3A_343 = arith.index_cast %scan3A_318 : i32 to index
        %swap3A_344 = arith.constant 32 : index
        %swap3A_345 = tpu.vector_load %arg9[%swap3A_342, %swap3A_343, %swap3A_344] {strides = array<i32>} : memref<2x80x128xf32, #tpu.memory_space<vmem>>, vector<16xf32>,
        tpu.vector_store %arg9[%swap3A_342, %swap3A_343, %swap3A_344], %mul3A_341 {strides = array<i32>} : memref<2x80x128xf32, #tpu.memory_space<vmem>>, vector<16xf32>,
        %get3A_346 = arith.index_cast %rem3A_235 : i32 to index
        %get3A_347 = arith.index_cast %scan3A_318 : i32 to index
        %get3A_348 = arith.constant 48 : index
        %get3A_349 = tpu.vector_load %arg9[%get3A_346, %get3A_347, %get3A_348] {strides = array<i32>} : memref<2x80x128xf32, #tpu.memory_space<vmem>>, vector<16xf32>,
        %mul3A_350 = arith.mulf %get3A_349, %gather3A : vector<16xf32>
        %swap3A_351 = arith.index_cast %rem3A_235 : i32 to index
        %swap3A_352 = arith.index_cast %scan3A_318 : i32 to index
        %swap3A_353 = arith.constant 48 : index
        %swap3A_354 = tpu.vector_load %arg9[%swap3A_351, %swap3A_352, %swap3A_353] {strides = array<i32>} : memref<2x80x128xf32, #tpu.memory_space<vmem>>, vector<16xf32>,
        tpu.vector_store %arg9[%swap3A_351, %swap3A_352, %swap3A_353], %mul3A_350 {strides = array<i32>} : memref<2x80x128xf32, #tpu.memory_space<vmem>>, vector<16xf32>,
        %get3A_355 = arith.index_cast %rem3A_235 : i32 to index
        %get3A_356 = arith.index_cast %scan3A_318 : i32 to index
        %get3A_357 = arith.constant 64 : index
        %get3A_358 = tpu.vector_load %arg9[%get3A_355, %get3A_356, %get3A_357] {strides = array<i32>} : memref<2x80x128xf32, #tpu.memory_space<vmem>>, vector<16xf32>,
        %mul3A_359 = arith.mulf %get3A_358, %gather3A : vector<16xf32>
        %swap3A_360 = arith.index_cast %rem3A_235 : i32 to index
        %swap3A_361 = arith.index_cast %scan3A_318 : i32 to index
        %swap3A_362 = arith.constant 64 : index
        %swap3A_363 = tpu.vector_load %arg9[%swap3A_360, %swap3A_361, %swap3A_362] {strides = array<i32>} : memref<2x80x128xf32, #tpu.memory_space<vmem>>, vector<16xf32>,
        tpu.vector_store %arg9[%swap3A_360, %swap3A_361, %swap3A_362], %mul3A_359 {strides = array<i32>} : memref<2x80x128xf32, #tpu.memory_space<vmem>>, vector<16xf32>,
        %get3A_364 = arith.index_cast %rem3A_235 : i32 to index
        %get3A_365 = arith.index_cast %scan3A_318 : i32 to index
        %get3A_366 = arith.constant 80 : index
        %get3A_367 = tpu.vector_load %arg9[%get3A_364, %get3A_365, %get3A_366] {strides = array<i32>} : memref<2x80x128xf32, #tpu.memory_space<vmem>>, vector<16xf32>,
        %mul3A_368 = arith.mulf %get3A_367, %gather3A : vector<16xf32>
        %swap3A_369 = arith.index_cast %rem3A_235 : i32 to index
        %swap3A_370 = arith.index_cast %scan3A_318 : i32 to index
        %swap3A_371 = arith.constant 80 : index
        %swap3A_372 = tpu.vector_load %arg9[%swap3A_369, %swap3A_370, %swap3A_371] {strides = array<i32>} : memref<2x80x128xf32, #tpu.memory_space<vmem>>, vector<16xf32>,
        tpu.vector_store %arg9[%swap3A_369, %swap3A_370, %swap3A_371], %mul3A_368 {strides = array<i32>} : memref<2x80x128xf32, #tpu.memory_space<vmem>>, vector<16xf32>,
        %get3A_373 = arith.index_cast %rem3A_235 : i32 to index
        %get3A_374 = arith.index_cast %scan3A_318 : i32 to index
        %get3A_375 = arith.constant 96 : index
        %get3A_376 = tpu.vector_load %arg9[%get3A_373, %get3A_374, %get3A_375] {strides = array<i32>} : memref<2x80x128xf32, #tpu.memory_space<vmem>>, vector<16xf32>,
        %mul3A_377 = arith.mulf %get3A_376, %gather3A : vector<16xf32>
        %swap3A_378 = arith.index_cast %rem3A_235 : i32 to index
        %swap3A_379 = arith.index_cast %scan3A_318 : i32 to index
        %swap3A_380 = arith.constant 96 : index
        %swap3A_381 = tpu.vector_load %arg9[%swap3A_378, %swap3A_379, %swap3A_380] {strides = array<i32>} : memref<2x80x128xf32, #tpu.memory_space<vmem>>, vector<16xf32>,
        tpu.vector_store %arg9[%swap3A_378, %swap3A_379, %swap3A_380], %mul3A_377 {strides = array<i32>} : memref<2x80x128xf32, #tpu.memory_space<vmem>>, vector<16xf32>,
        %get3A_382 = arith.index_cast %rem3A_235 : i32 to index
        %get3A_383 = arith.index_cast %scan3A_318 : i32 to index
        %get3A_384 = arith.constant 112 : index
        %get3A_385 = tpu.vector_load %arg9[%get3A_382, %get3A_383, %get3A_384] {strides = array<i32>} : memref<2x80x128xf32, #tpu.memory_space<vmem>>, vector<16xf32>,
        %mul3A_386 = arith.mulf %get3A_385, %gather3A : vector<16xf32>
        %swap3A_387 = arith.index_cast %rem3A_235 : i32 to index
        %swap3A_388 = arith.index_cast %scan3A_318 : i32 to index
        %swap3A_389 = arith.constant 112 : index
        %swap3A_390 = tpu.vector_load %arg9[%swap3A_387, %swap3A_388, %swap3A_389] {strides = array<i32>} : memref<2x80x128xf32, #tpu.memory_space<vmem>>, vector<16xf32>,
        tpu.vector_store %arg9[%swap3A_387, %swap3A_388, %swap3A_389], %mul3A_386 {strides = array<i32>} : memref<2x80x128xf32, #tpu.memory_space<vmem>>, vector<16xf32>,
        %scan3A_391 = arith.constant 0 : i32
        %scan3A_392 = arith.constant 1 : i32
        %scan3A_393 = arith.addi %scan3A_318, %scan3A_392 : i32
        %broadcast_in_dim3A_394 = vector.broadcast %scan3A_393 : i32 to vector<16xi32>
        %gather3A_395 = tpu.vector_load_idx %arg8[%broadcast_in_dim3A_274, %broadcast_in_dim3A_394] : memref<4x80xf32, #tpu.memory_space<vmem>>[vector<16xi32>, vector<16xi32>], vector<16xf32>,
        %get3A_396 = arith.index_cast %rem3A_235 : i32 to index
        %get3A_397 = arith.index_cast %scan3A_393 : i32 to index
        %get3A_398 = arith.constant 0 : index
        %get3A_399 = tpu.vector_load %arg9[%get3A_396, %get3A_397, %get3A_398] {strides = array<i32>} : memref<2x80x128xf32, #tpu.memory_space<vmem>>, vector<16xf32>,
        %mul3A_400 = arith.mulf %get3A_399, %gather3A_395 : vector<16xf32>
        %swap3A_401 = arith.index_cast %rem3A_235 : i32 to index
        %swap3A_402 = arith.index_cast %scan3A_393 : i32 to index
        %swap3A_403 = arith.constant 0 : index
        %swap3A_404 = tpu.vector_load %arg9[%swap3A_401, %swap3A_402, %swap3A_403] {strides = array<i32>} : memref<2x80x128xf32, #tpu.memory_space<vmem>>, vector<16xf32>,
        tpu.vector_store %arg9[%swap3A_401, %swap3A_402, %swap3A_403], %mul3A_400 {strides = array<i32>} : memref<2x80x128xf32, #tpu.memory_space<vmem>>, vector<16xf32>,
        %get3A_405 = arith.index_cast %rem3A_235 : i32 to index
        %get3A_406 = arith.index_cast %scan3A_393 : i32 to index
        %get3A_407 = arith.constant 16 : index
        %get3A_408 = tpu.vector_load %arg9[%get3A_405, %get3A_406, %get3A_407] {strides = array<i32>} : memref<2x80x128xf32, #tpu.memory_space<vmem>>, vector<16xf32>,
        %mul3A_409 = arith.mulf %get3A_408, %gather3A_395 : vector<16xf32>
        %swap3A_410 = arith.index_cast %rem3A_235 : i32 to index
        %swap3A_411 = arith.index_cast %scan3A_393 : i32 to index
        %swap3A_412 = arith.constant 16 : index
        %swap3A_413 = tpu.vector_load %arg9[%swap3A_410, %swap3A_411, %swap3A_412] {strides = array<i32>} : memref<2x80x128xf32, #tpu.memory_space<vmem>>, vector<16xf32>,
        tpu.vector_store %arg9[%swap3A_410, %swap3A_411, %swap3A_412], %mul3A_409 {strides = array<i32>} : memref<2x80x128xf32, #tpu.memory_space<vmem>>, vector<16xf32>,
        %get3A_414 = arith.index_cast %rem3A_235 : i32 to index
        %get3A_415 = arith.index_cast %scan3A_393 : i32 to index
        %get3A_416 = arith.constant 32 : index
        %get3A_417 = tpu.vector_load %arg9[%get3A_414, %get3A_415, %get3A_416] {strides = array<i32>} : memref<2x80x128xf32, #tpu.memory_space<vmem>>, vector<16xf32>,
        %mul3A_418 = arith.mulf %get3A_417, %gather3A_395 : vector<16xf32>
        %swap3A_419 = arith.index_cast %rem3A_235 : i32 to index
        %swap3A_420 = arith.index_cast %scan3A_393 : i32 to index
        %swap3A_421 = arith.constant 32 : index
        %swap3A_422 = tpu.vector_load %arg9[%swap3A_419, %swap3A_420, %swap3A_421] {strides = array<i32>} : memref<2x80x128xf32, #tpu.memory_space<vmem>>, vector<16xf32>,
        tpu.vector_store %arg9[%swap3A_419, %swap3A_420, %swap3A_421], %mul3A_418 {strides = array<i32>} : memref<2x80x128xf32, #tpu.memory_space<vmem>>, vector<16xf32>,
        %get3A_423 = arith.index_cast %rem3A_235 : i32 to index
        %get3A_424 = arith.index_cast %scan3A_393 : i32 to index
        %get3A_425 = arith.constant 48 : index
        %get3A_426 = tpu.vector_load %arg9[%get3A_423, %get3A_424, %get3A_425] {strides = array<i32>} : memref<2x80x128xf32, #tpu.memory_space<vmem>>, vector<16xf32>,
        %mul3A_427 = arith.mulf %get3A_426, %gather3A_395 : vector<16xf32>
        %swap3A_428 = arith.index_cast %rem3A_235 : i32 to index
        %swap3A_429 = arith.index_cast %scan3A_393 : i32 to index
        %swap3A_430 = arith.constant 48 : index
        %swap3A_431 = tpu.vector_load %arg9[%swap3A_428, %swap3A_429, %swap3A_430] {strides = array<i32>} : memref<2x80x128xf32, #tpu.memory_space<vmem>>, vector<16xf32>,
        tpu.vector_store %arg9[%swap3A_428, %swap3A_429, %swap3A_430], %mul3A_427 {strides = array<i32>} : memref<2x80x128xf32, #tpu.memory_space<vmem>>, vector<16xf32>,
        %get3A_432 = arith.index_cast %rem3A_235 : i32 to index
        %get3A_433 = arith.index_cast %scan3A_393 : i32 to index
        %get3A_434 = arith.constant 64 : index
        %get3A_435 = tpu.vector_load %arg9[%get3A_432, %get3A_433, %get3A_434] {strides = array<i32>} : memref<2x80x128xf32, #tpu.memory_space<vmem>>, vector<16xf32>,
        %mul3A_436 = arith.mulf %get3A_435, %gather3A_395 : vector<16xf32>
        %swap3A_437 = arith.index_cast %rem3A_235 : i32 to index
        %swap3A_438 = arith.index_cast %scan3A_393 : i32 to index
        %swap3A_439 = arith.constant 64 : index
        %swap3A_440 = tpu.vector_load %arg9[%swap3A_437, %swap3A_438, %swap3A_439] {strides = array<i32>} : memref<2x80x128xf32, #tpu.memory_space<vmem>>, vector<16xf32>,
        tpu.vector_store %arg9[%swap3A_437, %swap3A_438, %swap3A_439], %mul3A_436 {strides = array<i32>} : memref<2x80x128xf32, #tpu.memory_space<vmem>>, vector<16xf32>,
        %get3A_441 = arith.index_cast %rem3A_235 : i32 to index
        %get3A_442 = arith.index_cast %scan3A_393 : i32 to index
        %get3A_443 = arith.constant 80 : index
        %get3A_444 = tpu.vector_load %arg9[%get3A_441, %get3A_442, %get3A_443] {strides = array<i32>} : memref<2x80x128xf32, #tpu.memory_space<vmem>>, vector<16xf32>,
        %mul3A_445 = arith.mulf %get3A_444, %gather3A_395 : vector<16xf32>
        %swap3A_446 = arith.index_cast %rem3A_235 : i32 to index
        %swap3A_447 = arith.index_cast %scan3A_393 : i32 to index
        %swap3A_448 = arith.constant 80 : index
        %swap3A_449 = tpu.vector_load %arg9[%swap3A_446, %swap3A_447, %swap3A_448] {strides = array<i32>} : memref<2x80x128xf32, #tpu.memory_space<vmem>>, vector<16xf32>,
        tpu.vector_store %arg9[%swap3A_446, %swap3A_447, %swap3A_448], %mul3A_445 {strides = array<i32>} : memref<2x80x128xf32, #tpu.memory_space<vmem>>, vector<16xf32>,
        %get3A_450 = arith.index_cast %rem3A_235 : i32 to index
        %get3A_451 = arith.index_cast %scan3A_393 : i32 to index
        %get3A_452 = arith.constant 96 : index
        %get3A_453 = tpu.vector_load %arg9[%get3A_450, %get3A_451, %get3A_452] {strides = array<i32>} : memref<2x80x128xf32, #tpu.memory_space<vmem>>, vector<16xf32>,
        %mul3A_454 = arith.mulf %get3A_453, %gather3A_395 : vector<16xf32>
        %swap3A_455 = arith.index_cast %rem3A_235 : i32 to index
        %swap3A_456 = arith.index_cast %scan3A_393 : i32 to index
        %swap3A_457 = arith.constant 96 : index
        %swap3A_458 = tpu.vector_load %arg9[%swap3A_455, %swap3A_456, %swap3A_457] {strides = array<i32>} : memref<2x80x128xf32, #tpu.memory_space<vmem>>, vector<16xf32>,
        tpu.vector_store %arg9[%swap3A_455, %swap3A_456, %swap3A_457], %mul3A_454 {strides = array<i32>} : memref<2x80x128xf32, #tpu.memory_space<vmem>>, vector<16xf32>,
        %get3A_459 = arith.index_cast %rem3A_235 : i32 to index
        %get3A_460 = arith.index_cast %scan3A_393 : i32 to index
        %get3A_461 = arith.constant 112 : index
        %get3A_462 = tpu.vector_load %arg9[%get3A_459, %get3A_460, %get3A_461] {strides = array<i32>} : memref<2x80x128xf32, #tpu.memory_space<vmem>>, vector<16xf32>,
        %mul3A_463 = arith.mulf %get3A_462, %gather3A_395 : vector<16xf32>
        %swap3A_464 = arith.index_cast %rem3A_235 : i32 to index
        %swap3A_465 = arith.index_cast %scan3A_393 : i32 to index
        %swap3A_466 = arith.constant 112 : index
        %swap3A_467 = tpu.vector_load %arg9[%swap3A_464, %swap3A_465, %swap3A_466] {strides = array<i32>} : memref<2x80x128xf32, #tpu.memory_space<vmem>>, vector<16xf32>,
        tpu.vector_store %arg9[%swap3A_464, %swap3A_465, %swap3A_466], %mul3A_463 {strides = array<i32>} : memref<2x80x128xf32, #tpu.memory_space<vmem>>, vector<16xf32>,
        %scan3A_468 = arith.constant 0 : i32
        %scan3A_469 = arith.constant 2 : i32
        %scan3A_470 = arith.addi %scan3A_318, %scan3A_469 : i32
        %broadcast_in_dim3A_471 = vector.broadcast %scan3A_470 : i32 to vector<16xi32>
        %gather3A_472 = tpu.vector_load_idx %arg8[%broadcast_in_dim3A_274, %broadcast_in_dim3A_471] : memref<4x80xf32, #tpu.memory_space<vmem>>[vector<16xi32>, vector<16xi32>], vector<16xf32>,
        %get3A_473 = arith.index_cast %rem3A_235 : i32 to index
        %get3A_474 = arith.index_cast %scan3A_470 : i32 to index
        %get3A_475 = arith.constant 0 : index
        %get3A_476 = tpu.vector_load %arg9[%get3A_473, %get3A_474, %get3A_475] {strides = array<i32>} : memref<2x80x128xf32, #tpu.memory_space<vmem>>, vector<16xf32>,
        %mul3A_477 = arith.mulf %get3A_476, %gather3A_472 : vector<16xf32>
        %swap3A_478 = arith.index_cast %rem3A_235 : i32 to index
        %swap3A_479 = arith.index_cast %scan3A_470 : i32 to index
        %swap3A_480 = arith.constant 0 : index
        %swap3A_481 = tpu.vector_load %arg9[%swap3A_478, %swap3A_479, %swap3A_480] {strides = array<i32>} : memref<2x80x128xf32, #tpu.memory_space<vmem>>, vector<16xf32>,
        tpu.vector_store %arg9[%swap3A_478, %swap3A_479, %swap3A_480], %mul3A_477 {strides = array<i32>} : memref<2x80x128xf32, #tpu.memory_space<vmem>>, vector<16xf32>,
        %get3A_482 = arith.index_cast %rem3A_235 : i32 to index
        %get3A_483 = arith.index_cast %scan3A_470 : i32 to index
        %get3A_484 = arith.constant 16 : index
        %get3A_485 = tpu.vector_load %arg9[%get3A_482, %get3A_483, %get3A_484] {strides = array<i32>} : memref<2x80x128xf32, #tpu.memory_space<vmem>>, vector<16xf32>,
        %mul3A_486 = arith.mulf %get3A_485, %gather3A_472 : vector<16xf32>
        %swap3A_487 = arith.index_cast %rem3A_235 : i32 to index
        %swap3A_488 = arith.index_cast %scan3A_470 : i32 to index
        %swap3A_489 = arith.constant 16 : index
        %swap3A_490 = tpu.vector_load %arg9[%swap3A_487, %swap3A_488, %swap3A_489] {strides = array<i32>} : memref<2x80x128xf32, #tpu.memory_space<vmem>>, vector<16xf32>,
        tpu.vector_store %arg9[%swap3A_487, %swap3A_488, %swap3A_489], %mul3A_486 {strides = array<i32>} : memref<2x80x128xf32, #tpu.memory_space<vmem>>, vector<16xf32>,
        %get3A_491 = arith.index_cast %rem3A_235 : i32 to index
        %get3A_492 = arith.index_cast %scan3A_470 : i32 to index
        %get3A_493 = arith.constant 32 : index
        %get3A_494 = tpu.vector_load %arg9[%get3A_491, %get3A_492, %get3A_493] {strides = array<i32>} : memref<2x80x128xf32, #tpu.memory_space<vmem>>, vector<16xf32>,
        %mul3A_495 = arith.mulf %get3A_494, %gather3A_472 : vector<16xf32>
        %swap3A_496 = arith.index_cast %rem3A_235 : i32 to index
        %swap3A_497 = arith.index_cast %scan3A_470 : i32 to index
        %swap3A_498 = arith.constant 32 : index
        %swap3A_499 = tpu.vector_load %arg9[%swap3A_496, %swap3A_497, %swap3A_498] {strides = array<i32>} : memref<2x80x128xf32, #tpu.memory_space<vmem>>, vector<16xf32>,
        tpu.vector_store %arg9[%swap3A_496, %swap3A_497, %swap3A_498], %mul3A_495 {strides = array<i32>} : memref<2x80x128xf32, #tpu.memory_space<vmem>>, vector<16xf32>,
        %get3A_500 = arith.index_cast %rem3A_235 : i32 to index
        %get3A_501 = arith.index_cast %scan3A_470 : i32 to index
        %get3A_502 = arith.constant 48 : index
        %get3A_503 = tpu.vector_load %arg9[%get3A_500, %get3A_501, %get3A_502] {strides = array<i32>} : memref<2x80x128xf32, #tpu.memory_space<vmem>>, vector<16xf32>,
        %mul3A_504 = arith.mulf %get3A_503, %gather3A_472 : vector<16xf32>
        %swap3A_505 = arith.index_cast %rem3A_235 : i32 to index
        %swap3A_506 = arith.index_cast %scan3A_470 : i32 to index
        %swap3A_507 = arith.constant 48 : index
        %swap3A_508 = tpu.vector_load %arg9[%swap3A_505, %swap3A_506, %swap3A_507] {strides = array<i32>} : memref<2x80x128xf32, #tpu.memory_space<vmem>>, vector<16xf32>,
        tpu.vector_store %arg9[%swap3A_505, %swap3A_506, %swap3A_507], %mul3A_504 {strides = array<i32>} : memref<2x80x128xf32, #tpu.memory_space<vmem>>, vector<16xf32>,
        %get3A_509 = arith.index_cast %rem3A_235 : i32 to index
        %get3A_510 = arith.index_cast %scan3A_470 : i32 to index
        %get3A_511 = arith.constant 64 : index
        %get3A_512 = tpu.vector_load %arg9[%get3A_509, %get3A_510, %get3A_511] {strides = array<i32>} : memref<2x80x128xf32, #tpu.memory_space<vmem>>, vector<16xf32>,
        %mul3A_513 = arith.mulf %get3A_512, %gather3A_472 : vector<16xf32>
        %swap3A_514 = arith.index_cast %rem3A_235 : i32 to index
        %swap3A_515 = arith.index_cast %scan3A_470 : i32 to index
        %swap3A_516 = arith.constant 64 : index
        %swap3A_517 = tpu.vector_load %arg9[%swap3A_514, %swap3A_515, %swap3A_516] {strides = array<i32>} : memref<2x80x128xf32, #tpu.memory_space<vmem>>, vector<16xf32>,
        tpu.vector_store %arg9[%swap3A_514, %swap3A_515, %swap3A_516], %mul3A_513 {strides = array<i32>} : memref<2x80x128xf32, #tpu.memory_space<vmem>>, vector<16xf32>,
        %get3A_518 = arith.index_cast %rem3A_235 : i32 to index
        %get3A_519 = arith.index_cast %scan3A_470 : i32 to index
        %get3A_520 = arith.constant 80 : index
        %get3A_521 = tpu.vector_load %arg9[%get3A_518, %get3A_519, %get3A_520] {strides = array<i32>} : memref<2x80x128xf32, #tpu.memory_space<vmem>>, vector<16xf32>,
        %mul3A_522 = arith.mulf %get3A_521, %gather3A_472 : vector<16xf32>
        %swap3A_523 = arith.index_cast %rem3A_235 : i32 to index
        %swap3A_524 = arith.index_cast %scan3A_470 : i32 to index
        %swap3A_525 = arith.constant 80 : index
        %swap3A_526 = tpu.vector_load %arg9[%swap3A_523, %swap3A_524, %swap3A_525] {strides = array<i32>} : memref<2x80x128xf32, #tpu.memory_space<vmem>>, vector<16xf32>,
        tpu.vector_store %arg9[%swap3A_523, %swap3A_524, %swap3A_525], %mul3A_522 {strides = array<i32>} : memref<2x80x128xf32, #tpu.memory_space<vmem>>, vector<16xf32>,
        %get3A_527 = arith.index_cast %rem3A_235 : i32 to index
        %get3A_528 = arith.index_cast %scan3A_470 : i32 to index
        %get3A_529 = arith.constant 96 : index
        %get3A_530 = tpu.vector_load %arg9[%get3A_527, %get3A_528, %get3A_529] {strides = array<i32>} : memref<2x80x128xf32, #tpu.memory_space<vmem>>, vector<16xf32>,
        %mul3A_531 = arith.mulf %get3A_530, %gather3A_472 : vector<16xf32>
        %swap3A_532 = arith.index_cast %rem3A_235 : i32 to index
        %swap3A_533 = arith.index_cast %scan3A_470 : i32 to index
        %swap3A_534 = arith.constant 96 : index
        %swap3A_535 = tpu.vector_load %arg9[%swap3A_532, %swap3A_533, %swap3A_534] {strides = array<i32>} : memref<2x80x128xf32, #tpu.memory_space<vmem>>, vector<16xf32>,
        tpu.vector_store %arg9[%swap3A_532, %swap3A_533, %swap3A_534], %mul3A_531 {strides = array<i32>} : memref<2x80x128xf32, #tpu.memory_space<vmem>>, vector<16xf32>,
        %get3A_536 = arith.index_cast %rem3A_235 : i32 to index
        %get3A_537 = arith.index_cast %scan3A_470 : i32 to index
        %get3A_538 = arith.constant 112 : index
        %get3A_539 = tpu.vector_load %arg9[%get3A_536, %get3A_537, %get3A_538] {strides = array<i32>} : memref<2x80x128xf32, #tpu.memory_space<vmem>>, vector<16xf32>,
        %mul3A_540 = arith.mulf %get3A_539, %gather3A_472 : vector<16xf32>
        %swap3A_541 = arith.index_cast %rem3A_235 : i32 to index
        %swap3A_542 = arith.index_cast %scan3A_470 : i32 to index
        %swap3A_543 = arith.constant 112 : index
        %swap3A_544 = tpu.vector_load %arg9[%swap3A_541, %swap3A_542, %swap3A_543] {strides = array<i32>} : memref<2x80x128xf32, #tpu.memory_space<vmem>>, vector<16xf32>,
        tpu.vector_store %arg9[%swap3A_541, %swap3A_542, %swap3A_543], %mul3A_540 {strides = array<i32>} : memref<2x80x128xf32, #tpu.memory_space<vmem>>, vector<16xf32>,
        %scan3A_545 = arith.constant 0 : i32
        %scan3A_546 = arith.constant 3 : i32
        %scan3A_547 = arith.addi %scan3A_318, %scan3A_546 : i32
        %broadcast_in_dim3A_548 = vector.broadcast %scan3A_547 : i32 to vector<16xi32>
        %gather3A_549 = tpu.vector_load_idx %arg8[%broadcast_in_dim3A_274, %broadcast_in_dim3A_548] : memref<4x80xf32, #tpu.memory_space<vmem>>[vector<16xi32>, vector<16xi32>], vector<16xf32>,
        %get3A_550 = arith.index_cast %rem3A_235 : i32 to index
        %get3A_551 = arith.index_cast %scan3A_547 : i32 to index
        %get3A_552 = arith.constant 0 : index
        %get3A_553 = tpu.vector_load %arg9[%get3A_550, %get3A_551, %get3A_552] {strides = array<i32>} : memref<2x80x128xf32, #tpu.memory_space<vmem>>, vector<16xf32>,
        %mul3A_554 = arith.mulf %get3A_553, %gather3A_549 : vector<16xf32>
        %swap3A_555 = arith.index_cast %rem3A_235 : i32 to index
        %swap3A_556 = arith.index_cast %scan3A_547 : i32 to index
        %swap3A_557 = arith.constant 0 : index
        %swap3A_558 = tpu.vector_load %arg9[%swap3A_555, %swap3A_556, %swap3A_557] {strides = array<i32>} : memref<2x80x128xf32, #tpu.memory_space<vmem>>, vector<16xf32>,
        tpu.vector_store %arg9[%swap3A_555, %swap3A_556, %swap3A_557], %mul3A_554 {strides = array<i32>} : memref<2x80x128xf32, #tpu.memory_space<vmem>>, vector<16xf32>,
        %get3A_559 = arith.index_cast %rem3A_235 : i32 to index
        %get3A_560 = arith.index_cast %scan3A_547 : i32 to index
        %get3A_561 = arith.constant 16 : index
        %get3A_562 = tpu.vector_load %arg9[%get3A_559, %get3A_560, %get3A_561] {strides = array<i32>} : memref<2x80x128xf32, #tpu.memory_space<vmem>>, vector<16xf32>,
        %mul3A_563 = arith.mulf %get3A_562, %gather3A_549 : vector<16xf32>
        %swap3A_564 = arith.index_cast %rem3A_235 : i32 to index
        %swap3A_565 = arith.index_cast %scan3A_547 : i32 to index
        %swap3A_566 = arith.constant 16 : index
        %swap3A_567 = tpu.vector_load %arg9[%swap3A_564, %swap3A_565, %swap3A_566] {strides = array<i32>} : memref<2x80x128xf32, #tpu.memory_space<vmem>>, vector<16xf32>,
        tpu.vector_store %arg9[%swap3A_564, %swap3A_565, %swap3A_566], %mul3A_563 {strides = array<i32>} : memref<2x80x128xf32, #tpu.memory_space<vmem>>, vector<16xf32>,
        %get3A_568 = arith.index_cast %rem3A_235 : i32 to index
        %get3A_569 = arith.index_cast %scan3A_547 : i32 to index
        %get3A_570 = arith.constant 32 : index
        %get3A_571 = tpu.vector_load %arg9[%get3A_568, %get3A_569, %get3A_570] {strides = array<i32>} : memref<2x80x128xf32, #tpu.memory_space<vmem>>, vector<16xf32>,
        %mul3A_572 = arith.mulf %get3A_571, %gather3A_549 : vector<16xf32>
        %swap3A_573 = arith.index_cast %rem3A_235 : i32 to index
        %swap3A_574 = arith.index_cast %scan3A_547 : i32 to index
        %swap3A_575 = arith.constant 32 : index
        %swap3A_576 = tpu.vector_load %arg9[%swap3A_573, %swap3A_574, %swap3A_575] {strides = array<i32>} : memref<2x80x128xf32, #tpu.memory_space<vmem>>, vector<16xf32>,
        tpu.vector_store %arg9[%swap3A_573, %swap3A_574, %swap3A_575], %mul3A_572 {strides = array<i32>} : memref<2x80x128xf32, #tpu.memory_space<vmem>>, vector<16xf32>,
        %get3A_577 = arith.index_cast %rem3A_235 : i32 to index
        %get3A_578 = arith.index_cast %scan3A_547 : i32 to index
        %get3A_579 = arith.constant 48 : index
        %get3A_580 = tpu.vector_load %arg9[%get3A_577, %get3A_578, %get3A_579] {strides = array<i32>} : memref<2x80x128xf32, #tpu.memory_space<vmem>>, vector<16xf32>,
        %mul3A_581 = arith.mulf %get3A_580, %gather3A_549 : vector<16xf32>
        %swap3A_582 = arith.index_cast %rem3A_235 : i32 to index
        %swap3A_583 = arith.index_cast %scan3A_547 : i32 to index
        %swap3A_584 = arith.constant 48 : index
        %swap3A_585 = tpu.vector_load %arg9[%swap3A_582, %swap3A_583, %swap3A_584] {strides = array<i32>} : memref<2x80x128xf32, #tpu.memory_space<vmem>>, vector<16xf32>,
        tpu.vector_store %arg9[%swap3A_582, %swap3A_583, %swap3A_584], %mul3A_581 {strides = array<i32>} : memref<2x80x128xf32, #tpu.memory_space<vmem>>, vector<16xf32>,
        %get3A_586 = arith.index_cast %rem3A_235 : i32 to index
        %get3A_587 = arith.index_cast %scan3A_547 : i32 to index
        %get3A_588 = arith.constant 64 : index
        %get3A_589 = tpu.vector_load %arg9[%get3A_586, %get3A_587, %get3A_588] {strides = array<i32>} : memref<2x80x128xf32, #tpu.memory_space<vmem>>, vector<16xf32>,
        %mul3A_590 = arith.mulf %get3A_589, %gather3A_549 : vector<16xf32>
        %swap3A_591 = arith.index_cast %rem3A_235 : i32 to index
        %swap3A_592 = arith.index_cast %scan3A_547 : i32 to index
        %swap3A_593 = arith.constant 64 : index
        %swap3A_594 = tpu.vector_load %arg9[%swap3A_591, %swap3A_592, %swap3A_593] {strides = array<i32>} : memref<2x80x128xf32, #tpu.memory_space<vmem>>, vector<16xf32>,
        tpu.vector_store %arg9[%swap3A_591, %swap3A_592, %swap3A_593], %mul3A_590 {strides = array<i32>} : memref<2x80x128xf32, #tpu.memory_space<vmem>>, vector<16xf32>,
        %get3A_595 = arith.index_cast %rem3A_235 : i32 to index
        %get3A_596 = arith.index_cast %scan3A_547 : i32 to index
        %get3A_597 = arith.constant 80 : index
        %get3A_598 = tpu.vector_load %arg9[%get3A_595, %get3A_596, %get3A_597] {strides = array<i32>} : memref<2x80x128xf32, #tpu.memory_space<vmem>>, vector<16xf32>,
        %mul3A_599 = arith.mulf %get3A_598, %gather3A_549 : vector<16xf32>
        %swap3A_600 = arith.index_cast %rem3A_235 : i32 to index
        %swap3A_601 = arith.index_cast %scan3A_547 : i32 to index
        %swap3A_602 = arith.constant 80 : index
        %swap3A_603 = tpu.vector_load %arg9[%swap3A_600, %swap3A_601, %swap3A_602] {strides = array<i32>} : memref<2x80x128xf32, #tpu.memory_space<vmem>>, vector<16xf32>,
        tpu.vector_store %arg9[%swap3A_600, %swap3A_601, %swap3A_602], %mul3A_599 {strides = array<i32>} : memref<2x80x128xf32, #tpu.memory_space<vmem>>, vector<16xf32>,
        %get3A_604 = arith.index_cast %rem3A_235 : i32 to index
        %get3A_605 = arith.index_cast %scan3A_547 : i32 to index
        %get3A_606 = arith.constant 96 : index
        %get3A_607 = tpu.vector_load %arg9[%get3A_604, %get3A_605, %get3A_606] {strides = array<i32>} : memref<2x80x128xf32, #tpu.memory_space<vmem>>, vector<16xf32>,
        %mul3A_608 = arith.mulf %get3A_607, %gather3A_549 : vector<16xf32>
        %swap3A_609 = arith.index_cast %rem3A_235 : i32 to index
        %swap3A_610 = arith.index_cast %scan3A_547 : i32 to index
        %swap3A_611 = arith.constant 96 : index
        %swap3A_612 = tpu.vector_load %arg9[%swap3A_609, %swap3A_610, %swap3A_611] {strides = array<i32>} : memref<2x80x128xf32, #tpu.memory_space<vmem>>, vector<16xf32>,
        tpu.vector_store %arg9[%swap3A_609, %swap3A_610, %swap3A_611], %mul3A_608 {strides = array<i32>} : memref<2x80x128xf32, #tpu.memory_space<vmem>>, vector<16xf32>,
        %get3A_613 = arith.index_cast %rem3A_235 : i32 to index
        %get3A_614 = arith.index_cast %scan3A_547 : i32 to index
        %get3A_615 = arith.constant 112 : index
        %get3A_616 = tpu.vector_load %arg9[%get3A_613, %get3A_614, %get3A_615] {strides = array<i32>} : memref<2x80x128xf32, #tpu.memory_space<vmem>>, vector<16xf32>,
        %mul3A_617 = arith.mulf %get3A_616, %gather3A_549 : vector<16xf32>
        %swap3A_618 = arith.index_cast %rem3A_235 : i32 to index
        %swap3A_619 = arith.index_cast %scan3A_547 : i32 to index
        %swap3A_620 = arith.constant 112 : index
        %swap3A_621 = tpu.vector_load %arg9[%swap3A_618, %swap3A_619, %swap3A_620] {strides = array<i32>} : memref<2x80x128xf32, #tpu.memory_space<vmem>>, vector<16xf32>,
        tpu.vector_store %arg9[%swap3A_618, %swap3A_619, %swap3A_620], %mul3A_617 {strides = array<i32>} : memref<2x80x128xf32, #tpu.memory_space<vmem>>, vector<16xf32>,
        %scan3A_622 = arith.constant 0 : i32
        %scan3A_623 = arith.constant 4 : i32
        %scan3A_624 = arith.addi %scan3A_318, %scan3A_623 : i32
        %broadcast_in_dim3A_625 = vector.broadcast %scan3A_624 : i32 to vector<16xi32>
        %gather3A_626 = tpu.vector_load_idx %arg8[%broadcast_in_dim3A_274, %broadcast_in_dim3A_625] : memref<4x80xf32, #tpu.memory_space<vmem>>[vector<16xi32>, vector<16xi32>], vector<16xf32>,
        %get3A_627 = arith.index_cast %rem3A_235 : i32 to index
        %get3A_628 = arith.index_cast %scan3A_624 : i32 to index
        %get3A_629 = arith.constant 0 : index
        %get3A_630 = tpu.vector_load %arg9[%get3A_627, %get3A_628, %get3A_629] {strides = array<i32>} : memref<2x80x128xf32, #tpu.memory_space<vmem>>, vector<16xf32>,
        %mul3A_631 = arith.mulf %get3A_630, %gather3A_626 : vector<16xf32>
        %swap3A_632 = arith.index_cast %rem3A_235 : i32 to index
        %swap3A_633 = arith.index_cast %scan3A_624 : i32 to index
        %swap3A_634 = arith.constant 0 : index
        %swap3A_635 = tpu.vector_load %arg9[%swap3A_632, %swap3A_633, %swap3A_634] {strides = array<i32>} : memref<2x80x128xf32, #tpu.memory_space<vmem>>, vector<16xf32>,
        tpu.vector_store %arg9[%swap3A_632, %swap3A_633, %swap3A_634], %mul3A_631 {strides = array<i32>} : memref<2x80x128xf32, #tpu.memory_space<vmem>>, vector<16xf32>,
        %get3A_636 = arith.index_cast %rem3A_235 : i32 to index
        %get3A_637 = arith.index_cast %scan3A_624 : i32 to index
        %get3A_638 = arith.constant 16 : index
        %get3A_639 = tpu.vector_load %arg9[%get3A_636, %get3A_637, %get3A_638] {strides = array<i32>} : memref<2x80x128xf32, #tpu.memory_space<vmem>>, vector<16xf32>,
        %mul3A_640 = arith.mulf %get3A_639, %gather3A_626 : vector<16xf32>
        %swap3A_641 = arith.index_cast %rem3A_235 : i32 to index
        %swap3A_642 = arith.index_cast %scan3A_624 : i32 to index
        %swap3A_643 = arith.constant 16 : index
        %swap3A_644 = tpu.vector_load %arg9[%swap3A_641, %swap3A_642, %swap3A_643] {strides = array<i32>} : memref<2x80x128xf32, #tpu.memory_space<vmem>>, vector<16xf32>,
        tpu.vector_store %arg9[%swap3A_641, %swap3A_642, %swap3A_643], %mul3A_640 {strides = array<i32>} : memref<2x80x128xf32, #tpu.memory_space<vmem>>, vector<16xf32>,
        %get3A_645 = arith.index_cast %rem3A_235 : i32 to index
        %get3A_646 = arith.index_cast %scan3A_624 : i32 to index
        %get3A_647 = arith.constant 32 : index
        %get3A_648 = tpu.vector_load %arg9[%get3A_645, %get3A_646, %get3A_647] {strides = array<i32>} : memref<2x80x128xf32, #tpu.memory_space<vmem>>, vector<16xf32>,
        %mul3A_649 = arith.mulf %get3A_648, %gather3A_626 : vector<16xf32>
        %swap3A_650 = arith.index_cast %rem3A_235 : i32 to index
        %swap3A_651 = arith.index_cast %scan3A_624 : i32 to index
        %swap3A_652 = arith.constant 32 : index
        %swap3A_653 = tpu.vector_load %arg9[%swap3A_650, %swap3A_651, %swap3A_652] {strides = array<i32>} : memref<2x80x128xf32, #tpu.memory_space<vmem>>, vector<16xf32>,
        tpu.vector_store %arg9[%swap3A_650, %swap3A_651, %swap3A_652], %mul3A_649 {strides = array<i32>} : memref<2x80x128xf32, #tpu.memory_space<vmem>>, vector<16xf32>,
        %get3A_654 = arith.index_cast %rem3A_235 : i32 to index
        %get3A_655 = arith.index_cast %scan3A_624 : i32 to index
        %get3A_656 = arith.constant 48 : index
        %get3A_657 = tpu.vector_load %arg9[%get3A_654, %get3A_655, %get3A_656] {strides = array<i32>} : memref<2x80x128xf32, #tpu.memory_space<vmem>>, vector<16xf32>,
        %mul3A_658 = arith.mulf %get3A_657, %gather3A_626 : vector<16xf32>
        %swap3A_659 = arith.index_cast %rem3A_235 : i32 to index
        %swap3A_660 = arith.index_cast %scan3A_624 : i32 to index
        %swap3A_661 = arith.constant 48 : index
        %swap3A_662 = tpu.vector_load %arg9[%swap3A_659, %swap3A_660, %swap3A_661] {strides = array<i32>} : memref<2x80x128xf32, #tpu.memory_space<vmem>>, vector<16xf32>,
        tpu.vector_store %arg9[%swap3A_659, %swap3A_660, %swap3A_661], %mul3A_658 {strides = array<i32>} : memref<2x80x128xf32, #tpu.memory_space<vmem>>, vector<16xf32>,
        %get3A_663 = arith.index_cast %rem3A_235 : i32 to index
        %get3A_664 = arith.index_cast %scan3A_624 : i32 to index
        %get3A_665 = arith.constant 64 : index
        %get3A_666 = tpu.vector_load %arg9[%get3A_663, %get3A_664, %get3A_665] {strides = array<i32>} : memref<2x80x128xf32, #tpu.memory_space<vmem>>, vector<16xf32>,
        %mul3A_667 = arith.mulf %get3A_666, %gather3A_626 : vector<16xf32>
        %swap3A_668 = arith.index_cast %rem3A_235 : i32 to index
        %swap3A_669 = arith.index_cast %scan3A_624 : i32 to index
        %swap3A_670 = arith.constant 64 : index
        %swap3A_671 = tpu.vector_load %arg9[%swap3A_668, %swap3A_669, %swap3A_670] {strides = array<i32>} : memref<2x80x128xf32, #tpu.memory_space<vmem>>, vector<16xf32>,
        tpu.vector_store %arg9[%swap3A_668, %swap3A_669, %swap3A_670], %mul3A_667 {strides = array<i32>} : memref<2x80x128xf32, #tpu.memory_space<vmem>>, vector<16xf32>,
        %get3A_672 = arith.index_cast %rem3A_235 : i32 to index
        %get3A_673 = arith.index_cast %scan3A_624 : i32 to index
        %get3A_674 = arith.constant 80 : index
        %get3A_675 = tpu.vector_load %arg9[%get3A_672, %get3A_673, %get3A_674] {strides = array<i32>} : memref<2x80x128xf32, #tpu.memory_space<vmem>>, vector<16xf32>,
        %mul3A_676 = arith.mulf %get3A_675, %gather3A_626 : vector<16xf32>
        %swap3A_677 = arith.index_cast %rem3A_235 : i32 to index
        %swap3A_678 = arith.index_cast %scan3A_624 : i32 to index
        %swap3A_679 = arith.constant 80 : index
        %swap3A_680 = tpu.vector_load %arg9[%swap3A_677, %swap3A_678, %swap3A_679] {strides = array<i32>} : memref<2x80x128xf32, #tpu.memory_space<vmem>>, vector<16xf32>,
        tpu.vector_store %arg9[%swap3A_677, %swap3A_678, %swap3A_679], %mul3A_676 {strides = array<i32>} : memref<2x80x128xf32, #tpu.memory_space<vmem>>, vector<16xf32>,
        %get3A_681 = arith.index_cast %rem3A_235 : i32 to index
        %get3A_682 = arith.index_cast %scan3A_624 : i32 to index
        %get3A_683 = arith.constant 96 : index
        %get3A_684 = tpu.vector_load %arg9[%get3A_681, %get3A_682, %get3A_683] {strides = array<i32>} : memref<2x80x128xf32, #tpu.memory_space<vmem>>, vector<16xf32>,
        %mul3A_685 = arith.mulf %get3A_684, %gather3A_626 : vector<16xf32>
        %swap3A_686 = arith.index_cast %rem3A_235 : i32 to index
        %swap3A_687 = arith.index_cast %scan3A_624 : i32 to index
        %swap3A_688 = arith.constant 96 : index
        %swap3A_689 = tpu.vector_load %arg9[%swap3A_686, %swap3A_687, %swap3A_688] {strides = array<i32>} : memref<2x80x128xf32, #tpu.memory_space<vmem>>, vector<16xf32>,
        tpu.vector_store %arg9[%swap3A_686, %swap3A_687, %swap3A_688], %mul3A_685 {strides = array<i32>} : memref<2x80x128xf32, #tpu.memory_space<vmem>>, vector<16xf32>,
        %get3A_690 = arith.index_cast %rem3A_235 : i32 to index
        %get3A_691 = arith.index_cast %scan3A_624 : i32 to index
        %get3A_692 = arith.constant 112 : index
        %get3A_693 = tpu.vector_load %arg9[%get3A_690, %get3A_691, %get3A_692] {strides = array<i32>} : memref<2x80x128xf32, #tpu.memory_space<vmem>>, vector<16xf32>,
        %mul3A_694 = arith.mulf %get3A_693, %gather3A_626 : vector<16xf32>
        %swap3A_695 = arith.index_cast %rem3A_235 : i32 to index
        %swap3A_696 = arith.index_cast %scan3A_624 : i32 to index
        %swap3A_697 = arith.constant 112 : index
        %swap3A_698 = tpu.vector_load %arg9[%swap3A_695, %swap3A_696, %swap3A_697] {strides = array<i32>} : memref<2x80x128xf32, #tpu.memory_space<vmem>>, vector<16xf32>,
        tpu.vector_store %arg9[%swap3A_695, %swap3A_696, %swap3A_697], %mul3A_694 {strides = array<i32>} : memref<2x80x128xf32, #tpu.memory_space<vmem>>, vector<16xf32>,
        %scan3A_699 = arith.constant 0 : i32
        scf.yield %scan3A_699 : i32
      }
      %scan3A_281 = arith.constant 40 : i32
      %mul3A_282 = arith.constant 2 : i32
      %mul3A_283 = arith.muli %mul3A_282, %rem3A_238 : i32
      %add3A_284 = arith.constant 0 : i32
      %add3A_285 = arith.addi %mul3A_283, %add3A_284 : i32
      %dma_start3A_286 = arith.constant 0 : i32
      %dma_start3A_287 = arith.constant 0 : i32
      %dma_start3A_288 = tpu.memref_slice %arg9[%rem3A_235, %dma_start3A_286, %dma_start3A_287] : memref<2x80x128xf32, #tpu.memory_space<vmem>> -> memref<1x40x128xf32, #tpu.memory_space<vmem>>
      %dma_start3A_289 = tpu.memref_squeeze %dma_start3A_288 : memref<1x40x128xf32, #tpu.memory_space<vmem>> -> memref<40x128xf32, #tpu.memory_space<vmem>>
      %dma_start3A_290 = arith.constant 0 : i32
      %dma_start3A_291 = tpu.memref_slice %arg7[%add3A_285, %dma_start3A_290] : memref<8x40xi32, #tpu.memory_space<vmem>> -> memref<1x40xi32, #tpu.memory_space<vmem>>
      %dma_start3A_292 = tpu.memref_squeeze %dma_start3A_291 : memref<1x40xi32, #tpu.memory_space<vmem>> -> memref<40xi32, #tpu.memory_space<vmem>>
      %dma_start3A_293 = arith.constant 0 : i32
      %dma_start3A_294 = arith.constant 0 : i32
      %dma_start3A_295 = tpu.memref_slice %arg10[%dma_start3A_293, %dma_start3A_294] : memref<10000x128xf32, #tpu.memory_space<vmem_shared>> -> memref<10000x128xf32, #tpu.memory_space<vmem_shared>>
      tpu.enqueue_indirect_dma source(%dma_start3A_289 : memref<40x128xf32, #tpu.memory_space<vmem>>) target(%dma_start3A_295 : memref<10000x128xf32, #tpu.memory_space<vmem_shared>>) offsets(%dma_start3A_292 : memref<40xi32, #tpu.memory_space<vmem>>) semaphore(%arg13 : memref<!tpu.dma_semaphore, #tpu.memory_space<semaphore_mem>>) {add = true}
      %scan3A_296 = arith.constant 0 : i32
      %scan3A_297 = arith.constant 40 : i32
      %scan3A_298 = arith.constant 40 : i32
      %scan3A_299 = arith.addi %scan3A_297, %scan3A_298 : i32
      %scan3A_300 = arith.constant 5 : i32
      %scan3A_301 = scf.for %scan3A_318 = %scan3A_297 to %scan3A_299 step %scan3A_300 iter_args(%scan3A_319 = %scan3A_296) -> (i32)  : i32 {
        %broadcast_in_dim3A_320 = vector.broadcast %scan3A_318 : i32 to vector<16xi32>
        %gather3A = tpu.vector_load_idx %arg8[%broadcast_in_dim3A_274, %broadcast_in_dim3A_320] : memref<4x80xf32, #tpu.memory_space<vmem>>[vector<16xi32>, vector<16xi32>], vector<16xf32>,
        %get3A = arith.index_cast %rem3A_235 : i32 to index
        %get3A_321 = arith.index_cast %scan3A_318 : i32 to index
        %get3A_322 = arith.constant 0 : index
        %get3A_323 = tpu.vector_load %arg9[%get3A, %get3A_321, %get3A_322] {strides = array<i32>} : memref<2x80x128xf32, #tpu.memory_space<vmem>>, vector<16xf32>,
        %mul3A_324 = arith.mulf %get3A_323, %gather3A : vector<16xf32>
        %swap3A = arith.index_cast %rem3A_235 : i32 to index
        %swap3A_325 = arith.index_cast %scan3A_318 : i32 to index
        %swap3A_326 = arith.constant 0 : index
        %swap3A_327 = tpu.vector_load %arg9[%swap3A, %swap3A_325, %swap3A_326] {strides = array<i32>} : memref<2x80x128xf32, #tpu.memory_space<vmem>>, vector<16xf32>,
        tpu.vector_store %arg9[%swap3A, %swap3A_325, %swap3A_326], %mul3A_324 {strides = array<i32>} : memref<2x80x128xf32, #tpu.memory_space<vmem>>, vector<16xf32>,
        %get3A_328 = arith.index_cast %rem3A_235 : i32 to index
        %get3A_329 = arith.index_cast %scan3A_318 : i32 to index
        %get3A_330 = arith.constant 16 : index
        %get3A_331 = tpu.vector_load %arg9[%get3A_328, %get3A_329, %get3A_330] {strides = array<i32>} : memref<2x80x128xf32, #tpu.memory_space<vmem>>, vector<16xf32>,
        %mul3A_332 = arith.mulf %get3A_331, %gather3A : vector<16xf32>
        %swap3A_333 = arith.index_cast %rem3A_235 : i32 to index
        %swap3A_334 = arith.index_cast %scan3A_318 : i32 to index
        %swap3A_335 = arith.constant 16 : index
        %swap3A_336 = tpu.vector_load %arg9[%swap3A_333, %swap3A_334, %swap3A_335] {strides = array<i32>} : memref<2x80x128xf32, #tpu.memory_space<vmem>>, vector<16xf32>,
        tpu.vector_store %arg9[%swap3A_333, %swap3A_334, %swap3A_335], %mul3A_332 {strides = array<i32>} : memref<2x80x128xf32, #tpu.memory_space<vmem>>, vector<16xf32>,
        %get3A_337 = arith.index_cast %rem3A_235 : i32 to index
        %get3A_338 = arith.index_cast %scan3A_318 : i32 to index
        %get3A_339 = arith.constant 32 : index
        %get3A_340 = tpu.vector_load %arg9[%get3A_337, %get3A_338, %get3A_339] {strides = array<i32>} : memref<2x80x128xf32, #tpu.memory_space<vmem>>, vector<16xf32>,
        %mul3A_341 = arith.mulf %get3A_340, %gather3A : vector<16xf32>
        %swap3A_342 = arith.index_cast %rem3A_235 : i32 to index
        %swap3A_343 = arith.index_cast %scan3A_318 : i32 to index
        %swap3A_344 = arith.constant 32 : index
        %swap3A_345 = tpu.vector_load %arg9[%swap3A_342, %swap3A_343, %swap3A_344] {strides = array<i32>} : memref<2x80x128xf32, #tpu.memory_space<vmem>>, vector<16xf32>,
        tpu.vector_store %arg9[%swap3A_342, %swap3A_343, %swap3A_344], %mul3A_341 {strides = array<i32>} : memref<2x80x128xf32, #tpu.memory_space<vmem>>, vector<16xf32>,
        %get3A_346 = arith.index_cast %rem3A_235 : i32 to index
        %get3A_347 = arith.index_cast %scan3A_318 : i32 to index
        %get3A_348 = arith.constant 48 : index
        %get3A_349 = tpu.vector_load %arg9[%get3A_346, %get3A_347, %get3A_348] {strides = array<i32>} : memref<2x80x128xf32, #tpu.memory_space<vmem>>, vector<16xf32>,
        %mul3A_350 = arith.mulf %get3A_349, %gather3A : vector<16xf32>
        %swap3A_351 = arith.index_cast %rem3A_235 : i32 to index
        %swap3A_352 = arith.index_cast %scan3A_318 : i32 to index
        %swap3A_353 = arith.constant 48 : index
        %swap3A_354 = tpu.vector_load %arg9[%swap3A_351, %swap3A_352, %swap3A_353] {strides = array<i32>} : memref<2x80x128xf32, #tpu.memory_space<vmem>>, vector<16xf32>,
        tpu.vector_store %arg9[%swap3A_351, %swap3A_352, %swap3A_353], %mul3A_350 {strides = array<i32>} : memref<2x80x128xf32, #tpu.memory_space<vmem>>, vector<16xf32>,
        %get3A_355 = arith.index_cast %rem3A_235 : i32 to index
        %get3A_356 = arith.index_cast %scan3A_318 : i32 to index
        %get3A_357 = arith.constant 64 : index
        %get3A_358 = tpu.vector_load %arg9[%get3A_355, %get3A_356, %get3A_357] {strides = array<i32>} : memref<2x80x128xf32, #tpu.memory_space<vmem>>, vector<16xf32>,
        %mul3A_359 = arith.mulf %get3A_358, %gather3A : vector<16xf32>
        %swap3A_360 = arith.index_cast %rem3A_235 : i32 to index
        %swap3A_361 = arith.index_cast %scan3A_318 : i32 to index
        %swap3A_362 = arith.constant 64 : index
        %swap3A_363 = tpu.vector_load %arg9[%swap3A_360, %swap3A_361, %swap3A_362] {strides = array<i32>} : memref<2x80x128xf32, #tpu.memory_space<vmem>>, vector<16xf32>,
        tpu.vector_store %arg9[%swap3A_360, %swap3A_361, %swap3A_362], %mul3A_359 {strides = array<i32>} : memref<2x80x128xf32, #tpu.memory_space<vmem>>, vector<16xf32>,
        %get3A_364 = arith.index_cast %rem3A_235 : i32 to index
        %get3A_365 = arith.index_cast %scan3A_318 : i32 to index
        %get3A_366 = arith.constant 80 : index
        %get3A_367 = tpu.vector_load %arg9[%get3A_364, %get3A_365, %get3A_366] {strides = array<i32>} : memref<2x80x128xf32, #tpu.memory_space<vmem>>, vector<16xf32>,
        %mul3A_368 = arith.mulf %get3A_367, %gather3A : vector<16xf32>
        %swap3A_369 = arith.index_cast %rem3A_235 : i32 to index
        %swap3A_370 = arith.index_cast %scan3A_318 : i32 to index
        %swap3A_371 = arith.constant 80 : index
        %swap3A_372 = tpu.vector_load %arg9[%swap3A_369, %swap3A_370, %swap3A_371] {strides = array<i32>} : memref<2x80x128xf32, #tpu.memory_space<vmem>>, vector<16xf32>,
        tpu.vector_store %arg9[%swap3A_369, %swap3A_370, %swap3A_371], %mul3A_368 {strides = array<i32>} : memref<2x80x128xf32, #tpu.memory_space<vmem>>, vector<16xf32>,
        %get3A_373 = arith.index_cast %rem3A_235 : i32 to index
        %get3A_374 = arith.index_cast %scan3A_318 : i32 to index
        %get3A_375 = arith.constant 96 : index
        %get3A_376 = tpu.vector_load %arg9[%get3A_373, %get3A_374, %get3A_375] {strides = array<i32>} : memref<2x80x128xf32, #tpu.memory_space<vmem>>, vector<16xf32>,
        %mul3A_377 = arith.mulf %get3A_376, %gather3A : vector<16xf32>
        %swap3A_378 = arith.index_cast %rem3A_235 : i32 to index
        %swap3A_379 = arith.index_cast %scan3A_318 : i32 to index
        %swap3A_380 = arith.constant 96 : index
        %swap3A_381 = tpu.vector_load %arg9[%swap3A_378, %swap3A_379, %swap3A_380] {strides = array<i32>} : memref<2x80x128xf32, #tpu.memory_space<vmem>>, vector<16xf32>,
        tpu.vector_store %arg9[%swap3A_378, %swap3A_379, %swap3A_380], %mul3A_377 {strides = array<i32>} : memref<2x80x128xf32, #tpu.memory_space<vmem>>, vector<16xf32>,
        %get3A_382 = arith.index_cast %rem3A_235 : i32 to index
        %get3A_383 = arith.index_cast %scan3A_318 : i32 to index
        %get3A_384 = arith.constant 112 : index
        %get3A_385 = tpu.vector_load %arg9[%get3A_382, %get3A_383, %get3A_384] {strides = array<i32>} : memref<2x80x128xf32, #tpu.memory_space<vmem>>, vector<16xf32>,
        %mul3A_386 = arith.mulf %get3A_385, %gather3A : vector<16xf32>
        %swap3A_387 = arith.index_cast %rem3A_235 : i32 to index
        %swap3A_388 = arith.index_cast %scan3A_318 : i32 to index
        %swap3A_389 = arith.constant 112 : index
        %swap3A_390 = tpu.vector_load %arg9[%swap3A_387, %swap3A_388, %swap3A_389] {strides = array<i32>} : memref<2x80x128xf32, #tpu.memory_space<vmem>>, vector<16xf32>,
        tpu.vector_store %arg9[%swap3A_387, %swap3A_388, %swap3A_389], %mul3A_386 {strides = array<i32>} : memref<2x80x128xf32, #tpu.memory_space<vmem>>, vector<16xf32>,
        %scan3A_391 = arith.constant 0 : i32
        %scan3A_392 = arith.constant 1 : i32
        %scan3A_393 = arith.addi %scan3A_318, %scan3A_392 : i32
        %broadcast_in_dim3A_394 = vector.broadcast %scan3A_393 : i32 to vector<16xi32>
        %gather3A_395 = tpu.vector_load_idx %arg8[%broadcast_in_dim3A_274, %broadcast_in_dim3A_394] : memref<4x80xf32, #tpu.memory_space<vmem>>[vector<16xi32>, vector<16xi32>], vector<16xf32>,
        %get3A_396 = arith.index_cast %rem3A_235 : i32 to index
        %get3A_397 = arith.index_cast %scan3A_393 : i32 to index
        %get3A_398 = arith.constant 0 : index
        %get3A_399 = tpu.vector_load %arg9[%get3A_396, %get3A_397, %get3A_398] {strides = array<i32>} : memref<2x80x128xf32, #tpu.memory_space<vmem>>, vector<16xf32>,
        %mul3A_400 = arith.mulf %get3A_399, %gather3A_395 : vector<16xf32>
        %swap3A_401 = arith.index_cast %rem3A_235 : i32 to index
        %swap3A_402 = arith.index_cast %scan3A_393 : i32 to index
        %swap3A_403 = arith.constant 0 : index
        %swap3A_404 = tpu.vector_load %arg9[%swap3A_401, %swap3A_402, %swap3A_403] {strides = array<i32>} : memref<2x80x128xf32, #tpu.memory_space<vmem>>, vector<16xf32>,
        tpu.vector_store %arg9[%swap3A_401, %swap3A_402, %swap3A_403], %mul3A_400 {strides = array<i32>} : memref<2x80x128xf32, #tpu.memory_space<vmem>>, vector<16xf32>,
        %get3A_405 = arith.index_cast %rem3A_235 : i32 to index
        %get3A_406 = arith.index_cast %scan3A_393 : i32 to index
        %get3A_407 = arith.constant 16 : index
        %get3A_408 = tpu.vector_load %arg9[%get3A_405, %get3A_406, %get3A_407] {strides = array<i32>} : memref<2x80x128xf32, #tpu.memory_space<vmem>>, vector<16xf32>,
        %mul3A_409 = arith.mulf %get3A_408, %gather3A_395 : vector<16xf32>
        %swap3A_410 = arith.index_cast %rem3A_235 : i32 to index
        %swap3A_411 = arith.index_cast %scan3A_393 : i32 to index
        %swap3A_412 = arith.constant 16 : index
        %swap3A_413 = tpu.vector_load %arg9[%swap3A_410, %swap3A_411, %swap3A_412] {strides = array<i32>} : memref<2x80x128xf32, #tpu.memory_space<vmem>>, vector<16xf32>,
        tpu.vector_store %arg9[%swap3A_410, %swap3A_411, %swap3A_412], %mul3A_409 {strides = array<i32>} : memref<2x80x128xf32, #tpu.memory_space<vmem>>, vector<16xf32>,
        %get3A_414 = arith.index_cast %rem3A_235 : i32 to index
        %get3A_415 = arith.index_cast %scan3A_393 : i32 to index
        %get3A_416 = arith.constant 32 : index
        %get3A_417 = tpu.vector_load %arg9[%get3A_414, %get3A_415, %get3A_416] {strides = array<i32>} : memref<2x80x128xf32, #tpu.memory_space<vmem>>, vector<16xf32>,
        %mul3A_418 = arith.mulf %get3A_417, %gather3A_395 : vector<16xf32>
        %swap3A_419 = arith.index_cast %rem3A_235 : i32 to index
        %swap3A_420 = arith.index_cast %scan3A_393 : i32 to index
        %swap3A_421 = arith.constant 32 : index
        %swap3A_422 = tpu.vector_load %arg9[%swap3A_419, %swap3A_420, %swap3A_421] {strides = array<i32>} : memref<2x80x128xf32, #tpu.memory_space<vmem>>, vector<16xf32>,
        tpu.vector_store %arg9[%swap3A_419, %swap3A_420, %swap3A_421], %mul3A_418 {strides = array<i32>} : memref<2x80x128xf32, #tpu.memory_space<vmem>>, vector<16xf32>,
        %get3A_423 = arith.index_cast %rem3A_235 : i32 to index
        %get3A_424 = arith.index_cast %scan3A_393 : i32 to index
        %get3A_425 = arith.constant 48 : index
        %get3A_426 = tpu.vector_load %arg9[%get3A_423, %get3A_424, %get3A_425] {strides = array<i32>} : memref<2x80x128xf32, #tpu.memory_space<vmem>>, vector<16xf32>,
        %mul3A_427 = arith.mulf %get3A_426, %gather3A_395 : vector<16xf32>
        %swap3A_428 = arith.index_cast %rem3A_235 : i32 to index
        %swap3A_429 = arith.index_cast %scan3A_393 : i32 to index
        %swap3A_430 = arith.constant 48 : index
        %swap3A_431 = tpu.vector_load %arg9[%swap3A_428, %swap3A_429, %swap3A_430] {strides = array<i32>} : memref<2x80x128xf32, #tpu.memory_space<vmem>>, vector<16xf32>,
        tpu.vector_store %arg9[%swap3A_428, %swap3A_429, %swap3A_430], %mul3A_427 {strides = array<i32>} : memref<2x80x128xf32, #tpu.memory_space<vmem>>, vector<16xf32>,
        %get3A_432 = arith.index_cast %rem3A_235 : i32 to index
        %get3A_433 = arith.index_cast %scan3A_393 : i32 to index
        %get3A_434 = arith.constant 64 : index
        %get3A_435 = tpu.vector_load %arg9[%get3A_432, %get3A_433, %get3A_434] {strides = array<i32>} : memref<2x80x128xf32, #tpu.memory_space<vmem>>, vector<16xf32>,
        %mul3A_436 = arith.mulf %get3A_435, %gather3A_395 : vector<16xf32>
        %swap3A_437 = arith.index_cast %rem3A_235 : i32 to index
        %swap3A_438 = arith.index_cast %scan3A_393 : i32 to index
        %swap3A_439 = arith.constant 64 : index
        %swap3A_440 = tpu.vector_load %arg9[%swap3A_437, %swap3A_438, %swap3A_439] {strides = array<i32>} : memref<2x80x128xf32, #tpu.memory_space<vmem>>, vector<16xf32>,
        tpu.vector_store %arg9[%swap3A_437, %swap3A_438, %swap3A_439], %mul3A_436 {strides = array<i32>} : memref<2x80x128xf32, #tpu.memory_space<vmem>>, vector<16xf32>,
        %get3A_441 = arith.index_cast %rem3A_235 : i32 to index
        %get3A_442 = arith.index_cast %scan3A_393 : i32 to index
        %get3A_443 = arith.constant 80 : index
        %get3A_444 = tpu.vector_load %arg9[%get3A_441, %get3A_442, %get3A_443] {strides = array<i32>} : memref<2x80x128xf32, #tpu.memory_space<vmem>>, vector<16xf32>,
        %mul3A_445 = arith.mulf %get3A_444, %gather3A_395 : vector<16xf32>
        %swap3A_446 = arith.index_cast %rem3A_235 : i32 to index
        %swap3A_447 = arith.index_cast %scan3A_393 : i32 to index
        %swap3A_448 = arith.constant 80 : index
        %swap3A_449 = tpu.vector_load %arg9[%swap3A_446, %swap3A_447, %swap3A_448] {strides = array<i32>} : memref<2x80x128xf32, #tpu.memory_space<vmem>>, vector<16xf32>,
        tpu.vector_store %arg9[%swap3A_446, %swap3A_447, %swap3A_448], %mul3A_445 {strides = array<i32>} : memref<2x80x128xf32, #tpu.memory_space<vmem>>, vector<16xf32>,
        %get3A_450 = arith.index_cast %rem3A_235 : i32 to index
        %get3A_451 = arith.index_cast %scan3A_393 : i32 to index
        %get3A_452 = arith.constant 96 : index
        %get3A_453 = tpu.vector_load %arg9[%get3A_450, %get3A_451, %get3A_452] {strides = array<i32>} : memref<2x80x128xf32, #tpu.memory_space<vmem>>, vector<16xf32>,
        %mul3A_454 = arith.mulf %get3A_453, %gather3A_395 : vector<16xf32>
        %swap3A_455 = arith.index_cast %rem3A_235 : i32 to index
        %swap3A_456 = arith.index_cast %scan3A_393 : i32 to index
        %swap3A_457 = arith.constant 96 : index
        %swap3A_458 = tpu.vector_load %arg9[%swap3A_455, %swap3A_456, %swap3A_457] {strides = array<i32>} : memref<2x80x128xf32, #tpu.memory_space<vmem>>, vector<16xf32>,
        tpu.vector_store %arg9[%swap3A_455, %swap3A_456, %swap3A_457], %mul3A_454 {strides = array<i32>} : memref<2x80x128xf32, #tpu.memory_space<vmem>>, vector<16xf32>,
        %get3A_459 = arith.index_cast %rem3A_235 : i32 to index
        %get3A_460 = arith.index_cast %scan3A_393 : i32 to index
        %get3A_461 = arith.constant 112 : index
        %get3A_462 = tpu.vector_load %arg9[%get3A_459, %get3A_460, %get3A_461] {strides = array<i32>} : memref<2x80x128xf32, #tpu.memory_space<vmem>>, vector<16xf32>,
        %mul3A_463 = arith.mulf %get3A_462, %gather3A_395 : vector<16xf32>
        %swap3A_464 = arith.index_cast %rem3A_235 : i32 to index
        %swap3A_465 = arith.index_cast %scan3A_393 : i32 to index
        %swap3A_466 = arith.constant 112 : index
        %swap3A_467 = tpu.vector_load %arg9[%swap3A_464, %swap3A_465, %swap3A_466] {strides = array<i32>} : memref<2x80x128xf32, #tpu.memory_space<vmem>>, vector<16xf32>,
        tpu.vector_store %arg9[%swap3A_464, %swap3A_465, %swap3A_466], %mul3A_463 {strides = array<i32>} : memref<2x80x128xf32, #tpu.memory_space<vmem>>, vector<16xf32>,
        %scan3A_468 = arith.constant 0 : i32
        %scan3A_469 = arith.constant 2 : i32
        %scan3A_470 = arith.addi %scan3A_318, %scan3A_469 : i32
        %broadcast_in_dim3A_471 = vector.broadcast %scan3A_470 : i32 to vector<16xi32>
        %gather3A_472 = tpu.vector_load_idx %arg8[%broadcast_in_dim3A_274, %broadcast_in_dim3A_471] : memref<4x80xf32, #tpu.memory_space<vmem>>[vector<16xi32>, vector<16xi32>], vector<16xf32>,
        %get3A_473 = arith.index_cast %rem3A_235 : i32 to index
        %get3A_474 = arith.index_cast %scan3A_470 : i32 to index
        %get3A_475 = arith.constant 0 : index
        %get3A_476 = tpu.vector_load %arg9[%get3A_473, %get3A_474, %get3A_475] {strides = array<i32>} : memref<2x80x128xf32, #tpu.memory_space<vmem>>, vector<16xf32>,
        %mul3A_477 = arith.mulf %get3A_476, %gather3A_472 : vector<16xf32>
        %swap3A_478 = arith.index_cast %rem3A_235 : i32 to index
        %swap3A_479 = arith.index_cast %scan3A_470 : i32 to index
        %swap3A_480 = arith.constant 0 : index
        %swap3A_481 = tpu.vector_load %arg9[%swap3A_478, %swap3A_479, %swap3A_480] {strides = array<i32>} : memref<2x80x128xf32, #tpu.memory_space<vmem>>, vector<16xf32>,
        tpu.vector_store %arg9[%swap3A_478, %swap3A_479, %swap3A_480], %mul3A_477 {strides = array<i32>} : memref<2x80x128xf32, #tpu.memory_space<vmem>>, vector<16xf32>,
        %get3A_482 = arith.index_cast %rem3A_235 : i32 to index
        %get3A_483 = arith.index_cast %scan3A_470 : i32 to index
        %get3A_484 = arith.constant 16 : index
        %get3A_485 = tpu.vector_load %arg9[%get3A_482, %get3A_483, %get3A_484] {strides = array<i32>} : memref<2x80x128xf32, #tpu.memory_space<vmem>>, vector<16xf32>,
        %mul3A_486 = arith.mulf %get3A_485, %gather3A_472 : vector<16xf32>
        %swap3A_487 = arith.index_cast %rem3A_235 : i32 to index
        %swap3A_488 = arith.index_cast %scan3A_470 : i32 to index
        %swap3A_489 = arith.constant 16 : index
        %swap3A_490 = tpu.vector_load %arg9[%swap3A_487, %swap3A_488, %swap3A_489] {strides = array<i32>} : memref<2x80x128xf32, #tpu.memory_space<vmem>>, vector<16xf32>,
        tpu.vector_store %arg9[%swap3A_487, %swap3A_488, %swap3A_489], %mul3A_486 {strides = array<i32>} : memref<2x80x128xf32, #tpu.memory_space<vmem>>, vector<16xf32>,
        %get3A_491 = arith.index_cast %rem3A_235 : i32 to index
        %get3A_492 = arith.index_cast %scan3A_470 : i32 to index
        %get3A_493 = arith.constant 32 : index
        %get3A_494 = tpu.vector_load %arg9[%get3A_491, %get3A_492, %get3A_493] {strides = array<i32>} : memref<2x80x128xf32, #tpu.memory_space<vmem>>, vector<16xf32>,
        %mul3A_495 = arith.mulf %get3A_494, %gather3A_472 : vector<16xf32>
        %swap3A_496 = arith.index_cast %rem3A_235 : i32 to index
        %swap3A_497 = arith.index_cast %scan3A_470 : i32 to index
        %swap3A_498 = arith.constant 32 : index
        %swap3A_499 = tpu.vector_load %arg9[%swap3A_496, %swap3A_497, %swap3A_498] {strides = array<i32>} : memref<2x80x128xf32, #tpu.memory_space<vmem>>, vector<16xf32>,
        tpu.vector_store %arg9[%swap3A_496, %swap3A_497, %swap3A_498], %mul3A_495 {strides = array<i32>} : memref<2x80x128xf32, #tpu.memory_space<vmem>>, vector<16xf32>,
        %get3A_500 = arith.index_cast %rem3A_235 : i32 to index
        %get3A_501 = arith.index_cast %scan3A_470 : i32 to index
        %get3A_502 = arith.constant 48 : index
        %get3A_503 = tpu.vector_load %arg9[%get3A_500, %get3A_501, %get3A_502] {strides = array<i32>} : memref<2x80x128xf32, #tpu.memory_space<vmem>>, vector<16xf32>,
        %mul3A_504 = arith.mulf %get3A_503, %gather3A_472 : vector<16xf32>
        %swap3A_505 = arith.index_cast %rem3A_235 : i32 to index
        %swap3A_506 = arith.index_cast %scan3A_470 : i32 to index
        %swap3A_507 = arith.constant 48 : index
        %swap3A_508 = tpu.vector_load %arg9[%swap3A_505, %swap3A_506, %swap3A_507] {strides = array<i32>} : memref<2x80x128xf32, #tpu.memory_space<vmem>>, vector<16xf32>,
        tpu.vector_store %arg9[%swap3A_505, %swap3A_506, %swap3A_507], %mul3A_504 {strides = array<i32>} : memref<2x80x128xf32, #tpu.memory_space<vmem>>, vector<16xf32>,
        %get3A_509 = arith.index_cast %rem3A_235 : i32 to index
        %get3A_510 = arith.index_cast %scan3A_470 : i32 to index
        %get3A_511 = arith.constant 64 : index
        %get3A_512 = tpu.vector_load %arg9[%get3A_509, %get3A_510, %get3A_511] {strides = array<i32>} : memref<2x80x128xf32, #tpu.memory_space<vmem>>, vector<16xf32>,
        %mul3A_513 = arith.mulf %get3A_512, %gather3A_472 : vector<16xf32>
        %swap3A_514 = arith.index_cast %rem3A_235 : i32 to index
        %swap3A_515 = arith.index_cast %scan3A_470 : i32 to index
        %swap3A_516 = arith.constant 64 : index
        %swap3A_517 = tpu.vector_load %arg9[%swap3A_514, %swap3A_515, %swap3A_516] {strides = array<i32>} : memref<2x80x128xf32, #tpu.memory_space<vmem>>, vector<16xf32>,
        tpu.vector_store %arg9[%swap3A_514, %swap3A_515, %swap3A_516], %mul3A_513 {strides = array<i32>} : memref<2x80x128xf32, #tpu.memory_space<vmem>>, vector<16xf32>,
        %get3A_518 = arith.index_cast %rem3A_235 : i32 to index
        %get3A_519 = arith.index_cast %scan3A_470 : i32 to index
        %get3A_520 = arith.constant 80 : index
        %get3A_521 = tpu.vector_load %arg9[%get3A_518, %get3A_519, %get3A_520] {strides = array<i32>} : memref<2x80x128xf32, #tpu.memory_space<vmem>>, vector<16xf32>,
        %mul3A_522 = arith.mulf %get3A_521, %gather3A_472 : vector<16xf32>
        %swap3A_523 = arith.index_cast %rem3A_235 : i32 to index
        %swap3A_524 = arith.index_cast %scan3A_470 : i32 to index
        %swap3A_525 = arith.constant 80 : index
        %swap3A_526 = tpu.vector_load %arg9[%swap3A_523, %swap3A_524, %swap3A_525] {strides = array<i32>} : memref<2x80x128xf32, #tpu.memory_space<vmem>>, vector<16xf32>,
        tpu.vector_store %arg9[%swap3A_523, %swap3A_524, %swap3A_525], %mul3A_522 {strides = array<i32>} : memref<2x80x128xf32, #tpu.memory_space<vmem>>, vector<16xf32>,
        %get3A_527 = arith.index_cast %rem3A_235 : i32 to index
        %get3A_528 = arith.index_cast %scan3A_470 : i32 to index
        %get3A_529 = arith.constant 96 : index
        %get3A_530 = tpu.vector_load %arg9[%get3A_527, %get3A_528, %get3A_529] {strides = array<i32>} : memref<2x80x128xf32, #tpu.memory_space<vmem>>, vector<16xf32>,
        %mul3A_531 = arith.mulf %get3A_530, %gather3A_472 : vector<16xf32>
        %swap3A_532 = arith.index_cast %rem3A_235 : i32 to index
        %swap3A_533 = arith.index_cast %scan3A_470 : i32 to index
        %swap3A_534 = arith.constant 96 : index
        %swap3A_535 = tpu.vector_load %arg9[%swap3A_532, %swap3A_533, %swap3A_534] {strides = array<i32>} : memref<2x80x128xf32, #tpu.memory_space<vmem>>, vector<16xf32>,
        tpu.vector_store %arg9[%swap3A_532, %swap3A_533, %swap3A_534], %mul3A_531 {strides = array<i32>} : memref<2x80x128xf32, #tpu.memory_space<vmem>>, vector<16xf32>,
        %get3A_536 = arith.index_cast %rem3A_235 : i32 to index
        %get3A_537 = arith.index_cast %scan3A_470 : i32 to index
        %get3A_538 = arith.constant 112 : index
        %get3A_539 = tpu.vector_load %arg9[%get3A_536, %get3A_537, %get3A_538] {strides = array<i32>} : memref<2x80x128xf32, #tpu.memory_space<vmem>>, vector<16xf32>,
        %mul3A_540 = arith.mulf %get3A_539, %gather3A_472 : vector<16xf32>
        %swap3A_541 = arith.index_cast %rem3A_235 : i32 to index
        %swap3A_542 = arith.index_cast %scan3A_470 : i32 to index
        %swap3A_543 = arith.constant 112 : index
        %swap3A_544 = tpu.vector_load %arg9[%swap3A_541, %swap3A_542, %swap3A_543] {strides = array<i32>} : memref<2x80x128xf32, #tpu.memory_space<vmem>>, vector<16xf32>,
        tpu.vector_store %arg9[%swap3A_541, %swap3A_542, %swap3A_543], %mul3A_540 {strides = array<i32>} : memref<2x80x128xf32, #tpu.memory_space<vmem>>, vector<16xf32>,
        %scan3A_545 = arith.constant 0 : i32
        %scan3A_546 = arith.constant 3 : i32
        %scan3A_547 = arith.addi %scan3A_318, %scan3A_546 : i32
        %broadcast_in_dim3A_548 = vector.broadcast %scan3A_547 : i32 to vector<16xi32>
        %gather3A_549 = tpu.vector_load_idx %arg8[%broadcast_in_dim3A_274, %broadcast_in_dim3A_548] : memref<4x80xf32, #tpu.memory_space<vmem>>[vector<16xi32>, vector<16xi32>], vector<16xf32>,
        %get3A_550 = arith.index_cast %rem3A_235 : i32 to index
        %get3A_551 = arith.index_cast %scan3A_547 : i32 to index
        %get3A_552 = arith.constant 0 : index
        %get3A_553 = tpu.vector_load %arg9[%get3A_550, %get3A_551, %get3A_552] {strides = array<i32>} : memref<2x80x128xf32, #tpu.memory_space<vmem>>, vector<16xf32>,
        %mul3A_554 = arith.mulf %get3A_553, %gather3A_549 : vector<16xf32>
        %swap3A_555 = arith.index_cast %rem3A_235 : i32 to index
        %swap3A_556 = arith.index_cast %scan3A_547 : i32 to index
        %swap3A_557 = arith.constant 0 : index
        %swap3A_558 = tpu.vector_load %arg9[%swap3A_555, %swap3A_556, %swap3A_557] {strides = array<i32>} : memref<2x80x128xf32, #tpu.memory_space<vmem>>, vector<16xf32>,
        tpu.vector_store %arg9[%swap3A_555, %swap3A_556, %swap3A_557], %mul3A_554 {strides = array<i32>} : memref<2x80x128xf32, #tpu.memory_space<vmem>>, vector<16xf32>,
        %get3A_559 = arith.index_cast %rem3A_235 : i32 to index
        %get3A_560 = arith.index_cast %scan3A_547 : i32 to index
        %get3A_561 = arith.constant 16 : index
        %get3A_562 = tpu.vector_load %arg9[%get3A_559, %get3A_560, %get3A_561] {strides = array<i32>} : memref<2x80x128xf32, #tpu.memory_space<vmem>>, vector<16xf32>,
        %mul3A_563 = arith.mulf %get3A_562, %gather3A_549 : vector<16xf32>
        %swap3A_564 = arith.index_cast %rem3A_235 : i32 to index
        %swap3A_565 = arith.index_cast %scan3A_547 : i32 to index
        %swap3A_566 = arith.constant 16 : index
        %swap3A_567 = tpu.vector_load %arg9[%swap3A_564, %swap3A_565, %swap3A_566] {strides = array<i32>} : memref<2x80x128xf32, #tpu.memory_space<vmem>>, vector<16xf32>,
        tpu.vector_store %arg9[%swap3A_564, %swap3A_565, %swap3A_566], %mul3A_563 {strides = array<i32>} : memref<2x80x128xf32, #tpu.memory_space<vmem>>, vector<16xf32>,
        %get3A_568 = arith.index_cast %rem3A_235 : i32 to index
        %get3A_569 = arith.index_cast %scan3A_547 : i32 to index
        %get3A_570 = arith.constant 32 : index
        %get3A_571 = tpu.vector_load %arg9[%get3A_568, %get3A_569, %get3A_570] {strides = array<i32>} : memref<2x80x128xf32, #tpu.memory_space<vmem>>, vector<16xf32>,
        %mul3A_572 = arith.mulf %get3A_571, %gather3A_549 : vector<16xf32>
        %swap3A_573 = arith.index_cast %rem3A_235 : i32 to index
        %swap3A_574 = arith.index_cast %scan3A_547 : i32 to index
        %swap3A_575 = arith.constant 32 : index
        %swap3A_576 = tpu.vector_load %arg9[%swap3A_573, %swap3A_574, %swap3A_575] {strides = array<i32>} : memref<2x80x128xf32, #tpu.memory_space<vmem>>, vector<16xf32>,
        tpu.vector_store %arg9[%swap3A_573, %swap3A_574, %swap3A_575], %mul3A_572 {strides = array<i32>} : memref<2x80x128xf32, #tpu.memory_space<vmem>>, vector<16xf32>,
        %get3A_577 = arith.index_cast %rem3A_235 : i32 to index
        %get3A_578 = arith.index_cast %scan3A_547 : i32 to index
        %get3A_579 = arith.constant 48 : index
        %get3A_580 = tpu.vector_load %arg9[%get3A_577, %get3A_578, %get3A_579] {strides = array<i32>} : memref<2x80x128xf32, #tpu.memory_space<vmem>>, vector<16xf32>,
        %mul3A_581 = arith.mulf %get3A_580, %gather3A_549 : vector<16xf32>
        %swap3A_582 = arith.index_cast %rem3A_235 : i32 to index
        %swap3A_583 = arith.index_cast %scan3A_547 : i32 to index
        %swap3A_584 = arith.constant 48 : index
        %swap3A_585 = tpu.vector_load %arg9[%swap3A_582, %swap3A_583, %swap3A_584] {strides = array<i32>} : memref<2x80x128xf32, #tpu.memory_space<vmem>>, vector<16xf32>,
        tpu.vector_store %arg9[%swap3A_582, %swap3A_583, %swap3A_584], %mul3A_581 {strides = array<i32>} : memref<2x80x128xf32, #tpu.memory_space<vmem>>, vector<16xf32>,
        %get3A_586 = arith.index_cast %rem3A_235 : i32 to index
        %get3A_587 = arith.index_cast %scan3A_547 : i32 to index
        %get3A_588 = arith.constant 64 : index
        %get3A_589 = tpu.vector_load %arg9[%get3A_586, %get3A_587, %get3A_588] {strides = array<i32>} : memref<2x80x128xf32, #tpu.memory_space<vmem>>, vector<16xf32>,
        %mul3A_590 = arith.mulf %get3A_589, %gather3A_549 : vector<16xf32>
        %swap3A_591 = arith.index_cast %rem3A_235 : i32 to index
        %swap3A_592 = arith.index_cast %scan3A_547 : i32 to index
        %swap3A_593 = arith.constant 64 : index
        %swap3A_594 = tpu.vector_load %arg9[%swap3A_591, %swap3A_592, %swap3A_593] {strides = array<i32>} : memref<2x80x128xf32, #tpu.memory_space<vmem>>, vector<16xf32>,
        tpu.vector_store %arg9[%swap3A_591, %swap3A_592, %swap3A_593], %mul3A_590 {strides = array<i32>} : memref<2x80x128xf32, #tpu.memory_space<vmem>>, vector<16xf32>,
        %get3A_595 = arith.index_cast %rem3A_235 : i32 to index
        %get3A_596 = arith.index_cast %scan3A_547 : i32 to index
        %get3A_597 = arith.constant 80 : index
        %get3A_598 = tpu.vector_load %arg9[%get3A_595, %get3A_596, %get3A_597] {strides = array<i32>} : memref<2x80x128xf32, #tpu.memory_space<vmem>>, vector<16xf32>,
        %mul3A_599 = arith.mulf %get3A_598, %gather3A_549 : vector<16xf32>
        %swap3A_600 = arith.index_cast %rem3A_235 : i32 to index
        %swap3A_601 = arith.index_cast %scan3A_547 : i32 to index
        %swap3A_602 = arith.constant 80 : index
        %swap3A_603 = tpu.vector_load %arg9[%swap3A_600, %swap3A_601, %swap3A_602] {strides = array<i32>} : memref<2x80x128xf32, #tpu.memory_space<vmem>>, vector<16xf32>,
        tpu.vector_store %arg9[%swap3A_600, %swap3A_601, %swap3A_602], %mul3A_599 {strides = array<i32>} : memref<2x80x128xf32, #tpu.memory_space<vmem>>, vector<16xf32>,
        %get3A_604 = arith.index_cast %rem3A_235 : i32 to index
        %get3A_605 = arith.index_cast %scan3A_547 : i32 to index
        %get3A_606 = arith.constant 96 : index
        %get3A_607 = tpu.vector_load %arg9[%get3A_604, %get3A_605, %get3A_606] {strides = array<i32>} : memref<2x80x128xf32, #tpu.memory_space<vmem>>, vector<16xf32>,
        %mul3A_608 = arith.mulf %get3A_607, %gather3A_549 : vector<16xf32>
        %swap3A_609 = arith.index_cast %rem3A_235 : i32 to index
        %swap3A_610 = arith.index_cast %scan3A_547 : i32 to index
        %swap3A_611 = arith.constant 96 : index
        %swap3A_612 = tpu.vector_load %arg9[%swap3A_609, %swap3A_610, %swap3A_611] {strides = array<i32>} : memref<2x80x128xf32, #tpu.memory_space<vmem>>, vector<16xf32>,
        tpu.vector_store %arg9[%swap3A_609, %swap3A_610, %swap3A_611], %mul3A_608 {strides = array<i32>} : memref<2x80x128xf32, #tpu.memory_space<vmem>>, vector<16xf32>,
        %get3A_613 = arith.index_cast %rem3A_235 : i32 to index
        %get3A_614 = arith.index_cast %scan3A_547 : i32 to index
        %get3A_615 = arith.constant 112 : index
        %get3A_616 = tpu.vector_load %arg9[%get3A_613, %get3A_614, %get3A_615] {strides = array<i32>} : memref<2x80x128xf32, #tpu.memory_space<vmem>>, vector<16xf32>,
        %mul3A_617 = arith.mulf %get3A_616, %gather3A_549 : vector<16xf32>
        %swap3A_618 = arith.index_cast %rem3A_235 : i32 to index
        %swap3A_619 = arith.index_cast %scan3A_547 : i32 to index
        %swap3A_620 = arith.constant 112 : index
        %swap3A_621 = tpu.vector_load %arg9[%swap3A_618, %swap3A_619, %swap3A_620] {strides = array<i32>} : memref<2x80x128xf32, #tpu.memory_space<vmem>>, vector<16xf32>,
        tpu.vector_store %arg9[%swap3A_618, %swap3A_619, %swap3A_620], %mul3A_617 {strides = array<i32>} : memref<2x80x128xf32, #tpu.memory_space<vmem>>, vector<16xf32>,
        %scan3A_622 = arith.constant 0 : i32
        %scan3A_623 = arith.constant 4 : i32
        %scan3A_624 = arith.addi %scan3A_318, %scan3A_623 : i32
        %broadcast_in_dim3A_625 = vector.broadcast %scan3A_624 : i32 to vector<16xi32>
        %gather3A_626 = tpu.vector_load_idx %arg8[%broadcast_in_dim3A_274, %broadcast_in_dim3A_625] : memref<4x80xf32, #tpu.memory_space<vmem>>[vector<16xi32>, vector<16xi32>], vector<16xf32>,
        %get3A_627 = arith.index_cast %rem3A_235 : i32 to index
        %get3A_628 = arith.index_cast %scan3A_624 : i32 to index
        %get3A_629 = arith.constant 0 : index
        %get3A_630 = tpu.vector_load %arg9[%get3A_627, %get3A_628, %get3A_629] {strides = array<i32>} : memref<2x80x128xf32, #tpu.memory_space<vmem>>, vector<16xf32>,
        %mul3A_631 = arith.mulf %get3A_630, %gather3A_626 : vector<16xf32>
        %swap3A_632 = arith.index_cast %rem3A_235 : i32 to index
        %swap3A_633 = arith.index_cast %scan3A_624 : i32 to index
        %swap3A_634 = arith.constant 0 : index
        %swap3A_635 = tpu.vector_load %arg9[%swap3A_632, %swap3A_633, %swap3A_634] {strides = array<i32>} : memref<2x80x128xf32, #tpu.memory_space<vmem>>, vector<16xf32>,
        tpu.vector_store %arg9[%swap3A_632, %swap3A_633, %swap3A_634], %mul3A_631 {strides = array<i32>} : memref<2x80x128xf32, #tpu.memory_space<vmem>>, vector<16xf32>,
        %get3A_636 = arith.index_cast %rem3A_235 : i32 to index
        %get3A_637 = arith.index_cast %scan3A_624 : i32 to index
        %get3A_638 = arith.constant 16 : index
        %get3A_639 = tpu.vector_load %arg9[%get3A_636, %get3A_637, %get3A_638] {strides = array<i32>} : memref<2x80x128xf32, #tpu.memory_space<vmem>>, vector<16xf32>,
        %mul3A_640 = arith.mulf %get3A_639, %gather3A_626 : vector<16xf32>
        %swap3A_641 = arith.index_cast %rem3A_235 : i32 to index
        %swap3A_642 = arith.index_cast %scan3A_624 : i32 to index
        %swap3A_643 = arith.constant 16 : index
        %swap3A_644 = tpu.vector_load %arg9[%swap3A_641, %swap3A_642, %swap3A_643] {strides = array<i32>} : memref<2x80x128xf32, #tpu.memory_space<vmem>>, vector<16xf32>,
        tpu.vector_store %arg9[%swap3A_641, %swap3A_642, %swap3A_643], %mul3A_640 {strides = array<i32>} : memref<2x80x128xf32, #tpu.memory_space<vmem>>, vector<16xf32>,
        %get3A_645 = arith.index_cast %rem3A_235 : i32 to index
        %get3A_646 = arith.index_cast %scan3A_624 : i32 to index
        %get3A_647 = arith.constant 32 : index
        %get3A_648 = tpu.vector_load %arg9[%get3A_645, %get3A_646, %get3A_647] {strides = array<i32>} : memref<2x80x128xf32, #tpu.memory_space<vmem>>, vector<16xf32>,
        %mul3A_649 = arith.mulf %get3A_648, %gather3A_626 : vector<16xf32>
        %swap3A_650 = arith.index_cast %rem3A_235 : i32 to index
        %swap3A_651 = arith.index_cast %scan3A_624 : i32 to index
        %swap3A_652 = arith.constant 32 : index
        %swap3A_653 = tpu.vector_load %arg9[%swap3A_650, %swap3A_651, %swap3A_652] {strides = array<i32>} : memref<2x80x128xf32, #tpu.memory_space<vmem>>, vector<16xf32>,
        tpu.vector_store %arg9[%swap3A_650, %swap3A_651, %swap3A_652], %mul3A_649 {strides = array<i32>} : memref<2x80x128xf32, #tpu.memory_space<vmem>>, vector<16xf32>,
        %get3A_654 = arith.index_cast %rem3A_235 : i32 to index
        %get3A_655 = arith.index_cast %scan3A_624 : i32 to index
        %get3A_656 = arith.constant 48 : index
        %get3A_657 = tpu.vector_load %arg9[%get3A_654, %get3A_655, %get3A_656] {strides = array<i32>} : memref<2x80x128xf32, #tpu.memory_space<vmem>>, vector<16xf32>,
        %mul3A_658 = arith.mulf %get3A_657, %gather3A_626 : vector<16xf32>
        %swap3A_659 = arith.index_cast %rem3A_235 : i32 to index
        %swap3A_660 = arith.index_cast %scan3A_624 : i32 to index
        %swap3A_661 = arith.constant 48 : index
        %swap3A_662 = tpu.vector_load %arg9[%swap3A_659, %swap3A_660, %swap3A_661] {strides = array<i32>} : memref<2x80x128xf32, #tpu.memory_space<vmem>>, vector<16xf32>,
        tpu.vector_store %arg9[%swap3A_659, %swap3A_660, %swap3A_661], %mul3A_658 {strides = array<i32>} : memref<2x80x128xf32, #tpu.memory_space<vmem>>, vector<16xf32>,
        %get3A_663 = arith.index_cast %rem3A_235 : i32 to index
        %get3A_664 = arith.index_cast %scan3A_624 : i32 to index
        %get3A_665 = arith.constant 64 : index
        %get3A_666 = tpu.vector_load %arg9[%get3A_663, %get3A_664, %get3A_665] {strides = array<i32>} : memref<2x80x128xf32, #tpu.memory_space<vmem>>, vector<16xf32>,
        %mul3A_667 = arith.mulf %get3A_666, %gather3A_626 : vector<16xf32>
        %swap3A_668 = arith.index_cast %rem3A_235 : i32 to index
        %swap3A_669 = arith.index_cast %scan3A_624 : i32 to index
        %swap3A_670 = arith.constant 64 : index
        %swap3A_671 = tpu.vector_load %arg9[%swap3A_668, %swap3A_669, %swap3A_670] {strides = array<i32>} : memref<2x80x128xf32, #tpu.memory_space<vmem>>, vector<16xf32>,
        tpu.vector_store %arg9[%swap3A_668, %swap3A_669, %swap3A_670], %mul3A_667 {strides = array<i32>} : memref<2x80x128xf32, #tpu.memory_space<vmem>>, vector<16xf32>,
        %get3A_672 = arith.index_cast %rem3A_235 : i32 to index
        %get3A_673 = arith.index_cast %scan3A_624 : i32 to index
        %get3A_674 = arith.constant 80 : index
        %get3A_675 = tpu.vector_load %arg9[%get3A_672, %get3A_673, %get3A_674] {strides = array<i32>} : memref<2x80x128xf32, #tpu.memory_space<vmem>>, vector<16xf32>,
        %mul3A_676 = arith.mulf %get3A_675, %gather3A_626 : vector<16xf32>
        %swap3A_677 = arith.index_cast %rem3A_235 : i32 to index
        %swap3A_678 = arith.index_cast %scan3A_624 : i32 to index
        %swap3A_679 = arith.constant 80 : index
        %swap3A_680 = tpu.vector_load %arg9[%swap3A_677, %swap3A_678, %swap3A_679] {strides = array<i32>} : memref<2x80x128xf32, #tpu.memory_space<vmem>>, vector<16xf32>,
        tpu.vector_store %arg9[%swap3A_677, %swap3A_678, %swap3A_679], %mul3A_676 {strides = array<i32>} : memref<2x80x128xf32, #tpu.memory_space<vmem>>, vector<16xf32>,
        %get3A_681 = arith.index_cast %rem3A_235 : i32 to index
        %get3A_682 = arith.index_cast %scan3A_624 : i32 to index
        %get3A_683 = arith.constant 96 : index
        %get3A_684 = tpu.vector_load %arg9[%get3A_681, %get3A_682, %get3A_683] {strides = array<i32>} : memref<2x80x128xf32, #tpu.memory_space<vmem>>, vector<16xf32>,
        %mul3A_685 = arith.mulf %get3A_684, %gather3A_626 : vector<16xf32>
        %swap3A_686 = arith.index_cast %rem3A_235 : i32 to index
        %swap3A_687 = arith.index_cast %scan3A_624 : i32 to index
        %swap3A_688 = arith.constant 96 : index
        %swap3A_689 = tpu.vector_load %arg9[%swap3A_686, %swap3A_687, %swap3A_688] {strides = array<i32>} : memref<2x80x128xf32, #tpu.memory_space<vmem>>, vector<16xf32>,
        tpu.vector_store %arg9[%swap3A_686, %swap3A_687, %swap3A_688], %mul3A_685 {strides = array<i32>} : memref<2x80x128xf32, #tpu.memory_space<vmem>>, vector<16xf32>,
        %get3A_690 = arith.index_cast %rem3A_235 : i32 to index
        %get3A_691 = arith.index_cast %scan3A_624 : i32 to index
        %get3A_692 = arith.constant 112 : index
        %get3A_693 = tpu.vector_load %arg9[%get3A_690, %get3A_691, %get3A_692] {strides = array<i32>} : memref<2x80x128xf32, #tpu.memory_space<vmem>>, vector<16xf32>,
        %mul3A_694 = arith.mulf %get3A_693, %gather3A_626 : vector<16xf32>
        %swap3A_695 = arith.index_cast %rem3A_235 : i32 to index
        %swap3A_696 = arith.index_cast %scan3A_624 : i32 to index
        %swap3A_697 = arith.constant 112 : index
        %swap3A_698 = tpu.vector_load %arg9[%swap3A_695, %swap3A_696, %swap3A_697] {strides = array<i32>} : memref<2x80x128xf32, #tpu.memory_space<vmem>>, vector<16xf32>,
        tpu.vector_store %arg9[%swap3A_695, %swap3A_696, %swap3A_697], %mul3A_694 {strides = array<i32>} : memref<2x80x128xf32, #tpu.memory_space<vmem>>, vector<16xf32>,
        %scan3A_699 = arith.constant 0 : i32
        scf.yield %scan3A_699 : i32
      }
      %scan3A_302 = arith.constant 40 : i32
      %mul3A_303 = arith.constant 2 : i32
      %mul3A_304 = arith.muli %mul3A_303, %rem3A_238 : i32
      %add3A_305 = arith.constant 1 : i32
      %add3A_306 = arith.addi %mul3A_304, %add3A_305 : i32
      %dma_start3A_307 = arith.constant 40 : i32
      %dma_start3A_308 = arith.constant 0 : i32
      %dma_start3A_309 = tpu.memref_slice %arg9[%rem3A_235, %dma_start3A_307, %dma_start3A_308] : memref<2x80x128xf32, #tpu.memory_space<vmem>> -> memref<1x40x128xf32, #tpu.memory_space<vmem>>
      %dma_start3A_310 = tpu.memref_squeeze %dma_start3A_309 : memref<1x40x128xf32, #tpu.memory_space<vmem>> -> memref<40x128xf32, #tpu.memory_space<vmem>>
      %dma_start3A_311 = arith.constant 0 : i32
      %dma_start3A_312 = tpu.memref_slice %arg7[%add3A_306, %dma_start3A_311] : memref<8x40xi32, #tpu.memory_space<vmem>> -> memref<1x40xi32, #tpu.memory_space<vmem>>
      %dma_start3A_313 = tpu.memref_squeeze %dma_start3A_312 : memref<1x40xi32, #tpu.memory_space<vmem>> -> memref<40xi32, #tpu.memory_space<vmem>>
      %dma_start3A_314 = arith.constant 0 : i32
      %dma_start3A_315 = arith.constant 0 : i32
      %dma_start3A_316 = tpu.memref_slice %arg10[%dma_start3A_314, %dma_start3A_315] : memref<10000x128xf32, #tpu.memory_space<vmem_shared>> -> memref<10000x128xf32, #tpu.memory_space<vmem_shared>>
      tpu.enqueue_indirect_dma source(%dma_start3A_310 : memref<40x128xf32, #tpu.memory_space<vmem>>) target(%dma_start3A_316 : memref<10000x128xf32, #tpu.memory_space<vmem_shared>>) offsets(%dma_start3A_313 : memref<40xi32, #tpu.memory_space<vmem>>) semaphore(%arg13 : memref<!tpu.dma_semaphore, #tpu.memory_space<semaphore_mem>>) {add = true}
      %scan3A_317 = arith.constant 0 : i32
      scf.yield %scan3A_317 : i32
    }
    %scan3A_193 = arith.constant 125 : i32
    %rem3A = arith.constant 124 : i32
    %rem3A_194 = arith.constant 2 : i32
    %rem3A_195 = arith.remsi %rem3A, %rem3A_194 : i32
    %rem3A_196 = arith.constant 124 : i32
    %rem3A_197 = arith.constant 4 : i32
    %rem3A_198 = arith.remsi %rem3A_196, %rem3A_197 : i32
    %mul3A_199 = arith.constant 2 : i32
    %mul3A_200 = arith.muli %mul3A_199, %rem3A_198 : i32
    %add3A_201 = arith.constant 0 : i32
    %add3A_202 = arith.addi %mul3A_200, %add3A_201 : i32
    %dma_wait3A_203 = arith.constant 0 : i32
    %dma_wait3A_204 = arith.constant 0 : i32
    %dma_wait3A_205 = tpu.memref_slice %arg9[%rem3A_195, %dma_wait3A_203, %dma_wait3A_204] : memref<2x80x128xf32, #tpu.memory_space<vmem>> -> memref<1x40x128xf32, #tpu.memory_space<vmem>>
    %dma_wait3A_206 = tpu.memref_squeeze %dma_wait3A_205 : memref<1x40x128xf32, #tpu.memory_space<vmem>> -> memref<40x128xf32, #tpu.memory_space<vmem>>
    %dma_wait3A_207 = arith.constant 0 : i32
    %dma_wait3A_208 = tpu.memref_slice %arg7[%add3A_202, %dma_wait3A_207] : memref<8x40xi32, #tpu.memory_space<vmem>> -> memref<1x40xi32, #tpu.memory_space<vmem>>
    %dma_wait3A_209 = tpu.memref_squeeze %dma_wait3A_208 : memref<1x40xi32, #tpu.memory_space<vmem>> -> memref<40xi32, #tpu.memory_space<vmem>>
    %dma_wait3A_210 = arith.constant 0 : i32
    %dma_wait3A_211 = arith.constant 0 : i32
    %dma_wait3A_212 = tpu.memref_slice %arg10[%dma_wait3A_210, %dma_wait3A_211] : memref<10000x128xf32, #tpu.memory_space<vmem_shared>> -> memref<10000x128xf32, #tpu.memory_space<vmem_shared>>
    tpu.wait_indirect_dma semaphore(%arg13 : memref<!tpu.dma_semaphore, #tpu.memory_space<semaphore_mem>>) src(%dma_wait3A_206 : memref<40x128xf32, #tpu.memory_space<vmem>>) dst(%dma_wait3A_212 : memref<10000x128xf32, #tpu.memory_space<vmem_shared>>)
    %mul3A_213 = arith.constant 2 : i32
    %mul3A_214 = arith.muli %mul3A_213, %rem3A_198 : i32
    %add3A_215 = arith.constant 1 : i32
    %add3A_216 = arith.addi %mul3A_214, %add3A_215 : i32
    %dma_wait3A_217 = arith.constant 40 : i32
    %dma_wait3A_218 = arith.constant 0 : i32
    %dma_wait3A_219 = tpu.memref_slice %arg9[%rem3A_195, %dma_wait3A_217, %dma_wait3A_218] : memref<2x80x128xf32, #tpu.memory_space<vmem>> -> memref<1x40x128xf32, #tpu.memory_space<vmem>>
    %dma_wait3A_220 = tpu.memref_squeeze %dma_wait3A_219 : memref<1x40x128xf32, #tpu.memory_space<vmem>> -> memref<40x128xf32, #tpu.memory_space<vmem>>
    %dma_wait3A_221 = arith.constant 0 : i32
    %dma_wait3A_222 = tpu.memref_slice %arg7[%add3A_216, %dma_wait3A_221] : memref<8x40xi32, #tpu.memory_space<vmem>> -> memref<1x40xi32, #tpu.memory_space<vmem>>
    %dma_wait3A_223 = tpu.memref_squeeze %dma_wait3A_222 : memref<1x40xi32, #tpu.memory_space<vmem>> -> memref<40xi32, #tpu.memory_space<vmem>>
    %dma_wait3A_224 = arith.constant 0 : i32
    %dma_wait3A_225 = arith.constant 0 : i32
    %dma_wait3A_226 = tpu.memref_slice %arg10[%dma_wait3A_224, %dma_wait3A_225] : memref<10000x128xf32, #tpu.memory_space<vmem_shared>> -> memref<10000x128xf32, #tpu.memory_space<vmem_shared>>
    tpu.wait_indirect_dma semaphore(%arg13 : memref<!tpu.dma_semaphore, #tpu.memory_space<semaphore_mem>>) src(%dma_wait3A_220 : memref<40x128xf32, #tpu.memory_space<vmem>>) dst(%dma_wait3A_226 : memref<10000x128xf32, #tpu.memory_space<vmem_shared>>)
    %barrier3A_227 = arith.constant 0 : index
    tpu.barrier barrier_id(%barrier3A_227)
    %mul3A_228 = arith.constant 624 : i32
    %mul3A_229 = arith.muli %arg1, %mul3A_228 : i32
    "tpu.region"() ({
      %run_scoped3A_232 = tpu.sem_alloc : memref<!tpu.dma_semaphore, #tpu.memory_space<semaphore_mem>>
      %dma_start3A_233 = arith.constant 0 : i32
      %dma_start3A_234 = tpu.memref_slice %arg5[%arg0, %mul3A_229, %dma_start3A_233] : memref<2x10000x128xf32, #tpu.memory_space<hbm>> -> memref<1x624x128xf32, #tpu.memory_space<hbm>>
      %dma_start3A_235 = tpu.memref_squeeze %dma_start3A_234 : memref<1x624x128xf32, #tpu.memory_space<hbm>> -> memref<624x128xf32, #tpu.memory_space<hbm>>
      %dma_start3A_236 = arith.constant 0 : i32
      %dma_start3A_237 = tpu.memref_slice %arg10[%mul3A_229, %dma_start3A_236] : memref<10000x128xf32, #tpu.memory_space<vmem_shared>> -> memref<624x128xf32, #tpu.memory_space<vmem_shared>>
      tpu.enqueue_dma source(%dma_start3A_237 : memref<624x128xf32, #tpu.memory_space<vmem_shared>>) target(%dma_start3A_235 : memref<624x128xf32, #tpu.memory_space<hbm>>) target_semaphore(%run_scoped3A_232 : memref<!tpu.dma_semaphore, #tpu.memory_space<semaphore_mem>>)
      %dma_wait3A_238 = arith.constant 0 : i32
      %dma_wait3A_239 = tpu.memref_slice %arg5[%arg0, %mul3A_229, %dma_wait3A_238] : memref<2x10000x128xf32, #tpu.memory_space<hbm>> -> memref<1x624x128xf32, #tpu.memory_space<hbm>>
      %dma_wait3A_240 = tpu.memref_squeeze %dma_wait3A_239 : memref<1x624x128xf32, #tpu.memory_space<hbm>> -> memref<624x128xf32, #tpu.memory_space<hbm>>
      %dma_wait3A_241 = arith.constant 0 : i32
      %dma_wait3A_242 = tpu.memref_slice %arg10[%mul3A_229, %dma_wait3A_241] : memref<10000x128xf32, #tpu.memory_space<vmem_shared>> -> memref<624x128xf32, #tpu.memory_space<vmem_shared>>
      tpu.wait_dma2 semaphore(%run_scoped3A_232 : memref<!tpu.dma_semaphore, #tpu.memory_space<semaphore_mem>>) src(%dma_wait3A_242 : memref<624x128xf32, #tpu.memory_space<vmem_shared>>) dst(%dma_wait3A_240 : memref<624x128xf32, #tpu.memory_space<hbm>>)
      tpu.yield
    }) : () -> ()
    %eq3A = arith.constant 0 : i32
    %eq3A_230 = arith.cmpi eq, %arg1, %eq3A : i32
    %convert_element_type3A = arith.extui %eq3A_230 : i1 to i32
    %cond3A = arith.constant 0 : i32
    %cond3A_231 = arith.cmpi ne, %convert_element_type3A, %cond3A : i32
    scf.if %cond3A_231 {
      "tpu.region"() ({
        %run_scoped3A_232 = tpu.sem_alloc : memref<!tpu.dma_semaphore, #tpu.memory_space<semaphore_mem>>
        %dma_start3A_233 = arith.constant 9984 : i32
        %dma_start3A_234 = arith.constant 0 : i32
        %dma_start3A_235 = tpu.memref_slice %arg5[%arg0, %dma_start3A_233, %dma_start3A_234] : memref<2x10000x128xf32, #tpu.memory_space<hbm>> -> memref<1x16x128xf32, #tpu.memory_space<hbm>>
        %dma_start3A_236 = tpu.memref_squeeze %dma_start3A_235 : memref<1x16x128xf32, #tpu.memory_space<hbm>> -> memref<16x128xf32, #tpu.memory_space<hbm>>
        %dma_start3A_237 = arith.constant 9984 : i32
        %dma_start3A_238 = arith.constant 0 : i32
        %dma_start3A_239 = tpu.memref_slice %arg10[%dma_start3A_237, %dma_start3A_238] : memref<10000x128xf32, #tpu.memory_space<vmem_shared>> -> memref<16x128xf32, #tpu.memory_space<vmem_shared>>
        tpu.enqueue_dma source(%dma_start3A_239 : memref<16x128xf32, #tpu.memory_space<vmem_shared>>) target(%dma_start3A_236 : memref<16x128xf32, #tpu.memory_space<hbm>>) target_semaphore(%run_scoped3A_232 : memref<!tpu.dma_semaphore, #tpu.memory_space<semaphore_mem>>)
        %dma_wait3A_240 = arith.constant 9984 : i32
        %dma_wait3A_241 = arith.constant 0 : i32
        %dma_wait3A_242 = tpu.memref_slice %arg5[%arg0, %dma_wait3A_240, %dma_wait3A_241] : memref<2x10000x128xf32, #tpu.memory_space<hbm>> -> memref<1x16x128xf32, #tpu.memory_space<hbm>>
        %dma_wait3A_243 = tpu.memref_squeeze %dma_wait3A_242 : memref<1x16x128xf32, #tpu.memory_space<hbm>> -> memref<16x128xf32, #tpu.memory_space<hbm>>
        %dma_wait3A_244 = arith.constant 9984 : i32
        %dma_wait3A_245 = arith.constant 0 : i32
        %dma_wait3A_246 = tpu.memref_slice %arg10[%dma_wait3A_244, %dma_wait3A_245] : memref<10000x128xf32, #tpu.memory_space<vmem_shared>> -> memref<16x128xf32, #tpu.memory_space<vmem_shared>>
        tpu.wait_dma2 semaphore(%run_scoped3A_232 : memref<!tpu.dma_semaphore, #tpu.memory_space<semaphore_mem>>) src(%dma_wait3A_246 : memref<16x128xf32, #tpu.memory_space<vmem_shared>>) dst(%dma_wait3A_243 : memref<16x128xf32, #tpu.memory_space<hbm>>)
        tpu.yield
      }) : () -> ()
    } else {
    }
    return
  }
}

#map = affine_map<(d0, d1) -> (0)>
#map1 = affine_map<(d0, d1) -> (0, 0)>
module attributes {stable_mosaic.version = 14 : i64} {
  func.func @_sc_logits_body(%arg0: i32, %arg1: i32, %arg2: memref<10000xf32, #tpu.memory_space<hbm>>, %arg3: memref<10000xf32, #tpu.memory_space<hbm>>, %arg4: memref<640000xi32, #tpu.memory_space<hbm>>, %arg5: memref<320000xf32, #tpu.memory_space<hbm>>, %arg6: memref<32x10000xf32, #tpu.memory_space<hbm>>, %arg7: memref<10000xi32, #tpu.memory_space<vmem>>, %arg8: memref<10000xi32, #tpu.memory_space<vmem>>, %arg9: memref<10000xf32, #tpu.memory_space<vmem>>, %arg10: memref<10000xf32, #tpu.memory_space<vmem>>, %arg11: memref<10000xf32, #tpu.memory_space<vmem>>, %arg12: memref<10000xf32, #tpu.memory_space<vmem>>) attributes {dimension_semantics = [#tpu.dimension_semantics<core_parallel>, #tpu.dimension_semantics<subcore_parallel>], iteration_bounds = array<i64: 2, 16>, scalar_prefetch = 0 : i64, scratch_operands = 6 : i64, tpu.core_type = #tpu.core_type<sc_vector_subcore>, window_params = [{transform_indices = #map}, {transform_indices = #map}, {transform_indices = #map}, {transform_indices = #map}, {transform_indices = #map1}]} {
    %mul3A = arith.constant 16 : i32
    %mul3A_0 = arith.muli %arg0, %mul3A : i32
    %add3A = arith.addi %mul3A_0, %arg1 : i32
    %mul3A_1 = arith.constant 10000 : i32
    %mul3A_2 = arith.muli %add3A, %mul3A_1 : i32
    "tpu.region"() ({
      %run_scoped3A = tpu.sem_alloc : memref<!tpu.dma_semaphore, #tpu.memory_space<semaphore_mem>>
      %dma_start3A = tpu.memref_slice %arg4[%mul3A_2] : memref<640000xi32, #tpu.memory_space<hbm>> -> memref<10000xi32, #tpu.memory_space<hbm>>
      %dma_start3A_19 = tpu.memref_slice %arg4[%mul3A_2] : memref<640000xi32, #tpu.memory_space<hbm>> -> memref<10000xi32, #tpu.memory_space<hbm>>
      tpu.enqueue_dma source(%dma_start3A_19 : memref<10000xi32, #tpu.memory_space<hbm>>) target(%arg7 : memref<10000xi32, #tpu.memory_space<vmem>>) target_semaphore(%run_scoped3A : memref<!tpu.dma_semaphore, #tpu.memory_space<semaphore_mem>>)
      %dma_wait3A = tpu.memref_slice %arg4[%mul3A_2] : memref<640000xi32, #tpu.memory_space<hbm>> -> memref<10000xi32, #tpu.memory_space<hbm>>
      %dma_wait3A_20 = tpu.memref_slice %arg4[%mul3A_2] : memref<640000xi32, #tpu.memory_space<hbm>> -> memref<10000xi32, #tpu.memory_space<hbm>>
      tpu.wait_dma2 semaphore(%run_scoped3A : memref<!tpu.dma_semaphore, #tpu.memory_space<semaphore_mem>>) src(%dma_wait3A_20 : memref<10000xi32, #tpu.memory_space<hbm>>) dst(%arg7 : memref<10000xi32, #tpu.memory_space<vmem>>)
      tpu.yield
    }) : () -> ()
    %add3A_3 = arith.constant 320000 : i32
    %add3A_4 = arith.addi %add3A_3, %mul3A_2 : i32
    "tpu.region"() ({
      %run_scoped3A = tpu.sem_alloc : memref<!tpu.dma_semaphore, #tpu.memory_space<semaphore_mem>>
      %dma_start3A = tpu.memref_slice %arg4[%add3A_4] : memref<640000xi32, #tpu.memory_space<hbm>> -> memref<10000xi32, #tpu.memory_space<hbm>>
      %dma_start3A_19 = tpu.memref_slice %arg4[%add3A_4] : memref<640000xi32, #tpu.memory_space<hbm>> -> memref<10000xi32, #tpu.memory_space<hbm>>
      tpu.enqueue_dma source(%dma_start3A_19 : memref<10000xi32, #tpu.memory_space<hbm>>) target(%arg8 : memref<10000xi32, #tpu.memory_space<vmem>>) target_semaphore(%run_scoped3A : memref<!tpu.dma_semaphore, #tpu.memory_space<semaphore_mem>>)
      %dma_wait3A = tpu.memref_slice %arg4[%add3A_4] : memref<640000xi32, #tpu.memory_space<hbm>> -> memref<10000xi32, #tpu.memory_space<hbm>>
      %dma_wait3A_20 = tpu.memref_slice %arg4[%add3A_4] : memref<640000xi32, #tpu.memory_space<hbm>> -> memref<10000xi32, #tpu.memory_space<hbm>>
      tpu.wait_dma2 semaphore(%run_scoped3A : memref<!tpu.dma_semaphore, #tpu.memory_space<semaphore_mem>>) src(%dma_wait3A_20 : memref<10000xi32, #tpu.memory_space<hbm>>) dst(%arg8 : memref<10000xi32, #tpu.memory_space<vmem>>)
      tpu.yield
    }) : () -> ()
    "tpu.region"() ({
      %run_scoped3A = tpu.sem_alloc : memref<!tpu.dma_semaphore, #tpu.memory_space<semaphore_mem>>
      tpu.enqueue_dma source(%arg2 : memref<10000xf32, #tpu.memory_space<hbm>>) target(%arg10 : memref<10000xf32, #tpu.memory_space<vmem>>) target_semaphore(%run_scoped3A : memref<!tpu.dma_semaphore, #tpu.memory_space<semaphore_mem>>)
      tpu.wait_dma2 semaphore(%run_scoped3A : memref<!tpu.dma_semaphore, #tpu.memory_space<semaphore_mem>>) src(%arg2 : memref<10000xf32, #tpu.memory_space<hbm>>) dst(%arg10 : memref<10000xf32, #tpu.memory_space<vmem>>)
      tpu.yield
    }) : () -> ()
    "tpu.region"() ({
      %run_scoped3A = tpu.sem_alloc : memref<!tpu.dma_semaphore, #tpu.memory_space<semaphore_mem>>
      tpu.enqueue_dma source(%arg3 : memref<10000xf32, #tpu.memory_space<hbm>>) target(%arg11 : memref<10000xf32, #tpu.memory_space<vmem>>) target_semaphore(%run_scoped3A : memref<!tpu.dma_semaphore, #tpu.memory_space<semaphore_mem>>)
      tpu.wait_dma2 semaphore(%run_scoped3A : memref<!tpu.dma_semaphore, #tpu.memory_space<semaphore_mem>>) src(%arg3 : memref<10000xf32, #tpu.memory_space<hbm>>) dst(%arg11 : memref<10000xf32, #tpu.memory_space<vmem>>)
      tpu.yield
    }) : () -> ()
    %broadcast_in_dim3A = arith.constant 0.000000e+00 : f32
    %broadcast_in_dim3A_5 = vector.broadcast %broadcast_in_dim3A : f32 to vector<16xf32>
    %scan3A = arith.constant 0 : i32
    %scan3A_6 = arith.constant 0 : i32
    %scan3A_7 = arith.constant 625 : i32
    %scan3A_8 = arith.addi %scan3A_6, %scan3A_7 : i32
    %scan3A_9 = arith.constant 1 : i32
    %scan3A_10 = scf.for %scan3A_19 = %scan3A_6 to %scan3A_8 step %scan3A_9 iter_args(%scan3A_20 = %scan3A) -> (i32)  : i32 {
      %mul3A_21 = arith.constant 16 : i32
      %mul3A_22 = arith.muli %scan3A_19, %mul3A_21 : i32
      %swap3A = arith.index_cast %mul3A_22 : i32 to index
      %swap3A_23 = tpu.vector_load %arg12[%swap3A] {strides = array<i32>} : memref<10000xf32, #tpu.memory_space<vmem>>, vector<16xf32>,
      tpu.vector_store %arg12[%swap3A], %broadcast_in_dim3A_5 {strides = array<i32>} : memref<10000xf32, #tpu.memory_space<vmem>>, vector<16xf32>,
      %scan3A_24 = arith.constant 0 : i32
      scf.yield %scan3A_24 : i32
    }
    %scan3A_11 = arith.constant 625 : i32
    %scan3A_12 = arith.constant 0 : i32
    %scan3A_13 = arith.constant 0 : i32
    %scan3A_14 = arith.constant 625 : i32
    %scan3A_15 = arith.addi %scan3A_13, %scan3A_14 : i32
    %scan3A_16 = arith.constant 5 : i32
    %scan3A_17 = scf.for %scan3A_19 = %scan3A_13 to %scan3A_15 step %scan3A_16 iter_args(%scan3A_20 = %scan3A_12) -> (i32)  : i32 {
      %mul3A_21 = arith.constant 16 : i32
      %mul3A_22 = arith.muli %scan3A_19, %mul3A_21 : i32
      %get3A = arith.index_cast %mul3A_22 : i32 to index
      %get3A_23 = tpu.vector_load %arg7[%get3A] {strides = array<i32>} : memref<10000xi32, #tpu.memory_space<vmem>>, vector<16xi32>,
      %mul3A_24 = arith.constant 16 : i32
      %mul3A_25 = arith.muli %scan3A_19, %mul3A_24 : i32
      %get3A_26 = arith.index_cast %mul3A_25 : i32 to index
      %get3A_27 = tpu.vector_load %arg8[%get3A_26] {strides = array<i32>} : memref<10000xi32, #tpu.memory_space<vmem>>, vector<16xi32>,
      %gather3A = tpu.vector_load_idx %arg10[%get3A_23] : memref<10000xf32, #tpu.memory_space<vmem>>[vector<16xi32>], vector<16xf32>,
      %gather3A_28 = tpu.vector_load_idx %arg11[%get3A_27] : memref<10000xf32, #tpu.memory_space<vmem>>[vector<16xi32>], vector<16xf32>,
      %add3A_29 = arith.addf %gather3A, %gather3A_28 : vector<16xf32>
      %ge3A = arith.constant 0.000000e+00 : f32
      %ge3A_30 = vector.broadcast %ge3A : f32 to vector<16xf32>
      %ge3A_31 = arith.cmpf oge, %add3A_29, %ge3A_30 : vector<16xf32>
      %mul3A_32 = arith.constant 2.000000e-01 : f32
      %mul3A_33 = vector.broadcast %mul3A_32 : f32 to vector<16xf32>
      %mul3A_34 = arith.mulf %mul3A_33, %add3A_29 : vector<16xf32>
      %select_n3A = arith.select %ge3A_31, %add3A_29, %mul3A_34 : vector<16xi1>, vector<16xf32>
      %exp3A = math.exp %select_n3A : vector<16xf32>
      %mul3A_35 = arith.constant 16 : i32
      %mul3A_36 = arith.muli %scan3A_19, %mul3A_35 : i32
      %swap3A = arith.index_cast %mul3A_36 : i32 to index
      %swap3A_37 = tpu.vector_load %arg9[%swap3A] {strides = array<i32>} : memref<10000xf32, #tpu.memory_space<vmem>>, vector<16xf32>,
      tpu.vector_store %arg9[%swap3A], %exp3A {strides = array<i32>} : memref<10000xf32, #tpu.memory_space<vmem>>, vector<16xf32>,
      tpu.vector_store_idx %arg12[%get3A_27], %exp3A {add = true} : memref<10000xf32, #tpu.memory_space<vmem>>[vector<16xi32>], vector<16xf32>,
      %scan3A_38 = arith.constant 0 : i32
      %scan3A_39 = arith.constant 1 : i32
      %scan3A_40 = arith.addi %scan3A_19, %scan3A_39 : i32
      %mul3A_41 = arith.constant 16 : i32
      %mul3A_42 = arith.muli %scan3A_40, %mul3A_41 : i32
      %get3A_43 = arith.index_cast %mul3A_42 : i32 to index
      %get3A_44 = tpu.vector_load %arg7[%get3A_43] {strides = array<i32>} : memref<10000xi32, #tpu.memory_space<vmem>>, vector<16xi32>,
      %mul3A_45 = arith.constant 16 : i32
      %mul3A_46 = arith.muli %scan3A_40, %mul3A_45 : i32
      %get3A_47 = arith.index_cast %mul3A_46 : i32 to index
      %get3A_48 = tpu.vector_load %arg8[%get3A_47] {strides = array<i32>} : memref<10000xi32, #tpu.memory_space<vmem>>, vector<16xi32>,
      %gather3A_49 = tpu.vector_load_idx %arg10[%get3A_44] : memref<10000xf32, #tpu.memory_space<vmem>>[vector<16xi32>], vector<16xf32>,
      %gather3A_50 = tpu.vector_load_idx %arg11[%get3A_48] : memref<10000xf32, #tpu.memory_space<vmem>>[vector<16xi32>], vector<16xf32>,
      %add3A_51 = arith.addf %gather3A_49, %gather3A_50 : vector<16xf32>
      %ge3A_52 = arith.constant 0.000000e+00 : f32
      %ge3A_53 = vector.broadcast %ge3A_52 : f32 to vector<16xf32>
      %ge3A_54 = arith.cmpf oge, %add3A_51, %ge3A_53 : vector<16xf32>
      %mul3A_55 = arith.constant 2.000000e-01 : f32
      %mul3A_56 = vector.broadcast %mul3A_55 : f32 to vector<16xf32>
      %mul3A_57 = arith.mulf %mul3A_56, %add3A_51 : vector<16xf32>
      %select_n3A_58 = arith.select %ge3A_54, %add3A_51, %mul3A_57 : vector<16xi1>, vector<16xf32>
      %exp3A_59 = math.exp %select_n3A_58 : vector<16xf32>
      %mul3A_60 = arith.constant 16 : i32
      %mul3A_61 = arith.muli %scan3A_40, %mul3A_60 : i32
      %swap3A_62 = arith.index_cast %mul3A_61 : i32 to index
      %swap3A_63 = tpu.vector_load %arg9[%swap3A_62] {strides = array<i32>} : memref<10000xf32, #tpu.memory_space<vmem>>, vector<16xf32>,
      tpu.vector_store %arg9[%swap3A_62], %exp3A_59 {strides = array<i32>} : memref<10000xf32, #tpu.memory_space<vmem>>, vector<16xf32>,
      tpu.vector_store_idx %arg12[%get3A_48], %exp3A_59 {add = true} : memref<10000xf32, #tpu.memory_space<vmem>>[vector<16xi32>], vector<16xf32>,
      %scan3A_64 = arith.constant 0 : i32
      %scan3A_65 = arith.constant 2 : i32
      %scan3A_66 = arith.addi %scan3A_19, %scan3A_65 : i32
      %mul3A_67 = arith.constant 16 : i32
      %mul3A_68 = arith.muli %scan3A_66, %mul3A_67 : i32
      %get3A_69 = arith.index_cast %mul3A_68 : i32 to index
      %get3A_70 = tpu.vector_load %arg7[%get3A_69] {strides = array<i32>} : memref<10000xi32, #tpu.memory_space<vmem>>, vector<16xi32>,
      %mul3A_71 = arith.constant 16 : i32
      %mul3A_72 = arith.muli %scan3A_66, %mul3A_71 : i32
      %get3A_73 = arith.index_cast %mul3A_72 : i32 to index
      %get3A_74 = tpu.vector_load %arg8[%get3A_73] {strides = array<i32>} : memref<10000xi32, #tpu.memory_space<vmem>>, vector<16xi32>,
      %gather3A_75 = tpu.vector_load_idx %arg10[%get3A_70] : memref<10000xf32, #tpu.memory_space<vmem>>[vector<16xi32>], vector<16xf32>,
      %gather3A_76 = tpu.vector_load_idx %arg11[%get3A_74] : memref<10000xf32, #tpu.memory_space<vmem>>[vector<16xi32>], vector<16xf32>,
      %add3A_77 = arith.addf %gather3A_75, %gather3A_76 : vector<16xf32>
      %ge3A_78 = arith.constant 0.000000e+00 : f32
      %ge3A_79 = vector.broadcast %ge3A_78 : f32 to vector<16xf32>
      %ge3A_80 = arith.cmpf oge, %add3A_77, %ge3A_79 : vector<16xf32>
      %mul3A_81 = arith.constant 2.000000e-01 : f32
      %mul3A_82 = vector.broadcast %mul3A_81 : f32 to vector<16xf32>
      %mul3A_83 = arith.mulf %mul3A_82, %add3A_77 : vector<16xf32>
      %select_n3A_84 = arith.select %ge3A_80, %add3A_77, %mul3A_83 : vector<16xi1>, vector<16xf32>
      %exp3A_85 = math.exp %select_n3A_84 : vector<16xf32>
      %mul3A_86 = arith.constant 16 : i32
      %mul3A_87 = arith.muli %scan3A_66, %mul3A_86 : i32
      %swap3A_88 = arith.index_cast %mul3A_87 : i32 to index
      %swap3A_89 = tpu.vector_load %arg9[%swap3A_88] {strides = array<i32>} : memref<10000xf32, #tpu.memory_space<vmem>>, vector<16xf32>,
      tpu.vector_store %arg9[%swap3A_88], %exp3A_85 {strides = array<i32>} : memref<10000xf32, #tpu.memory_space<vmem>>, vector<16xf32>,
      tpu.vector_store_idx %arg12[%get3A_74], %exp3A_85 {add = true} : memref<10000xf32, #tpu.memory_space<vmem>>[vector<16xi32>], vector<16xf32>,
      %scan3A_90 = arith.constant 0 : i32
      %scan3A_91 = arith.constant 3 : i32
      %scan3A_92 = arith.addi %scan3A_19, %scan3A_91 : i32
      %mul3A_93 = arith.constant 16 : i32
      %mul3A_94 = arith.muli %scan3A_92, %mul3A_93 : i32
      %get3A_95 = arith.index_cast %mul3A_94 : i32 to index
      %get3A_96 = tpu.vector_load %arg7[%get3A_95] {strides = array<i32>} : memref<10000xi32, #tpu.memory_space<vmem>>, vector<16xi32>,
      %mul3A_97 = arith.constant 16 : i32
      %mul3A_98 = arith.muli %scan3A_92, %mul3A_97 : i32
      %get3A_99 = arith.index_cast %mul3A_98 : i32 to index
      %get3A_100 = tpu.vector_load %arg8[%get3A_99] {strides = array<i32>} : memref<10000xi32, #tpu.memory_space<vmem>>, vector<16xi32>,
      %gather3A_101 = tpu.vector_load_idx %arg10[%get3A_96] : memref<10000xf32, #tpu.memory_space<vmem>>[vector<16xi32>], vector<16xf32>,
      %gather3A_102 = tpu.vector_load_idx %arg11[%get3A_100] : memref<10000xf32, #tpu.memory_space<vmem>>[vector<16xi32>], vector<16xf32>,
      %add3A_103 = arith.addf %gather3A_101, %gather3A_102 : vector<16xf32>
      %ge3A_104 = arith.constant 0.000000e+00 : f32
      %ge3A_105 = vector.broadcast %ge3A_104 : f32 to vector<16xf32>
      %ge3A_106 = arith.cmpf oge, %add3A_103, %ge3A_105 : vector<16xf32>
      %mul3A_107 = arith.constant 2.000000e-01 : f32
      %mul3A_108 = vector.broadcast %mul3A_107 : f32 to vector<16xf32>
      %mul3A_109 = arith.mulf %mul3A_108, %add3A_103 : vector<16xf32>
      %select_n3A_110 = arith.select %ge3A_106, %add3A_103, %mul3A_109 : vector<16xi1>, vector<16xf32>
      %exp3A_111 = math.exp %select_n3A_110 : vector<16xf32>
      %mul3A_112 = arith.constant 16 : i32
      %mul3A_113 = arith.muli %scan3A_92, %mul3A_112 : i32
      %swap3A_114 = arith.index_cast %mul3A_113 : i32 to index
      %swap3A_115 = tpu.vector_load %arg9[%swap3A_114] {strides = array<i32>} : memref<10000xf32, #tpu.memory_space<vmem>>, vector<16xf32>,
      tpu.vector_store %arg9[%swap3A_114], %exp3A_111 {strides = array<i32>} : memref<10000xf32, #tpu.memory_space<vmem>>, vector<16xf32>,
      tpu.vector_store_idx %arg12[%get3A_100], %exp3A_111 {add = true} : memref<10000xf32, #tpu.memory_space<vmem>>[vector<16xi32>], vector<16xf32>,
      %scan3A_116 = arith.constant 0 : i32
      %scan3A_117 = arith.constant 4 : i32
      %scan3A_118 = arith.addi %scan3A_19, %scan3A_117 : i32
      %mul3A_119 = arith.constant 16 : i32
      %mul3A_120 = arith.muli %scan3A_118, %mul3A_119 : i32
      %get3A_121 = arith.index_cast %mul3A_120 : i32 to index
      %get3A_122 = tpu.vector_load %arg7[%get3A_121] {strides = array<i32>} : memref<10000xi32, #tpu.memory_space<vmem>>, vector<16xi32>,
      %mul3A_123 = arith.constant 16 : i32
      %mul3A_124 = arith.muli %scan3A_118, %mul3A_123 : i32
      %get3A_125 = arith.index_cast %mul3A_124 : i32 to index
      %get3A_126 = tpu.vector_load %arg8[%get3A_125] {strides = array<i32>} : memref<10000xi32, #tpu.memory_space<vmem>>, vector<16xi32>,
      %gather3A_127 = tpu.vector_load_idx %arg10[%get3A_122] : memref<10000xf32, #tpu.memory_space<vmem>>[vector<16xi32>], vector<16xf32>,
      %gather3A_128 = tpu.vector_load_idx %arg11[%get3A_126] : memref<10000xf32, #tpu.memory_space<vmem>>[vector<16xi32>], vector<16xf32>,
      %add3A_129 = arith.addf %gather3A_127, %gather3A_128 : vector<16xf32>
      %ge3A_130 = arith.constant 0.000000e+00 : f32
      %ge3A_131 = vector.broadcast %ge3A_130 : f32 to vector<16xf32>
      %ge3A_132 = arith.cmpf oge, %add3A_129, %ge3A_131 : vector<16xf32>
      %mul3A_133 = arith.constant 2.000000e-01 : f32
      %mul3A_134 = vector.broadcast %mul3A_133 : f32 to vector<16xf32>
      %mul3A_135 = arith.mulf %mul3A_134, %add3A_129 : vector<16xf32>
      %select_n3A_136 = arith.select %ge3A_132, %add3A_129, %mul3A_135 : vector<16xi1>, vector<16xf32>
      %exp3A_137 = math.exp %select_n3A_136 : vector<16xf32>
      %mul3A_138 = arith.constant 16 : i32
      %mul3A_139 = arith.muli %scan3A_118, %mul3A_138 : i32
      %swap3A_140 = arith.index_cast %mul3A_139 : i32 to index
      %swap3A_141 = tpu.vector_load %arg9[%swap3A_140] {strides = array<i32>} : memref<10000xf32, #tpu.memory_space<vmem>>, vector<16xf32>,
      tpu.vector_store %arg9[%swap3A_140], %exp3A_137 {strides = array<i32>} : memref<10000xf32, #tpu.memory_space<vmem>>, vector<16xf32>,
      tpu.vector_store_idx %arg12[%get3A_126], %exp3A_137 {add = true} : memref<10000xf32, #tpu.memory_space<vmem>>[vector<16xi32>], vector<16xf32>,
      %scan3A_142 = arith.constant 0 : i32
      scf.yield %scan3A_142 : i32
    }
    %scan3A_18 = arith.constant 625 : i32
    "tpu.region"() ({
      %run_scoped3A = tpu.sem_alloc : memref<!tpu.dma_semaphore, #tpu.memory_space<semaphore_mem>>
      %dma_start3A = tpu.memref_slice %arg5[%mul3A_2] : memref<320000xf32, #tpu.memory_space<hbm>> -> memref<10000xf32, #tpu.memory_space<hbm>>
      %dma_start3A_19 = tpu.memref_slice %arg5[%mul3A_2] : memref<320000xf32, #tpu.memory_space<hbm>> -> memref<10000xf32, #tpu.memory_space<hbm>>
      tpu.enqueue_dma source(%arg9 : memref<10000xf32, #tpu.memory_space<vmem>>) target(%dma_start3A_19 : memref<10000xf32, #tpu.memory_space<hbm>>) target_semaphore(%run_scoped3A : memref<!tpu.dma_semaphore, #tpu.memory_space<semaphore_mem>>)
      %dma_wait3A = tpu.memref_slice %arg5[%mul3A_2] : memref<320000xf32, #tpu.memory_space<hbm>> -> memref<10000xf32, #tpu.memory_space<hbm>>
      %dma_wait3A_20 = tpu.memref_slice %arg5[%mul3A_2] : memref<320000xf32, #tpu.memory_space<hbm>> -> memref<10000xf32, #tpu.memory_space<hbm>>
      tpu.wait_dma2 semaphore(%run_scoped3A : memref<!tpu.dma_semaphore, #tpu.memory_space<semaphore_mem>>) src(%arg9 : memref<10000xf32, #tpu.memory_space<vmem>>) dst(%dma_wait3A_20 : memref<10000xf32, #tpu.memory_space<hbm>>)
      tpu.yield
    }) : () -> ()
    "tpu.region"() ({
      %run_scoped3A = tpu.sem_alloc : memref<!tpu.dma_semaphore, #tpu.memory_space<semaphore_mem>>
      %dma_start3A = arith.constant 0 : i32
      %dma_start3A_19 = tpu.memref_slice %arg6[%add3A, %dma_start3A] : memref<32x10000xf32, #tpu.memory_space<hbm>> -> memref<1x10000xf32, #tpu.memory_space<hbm>>
      %dma_start3A_20 = tpu.memref_squeeze %dma_start3A_19 : memref<1x10000xf32, #tpu.memory_space<hbm>> -> memref<10000xf32, #tpu.memory_space<hbm>>
      %dma_start3A_21 = arith.constant 0 : i32
      %dma_start3A_22 = tpu.memref_slice %arg6[%add3A, %dma_start3A_21] : memref<32x10000xf32, #tpu.memory_space<hbm>> -> memref<1x10000xf32, #tpu.memory_space<hbm>>
      %dma_start3A_23 = tpu.memref_squeeze %dma_start3A_22 : memref<1x10000xf32, #tpu.memory_space<hbm>> -> memref<10000xf32, #tpu.memory_space<hbm>>
      tpu.enqueue_dma source(%arg12 : memref<10000xf32, #tpu.memory_space<vmem>>) target(%dma_start3A_23 : memref<10000xf32, #tpu.memory_space<hbm>>) target_semaphore(%run_scoped3A : memref<!tpu.dma_semaphore, #tpu.memory_space<semaphore_mem>>)
      %dma_wait3A = arith.constant 0 : i32
      %dma_wait3A_24 = tpu.memref_slice %arg6[%add3A, %dma_wait3A] : memref<32x10000xf32, #tpu.memory_space<hbm>> -> memref<1x10000xf32, #tpu.memory_space<hbm>>
      %dma_wait3A_25 = tpu.memref_squeeze %dma_wait3A_24 : memref<1x10000xf32, #tpu.memory_space<hbm>> -> memref<10000xf32, #tpu.memory_space<hbm>>
      %dma_wait3A_26 = arith.constant 0 : i32
      %dma_wait3A_27 = tpu.memref_slice %arg6[%add3A, %dma_wait3A_26] : memref<32x10000xf32, #tpu.memory_space<hbm>> -> memref<1x10000xf32, #tpu.memory_space<hbm>>
      %dma_wait3A_28 = tpu.memref_squeeze %dma_wait3A_27 : memref<1x10000xf32, #tpu.memory_space<hbm>> -> memref<10000xf32, #tpu.memory_space<hbm>>
      tpu.wait_dma2 semaphore(%run_scoped3A : memref<!tpu.dma_semaphore, #tpu.memory_space<semaphore_mem>>) src(%arg12 : memref<10000xf32, #tpu.memory_space<vmem>>) dst(%dma_wait3A_28 : memref<10000xf32, #tpu.memory_space<hbm>>)
      tpu.yield
    }) : () -> ()
    return
  }
}

module attributes {stable_mosaic.version = 14 : i64} {
  func.func @_proj_body(%arg0: memref<10000x128xf32, #tpu.memory_space<vmem>>, %arg1: memref<128x128xf32, #tpu.memory_space<vmem>>, %arg2: memref<1x128xf32, #tpu.memory_space<vmem>>, %arg3: memref<10000x128xf32, #tpu.memory_space<vmem>>, %arg4: memref<128x128xf32, #tpu.memory_space<vmem>>, %arg5: memref<1x128xf32, #tpu.memory_space<vmem>>, %arg6: memref<128x1xf32, #tpu.memory_space<vmem>>, %arg7: memref<128x1xf32, #tpu.memory_space<vmem>>, %arg8: memref<10000x128xf32, #tpu.memory_space<vmem>>, %arg9: memref<10000xf32, #tpu.memory_space<vmem>>, %arg10: memref<10000xf32, #tpu.memory_space<vmem>>) attributes {dimension_semantics = [], scalar_prefetch = 0 : i64, scratch_operands = 0 : i64, tpu.core_type = #tpu.core_type<tc>} {
    %get3A = arith.constant 0 : index
    %get3A_0 = arith.constant 0 : index
    %get3A_1 = vector.load %arg0[%get3A, %get3A_0] : memref<10000x128xf32, #tpu.memory_space<vmem>>, vector<10000x128xf32>
    %get3A_2 = arith.constant 0 : index
    %get3A_3 = arith.constant 0 : index
    %get3A_4 = vector.load %arg1[%get3A_2, %get3A_3] : memref<128x128xf32, #tpu.memory_space<vmem>>, vector<128x128xf32>
    %dot_general3A = arith.constant dense<0.000000e+00> : vector<10000x128xf32>
    %dot_general3A_5 = tpu.matmul %get3A_1, %get3A_4, %dot_general3A {dimension_numbers = #tpu.dot_dimension_numbers<[1], [0], [0], [1], [0, 0, 1, 1], [], []>, transpose_lhs_hint = false} : vector<10000x128xf32>, vector<128x128xf32>, vector<10000x128xf32> -> vector<10000x128xf32>
    %get3A_6 = arith.constant 0 : index
    %get3A_7 = arith.constant 0 : index
    %get3A_8 = vector.load %arg2[%get3A_6, %get3A_7] : memref<1x128xf32, #tpu.memory_space<vmem>>, vector<1x128xf32>
    %add3A = vector.broadcast %get3A_8 : vector<1x128xf32> to vector<10000x128xf32>
    %add3A_9 = arith.addf %dot_general3A_5, %add3A : vector<10000x128xf32>
    %swap3A = arith.constant 0 : index
    %swap3A_10 = arith.constant 0 : index
    %swap3A_11 = vector.load %arg8[%swap3A, %swap3A_10] : memref<10000x128xf32, #tpu.memory_space<vmem>>, vector<10000x128xf32>
    tpu.vector_store %arg8[%swap3A, %swap3A_10], %add3A_9 {strides = array<i32>} : memref<10000x128xf32, #tpu.memory_space<vmem>>, vector<10000x128xf32>,
    %get3A_12 = arith.constant 0 : index
    %get3A_13 = arith.constant 0 : index
    %get3A_14 = vector.load %arg6[%get3A_12, %get3A_13] : memref<128x1xf32, #tpu.memory_space<vmem>>, vector<128x1xf32>
    %dot_general3A_15 = arith.constant dense<0.000000e+00> : vector<10000x1xf32>
    %dot_general3A_16 = tpu.matmul %add3A_9, %get3A_14, %dot_general3A_15 {dimension_numbers = #tpu.dot_dimension_numbers<[1], [0], [0], [1], [0, 0, 1, 1], [], []>, transpose_lhs_hint = false} : vector<10000x128xf32>, vector<128x1xf32>, vector<10000x1xf32> -> vector<10000x1xf32>
    %squeeze3A = vector.shape_cast %dot_general3A_16 : vector<10000x1xf32> to vector<10000xf32>
    %swap3A_17 = arith.constant 0 : index
    %swap3A_18 = vector.load %arg9[%swap3A_17] : memref<10000xf32, #tpu.memory_space<vmem>>, vector<10000xf32>
    tpu.vector_store %arg9[%swap3A_17], %squeeze3A {strides = array<i32>} : memref<10000xf32, #tpu.memory_space<vmem>>, vector<10000xf32>,
    %get3A_19 = arith.constant 0 : index
    %get3A_20 = arith.constant 0 : index
    %get3A_21 = vector.load %arg3[%get3A_19, %get3A_20] : memref<10000x128xf32, #tpu.memory_space<vmem>>, vector<10000x128xf32>
    %get3A_22 = arith.constant 0 : index
    %get3A_23 = arith.constant 0 : index
    %get3A_24 = vector.load %arg4[%get3A_22, %get3A_23] : memref<128x128xf32, #tpu.memory_space<vmem>>, vector<128x128xf32>
    %dot_general3A_25 = arith.constant dense<0.000000e+00> : vector<10000x128xf32>
    %dot_general3A_26 = tpu.matmul %get3A_21, %get3A_24, %dot_general3A_25 {dimension_numbers = #tpu.dot_dimension_numbers<[1], [0], [0], [1], [0, 0, 1, 1], [], []>, transpose_lhs_hint = false} : vector<10000x128xf32>, vector<128x128xf32>, vector<10000x128xf32> -> vector<10000x128xf32>
    %get3A_27 = arith.constant 0 : index
    %get3A_28 = arith.constant 0 : index
    %get3A_29 = vector.load %arg5[%get3A_27, %get3A_28] : memref<1x128xf32, #tpu.memory_space<vmem>>, vector<1x128xf32>
    %add3A_30 = vector.broadcast %get3A_29 : vector<1x128xf32> to vector<10000x128xf32>
    %add3A_31 = arith.addf %dot_general3A_26, %add3A_30 : vector<10000x128xf32>
    %get3A_32 = arith.constant 0 : index
    %get3A_33 = arith.constant 0 : index
    %get3A_34 = vector.load %arg7[%get3A_32, %get3A_33] : memref<128x1xf32, #tpu.memory_space<vmem>>, vector<128x1xf32>
    %dot_general3A_35 = arith.constant dense<0.000000e+00> : vector<10000x1xf32>
    %dot_general3A_36 = tpu.matmul %add3A_31, %get3A_34, %dot_general3A_35 {dimension_numbers = #tpu.dot_dimension_numbers<[1], [0], [0], [1], [0, 0, 1, 1], [], []>, transpose_lhs_hint = false} : vector<10000x128xf32>, vector<128x1xf32>, vector<10000x1xf32> -> vector<10000x1xf32>
    %squeeze3A_37 = vector.shape_cast %dot_general3A_36 : vector<10000x1xf32> to vector<10000xf32>
    %swap3A_38 = arith.constant 0 : index
    %swap3A_39 = vector.load %arg10[%swap3A_38] : memref<10000xf32, #tpu.memory_space<vmem>>, vector<10000xf32>
    tpu.vector_store %arg10[%swap3A_38], %squeeze3A_37 {strides = array<i32>} : memref<10000xf32, #tpu.memory_space<vmem>>, vector<10000xf32>,
    return
  }
}

module attributes {stable_mosaic.version = 14 : i64} {
  func.func @_final_body(%arg0: memref<2x10000x128xf32, #tpu.memory_space<vmem>>, %arg1: memref<10000x32xf32, #tpu.memory_space<vmem>>, %arg2: memref<128x1xf32, #tpu.memory_space<vmem>>, %arg3: memref<1x1xf32, #tpu.memory_space<vmem>>, %arg4: memref<10000xf32, #tpu.memory_space<vmem>>) attributes {dimension_semantics = [], scalar_prefetch = 0 : i64, scratch_operands = 0 : i64, tpu.core_type = #tpu.core_type<tc>} {
    %get3A = arith.constant 0 : index
    %get3A_0 = arith.constant 0 : index
    %get3A_1 = arith.constant 0 : index
    %get3A_2 = vector.load %arg0[%get3A, %get3A_0, %get3A_1] : memref<2x10000x128xf32, #tpu.memory_space<vmem>>, vector<1x10000x128xf32>
    %get3A_3 = vector.shape_cast %get3A_2 : vector<1x10000x128xf32> to vector<10000x128xf32>
    %get3A_4 = arith.constant 1 : index
    %get3A_5 = arith.constant 0 : index
    %get3A_6 = arith.constant 0 : index
    %get3A_7 = vector.load %arg0[%get3A_4, %get3A_5, %get3A_6] : memref<2x10000x128xf32, #tpu.memory_space<vmem>>, vector<1x10000x128xf32>
    %get3A_8 = vector.shape_cast %get3A_7 : vector<1x10000x128xf32> to vector<10000x128xf32>
    %add3A = arith.addf %get3A_3, %get3A_8 : vector<10000x128xf32>
    %max3A = arith.constant 0.000000e+00 : f32
    %max3A_9 = vector.broadcast %max3A : f32 to vector<10000x128xf32>
    %max3A_10 = arith.maximumf %add3A, %max3A_9 : vector<10000x128xf32>
    %get3A_11 = arith.constant 0 : index
    %get3A_12 = arith.constant 0 : index
    %get3A_13 = vector.load %arg2[%get3A_11, %get3A_12] : memref<128x1xf32, #tpu.memory_space<vmem>>, vector<128x1xf32>
    %dot_general3A = arith.constant dense<0.000000e+00> : vector<10000x1xf32>
    %dot_general3A_14 = tpu.matmul %max3A_10, %get3A_13, %dot_general3A {dimension_numbers = #tpu.dot_dimension_numbers<[1], [0], [0], [1], [0, 0, 1, 1], [], []>, transpose_lhs_hint = false} : vector<10000x128xf32>, vector<128x1xf32>, vector<10000x1xf32> -> vector<10000x1xf32>
    %get3A_15 = arith.constant 0 : index
    %get3A_16 = arith.constant 0 : index
    %get3A_17 = vector.load %arg1[%get3A_15, %get3A_16] : memref<10000x32xf32, #tpu.memory_space<vmem>>, vector<10000x32xf32>
    %reduce_sum3A = arith.constant dense<0.000000e+00> : vector<10000xf32>
    %reduce_sum3A_18 = vector.multi_reduction <add>, %get3A_17, %reduce_sum3A [1] : vector<10000x32xf32> to vector<10000xf32>
    %broadcast_in_dim3A = vector.shape_cast %reduce_sum3A_18 : vector<10000xf32> to vector<10000x1xf32>
    %add3A_19 = arith.constant 1.000000e-16 : f32
    %add3A_20 = vector.broadcast %add3A_19 : f32 to vector<10000x1xf32>
    %add3A_21 = arith.addf %broadcast_in_dim3A, %add3A_20 : vector<10000x1xf32>
    %div3A = arith.divf %dot_general3A_14, %add3A_21 : vector<10000x1xf32>
    %get3A_22 = arith.constant 0 : index
    %get3A_23 = arith.constant 0 : index
    %get3A_24 = vector.load %arg3[%get3A_22, %get3A_23] : memref<1x1xf32, #tpu.memory_space<vmem>>, vector<1x1xf32>
    %get3A_25 = vector.extract %get3A_24[0, 0] : f32 from vector<1x1xf32>
    %add3A_26 = vector.broadcast %get3A_25 : f32 to vector<10000x1xf32>
    %add3A_27 = arith.addf %div3A, %add3A_26 : vector<10000x1xf32>
    %squeeze3A = vector.shape_cast %add3A_27 : vector<10000x1xf32> to vector<10000xf32>
    %swap3A = arith.constant 0 : index
    %swap3A_28 = vector.load %arg4[%swap3A] : memref<10000xf32, #tpu.memory_space<vmem>>, vector<10000xf32>
    tpu.vector_store %arg4[%swap3A], %squeeze3A {strides = array<i32>} : memref<10000xf32, #tpu.memory_space<vmem>>, vector<10000xf32>,
    return
  }
}

</mosaic_0001>

<sc_bundles>
// kernel: kernel.6.cloned.1.call-start
scs
__scs_entry_jumppad:
0x0: {  	(pc) =	sbr.rel $0x88, $3  }
0x1: {  	(tag) =	ssettag $0x0;
	lr =	simm.s32 $0x1  }
0x2: {  	[smem:$0x3F96] =	sst lr;
	_ =	strace $0xD0000000  }
0x3: {  	_ = 	snop  }
0x4: {  	_ = 	snop  }
0x5: {  	_ = 	snop  }
0x6: {  	_ = 	snop  }
0x7: {  	_ = 	snop  }
__scs_overlays_trampoline_lowered:
0x8: {  	[smem:$0x3FA5] =	sst s0  }
0x9: {  	[smem:$0x3FA6] =	sst s1  }
0xa: {  	[smem:$0x3FA7] =	sst s2  }
0xb: {  	[smem:$0x3FA8] =	sst s3  }
0xc: {  	[smem:$0x3FA9] =	sst s4  }
0xd: {  	[smem:$0x3FAA] =	sst s5  }
0xe: {  	[smem:$0x3FAB] =	sst s6  }
0xf: {  	[smem:$0x3FAC] =	sst s7  }
0x10: {  	[smem:$0x3FAD] =	sst s8  }
0x11: {  	[smem:$0x3FAE] =	sst s9;
	s0 =	simm.s32 @!p0 $0x0  }
0x12: {  	s1 =	sld [smem:$0x3F94];
	s0 =	simm.s32 @p0 $0x1  }
0x13: {  	[smem:$0x3FAF] =	sst s0;
	s0 =	simm.s32 @!p1 $0x0  }
0x14: {  	s2 =	sld [smem:$0x3F93];
	s0 =	simm.s32 @p1 $0x1  }
0x15: {  	[smem:$0x3FB0] =	sst s0;
	s0 =	simm.s32 @!p2 $0x0  }
0x16: {  	s3 =	sld [smem:$0x3FDB];
	s0 =	simm.s32 @p2 $0x1  }
0x17: {  	s4 =	simm.s32 $0x1BF5;
	[smem:$0x3FB2] =	sst s0  }
0x18: {  	s0 =	sld [smem:$0x3F95];
	_ =	swait.ge [sflag:s4], $0x0  }
0x19: {  	s7 =	sld [smem:$0x3F96]  }
0x1a: {  	s8 =	sadd.s32 $0xFFFFE003, lr  }
0x1b: {  	s9 =	sadd.s32 $0xFFFFFEF7, lr;
	s5 =	simm.s32 $0xFFFFFFFF;
	p2 =	slt.u32 s8, $0xFFFFF086  }
0x1c: {  	p1 =	slt.u32 s9, $0xF7A;
	s5 =	simm.s32 @!p2 $0x0  }
0x1d: {  	s5 =	simm.s32 @p1 $0x1;
	p0 =	seq.s32 s7, s2  }
0x1e: {  	s7 =	smul.u32 @!p0 $0xF7A, s2;
	p2 =	seq.s32 @!p0 s5, $0x0  }
0x1f: {  	s9 =	smul.u32 $0xF7A, s1;
	s8 =	simm.s32 @!p0 $0x1BF5;
	p2 =	por !p2, p0  }
0x20: {  	[sflag:s8] =	ssyncset.s32 @!p0 $0xFFFFF086;
	s6 =	sadd.s32 @!p0 s3, s7;
	s7 =	simm.s32 @!p0 $0x108  }
0x21: {  	s3 =	sadd.s32 s3, s9;
	s6 =	sadd.s32 @!p0 $0x88, s6;
	s7 =	simm.s32 @p2 $0x1082  }
0x22: {  	[simem:s7], [sflag:s8] =	dma.local @!p0 [hbm:s6], $0xF7A  }
0x23: {  	s9 =	sor.u32 $0xD0000000, s2;
	s6 =	simm.s32 $0x108;
	_ =	swait.ge @!p0 [sflag:s8], $0x0  }
0x24: {  	s3 =	sadd.s32 $0x88, s3;
	s6 =	simm.s32 @!p1 $0x1082;
	[sflag:s4] =	ssyncset.s32 $0xFFFFF086  }
0x25: {  	[simem:s6], [sflag:s4] =	dma.local [hbm:s3], $0xF7A  }
0x26: {  	[smem:$0x3F96] =	sst s1;
	(tag) =	ssettag s2;
	_ =	strace s9  }
0x27: {  	s1 =	sld [smem:$0x3FA6]  }
0x28: {  	s2 =	sld [smem:$0x3FA7]  }
0x29: {  	s4 =	sld [smem:$0x3FA9]  }
0x2a: {  	p0 =	seq.s32 s5, $0x0;
	s5 =	sld [smem:$0x3FAA]  }
0x2b: {  	s6 =	sld [smem:$0x3FAB]  }
0x2c: {  	s7 =	sld [smem:$0x3FAC]  }
0x2d: {  	s3 =	simm.s32 $0x108;
	s8 =	sld [smem:$0x3FAD]  }
0x2e: {  	s3 =	simm.s32 @!p0 $0x1082;
	s9 =	sld [smem:$0x3FAE]  }
0x2f: {  	lr =	sadd.s32 s0, s3;
	s0 =	sld [smem:$0x3FA5]  }
0x30: {  	s3 =	sld [smem:$0x3FA8]  }
0x31: {  	[smem:$0x3FB1] =	sst s10  }
0x32: {  	s10 =	sld [smem:$0x3FAF];
	_ =	sdelay $0x3  }
0x33: {  	p0 =	seq.s32 s10, $0x1;
	s10 =	sld [smem:$0x3FB1];
	_ =	sdelay $0x3  }
0x34: {  	[smem:$0x3FB1] =	sst s10  }
0x35: {  	s10 =	sld [smem:$0x3FB0];
	_ =	sdelay $0x3  }
0x36: {  	p1 =	seq.s32 s10, $0x1;
	s10 =	sld [smem:$0x3FB1];
	_ =	sdelay $0x3  }
0x37: {  	[smem:$0x3FB1] =	sst s10  }
0x38: {  	s10 =	sld [smem:$0x3FB2]  }
0x39: {  	_ = 	snop;
	(pc) =	sbr.ind lr, $3  }
0x3a: {  	_ = 	snop  }
0x3b: {  	_ = 	snop  }
0x3c: {  	p2 =	seq.s32 s10, $0x1;
	s10 =	sld [smem:$0x3FB1]  }
0x3d: {  	_ =	shalt  }
0x3e: {  	_ =	shalt  }
0x3f: {  	_ =	shalt  }
0x40: {  	_ =	shalt  }
0x41: {  	_ =	shalt  }
0x42: {  	_ =	shalt  }
0x43: {  	_ =	shalt  }
0x44: {  	_ =	shalt  }
0x45: {  	_ =	shalt  }
0x46: {  	_ =	shalt  }
0x47: {  	_ =	shalt  }
0x48: {  	_ =	shalt  }
0x49: {  	_ =	shalt  }
0x4a: {  	_ =	shalt  }
0x4b: {  	_ =	shalt  }
0x4c: {  	_ =	shalt  }
0x4d: {  	_ =	shalt  }
0x4e: {  	_ =	shalt  }
0x4f: {  	_ =	shalt  }
0x50: {  	_ =	shalt  }
0x51: {  	_ =	shalt  }
0x52: {  	_ =	shalt  }
0x53: {  	_ =	shalt  }
0x54: {  	_ =	shalt  }
0x55: {  	_ =	shalt  }
0x56: {  	_ =	shalt  }
0x57: {  	_ =	shalt  }
0x58: {  	_ =	shalt  }
0x59: {  	_ =	shalt  }
0x5a: {  	_ =	shalt  }
0x5b: {  	_ =	shalt  }
0x5c: {  	_ =	shalt  }
0x5d: {  	_ =	shalt  }
0x5e: {  	_ =	shalt  }
0x5f: {  	_ =	shalt  }
0x60: {  	_ =	shalt  }
0x61: {  	_ =	shalt  }
0x62: {  	_ =	shalt  }
0x63: {  	_ =	shalt  }
0x64: {  	_ =	shalt  }
0x65: {  	_ =	shalt  }
0x66: {  	_ =	shalt  }
0x67: {  	_ =	shalt  }
0x68: {  	_ =	shalt  }
0x69: {  	_ =	shalt  }
0x6a: {  	_ =	shalt  }
0x6b: {  	_ =	shalt  }
0x6c: {  	_ =	shalt  }
0x6d: {  	_ =	shalt  }
0x6e: {  	_ =	shalt  }
0x6f: {  	_ =	shalt  }
0x70: {  	_ =	shalt  }
0x71: {  	_ =	shalt  }
0x72: {  	_ =	shalt  }
0x73: {  	_ =	shalt  }
0x74: {  	_ =	shalt  }
0x75: {  	_ =	shalt  }
0x76: {  	_ =	shalt  }
0x77: {  	_ =	shalt  }
0x78: {  	_ =	shalt  }
0x79: {  	_ =	shalt  }
0x7a: {  	_ =	shalt  }
0x7b: {  	_ =	shalt  }
0x7c: {  	_ =	shalt  }
0x7d: {  	_ =	shalt  }
0x7e: {  	_ =	shalt  }
0x7f: {  	_ =	shalt  }
0x80: {  	_ =	shalt  }
0x81: {  	_ =	shalt  }
0x82: {  	_ =	shalt  }
0x83: {  	_ =	shalt  }
0x84: {  	_ =	shalt  }
0x85: {  	_ =	shalt  }
0x86: {  	_ =	shalt  }
0x87: {  	_ =	shalt  }
.Lfunc_end0:
.L_simem_size_0:
called_computation_lowered:
.L_overlay_start_0:
0x88: {  	s2 =	sld [smem:$0x3FD9]  }
0x89: {  	s3 =	sld [smem:$0x3FFE];
	_ =	sdelay $0x1  }
0x8a: {  	s1 =	srdreg.scid  }
0x8b: {  	s0 =	sand.u32 $0x1, s1  }
0x8c: {  	s17 =	sshll.u32 s0, $0xA;
	s2 =	sadd.s32 s3, s2  }
0x8d: {  	s2 =	sadd.s32 s2, s17  }
0x8e: {  	[smem:$0x3FBD] =	sst s2  }
0x8f: {  	_ = 	snop  }
0x90: {  	s2 =	sld [smem:$0x3FD0];
	(tm) =	ssettm $0x1  }
0x91: {  	s18 =	sld [smem:$0x3FFB];
	_ =	sdelay $0x3  }
0x92: {  	_ =	strace s18  }
0x93: {  	s3 =	sld [smem:$0x3FFC];
	_ =	sdelay $0x3  }
0x94: {  	_ =	strace s3  }
0x95: {  	s3 =	sld [smem:$0x3FFD];
	_ =	sdelay $0x3  }
0x96: {  	_ =	strace s3  }
0x97: {  	_ =	strace $0x8FFFFFFF  }
0x98: {  	s19 =	sld [smem:$0x3FDB];
	_ =	sdelay $0x1  }
0x99: {  	s4 =	simm.s32 $_scs_section_size  }
0x9a: {  	s5 =	simm.s32 $_size__tile_overlayer_lowered;
	s6 =	simm.s32 $_tile_overlayer_lowered  }
0x9b: {  	s22 =	simm.s32 $0x1BFF;
	s21 =	sshll.u32 s6, $0x1;
	s3 =	sadd.s32 s4, s19  }
0x9c: {  	s7 =	simm.s32 $0x0;
	s20 =	sshll.u32 s5, $0x1;
	s5 =	sadd.s32 s21, s3  }
0x9d: {  	[timem:s7], [sflag:s22] =	dma.local [hbm:s5], s20  }
0x9e: {  	_ =	swait.ge [sflag:s22], s20  }
0x9f: {  	s4 =	ssub.s32 $0x0, s20;
	[sflag:s22] =	ssyncset.done $0x0  }
0xa0: {  	[sflag:s22] =	ssyncadd.s32 s4;
	_ =	sdelay $0x1  }
0xa1: {  	s23 =	simm.s32 $0x1B8B  }
0xa2: {  	_ =	swait.ge [sflag:s23], $0x1  }
0xa3: {  	[sflag:s23] =	ssyncset.done $0x0  }
0xa4: {  	s25 =	simm.s32 $0x1B8E;
	s24 =	sld [smem:$0x3FFE];
	[sflag:s23] =	ssyncadd.s32 $0xFFFFFFFF  }
0xa5: {  	s26 =	simm.s32 $execute0_lowered;
	[smem:$0x3FD2] =	sst s25  }
0xa6: {  	s5 =	sshll.u32 s26, $0x1;
	_ =	strace $0x80000046;
	[dreg:$0x1] =	wrdreg $0xFFFFFFFF  }
0xa7: {  	s28 =	simm.s32 $_size_execute0_lowered;
	s3 =	sadd.s32 s3, s5;
	[dreg:$0x0] =	wrdreg $0x0  }
0xa8: {  	s5 =	sshll.u32 s28, $0x1;
	[dreg:$0x2] =	wrdreg s3  }
0xa9: {  	[dreg:$0x3] =	wrdreg s5  }
0xaa: {  	[dreg:$0x4] =	wrdreg $0xC0  }
0xab: {  	_ =	task [dreg:s7], $0x5FFFF  }
0xac: {  	[dreg:$0x1] =	wrdreg $0xFFFFFFFF  }
0xad: {  	[dreg:$0x0] =	wrdreg $0x60  }
0xae: {  	[dreg:$0x2] =	wrdreg s2  }
0xaf: {  	[dreg:$0x3] =	wrdreg s24  }
0xb0: {  	[dreg:$0x4] =	wrdreg $0x9  }
0xb1: {  	_ =	task.clear_ibuf [dreg:s7], $0x5FFFF;
	_ =	strace $0x90000046  }
0xb2: {  	s29 =	simm.s32 $0x9;
	_ =	strace $0x80000048  }
0xb3: {  	_ =	swait.ge [sflag:s29], $0x1  }
0xb4: {  	[sflag:s29] =	ssyncadd.s32 $0xFFFFFFFF  }
0xb5: {  	_ =	strace $0x90000048  }
0xb6: {  	_ =	sfence  }
0xb7: {  	s30 =	sld [smem:$0x0];
	_ =	sdelay $0x2  }
0xb8: {  	s31 =	sshll.u32 s1, $0xD;
	s1 =	sshrl.u32 s1, $0x2  }
0xb9: {  	s3 =	sand.u32 $0x4000, s31;
	s1 =	sadd.s32 s1, s30  }
0xba: {  	s0 =	sor.u32 s3, s0;
	s1 =	sshll.u32 s1, $0x11  }
0xbb: {  	s0 =	sor.u32 s1, s0  }
0xbc: {  	s0 =	sadd.s32 $0x8F2B, s0  }
0xbd: {  	[sflag:s0] =	ssyncadd.remote.s32 $0x1  }
0xbe: {  	_ =	sfence.sel $0xFFFF  }
0xbf: {  	[dreg:$0x0] =	wrdreg $0xFFFFFFFF;
	(pc) =	sbr.abs _section_cstart, $3  }
0xc0: {  	[dreg:$0x1] =	wrdreg $0xFFFFFFFF  }
0xc1: {  	_ =	task.clear_ibuf [dreg:s7], $0x2FFFF;
	_ =	strace $0x9FFFFFFF  }
0xc2: {  	(tm) =	ssettm $0x7FFFFFFF  }
0xc3: {  	_ =	shalt  }
tec
execute0_lowered:
.L_overlay_start_1:
0x0: {  	(tag) =	ssettag $0x1  }
0x1: {  	s2 =	rddreg [dreg:$0x0]  }
0x2: {  	s0 =	srdreg.scid;
	s6 =	rddreg [dreg:$0x1]  }
0x3: {  	s3 =	simm.s32 $0x0;
	s11 =	simm.s32 $0x2780;
	s12 =	simm.s32 $0x7680  }
0x4: {  	s13 =	simm.s32 $0x9E00;
	s14 =	simm.s32 $0xC580;
	s15 =	simm.s32 $0x4F00  }
0x5: {  	s16 =	simm.s32 $0x80;
	s17 =	simm.s32 $0x400;
	s5 =	sand.u32 $0x1, s0  }
0x6: {  	s18 =	simm.s32 $0x0;
	s0 =	stileid.u32;
	s1 =	sshll.u32 s5, $0x4  }
0x7: {  	[smem:$0x7FF] =	sst s3;
	s8 =	sshll.u32 s0, $0x7;
	s4 =	sor.u32 s0, s1  }
0x8: {  	s5 =	ssub.s32 $0x2, s5;
	s7 =	sshrl.u32 s4, $0x3;
	s9 =	smul.u32 $0x2710, s4  }
0x9: {  	s1 =	rddreg [dreg:$0x2];
	s8 =	sand.u32 $0x380, s8;
	s7 =	smul.u32 $0x13C00, s7  }
0xa: {  	_ =	strace $0x80000047;
	s31 =	sshrl.u32 s5, $0x1;
	s4 =	sadd.s32 $0x16000, s6  }
0xb: {  	s10 =	ssub.s32 s5, s31;
	s29 =	sshrl.u32 s9, $0x3;
	s7 =	sor.u32 s8, s7  }
0xc: {  	s9 =	smax.u32 s10, $0x1;
	s8 =	sadd.s32 s29, s6;
	s7 =	sshrl.u32 s7, $0x3  }
0xd: {  	s10 =	simm.s32 $0x1;
	s5 =	sadd.s32 $0x2600, s8;
	s30 =	sadd.s32 s7, s6  }
0xe: {  	v0 =	vimm.f32 $0.0e+00;
	s6 =	sadd.s32 $0xC240, s8;
	s7 =	sadd.s32 $0x47600, s8;
	s8 =	sadd.s32 $0x3D800, s30  }
.LBB2_1:
0xf: {  	[tilespmem:s3], [sflag:$0x1] =	stream.linear.gather [hbm4b:s5+s3], $0x2710, $0x38;
	[tilespmem:$0xED00] =	vst v63  }
0x10: {  	_ =	swait.ge [sflag:s10], $0x2710  }
0x11: {  	[sflag:s10] =	ssyncset.done $0x0  }
0x12: {  	[sflag:s10] =	ssyncadd.s32 $0xFFFFD8F0  }
0x13: {  	[tilespmem:s11], [sflag:$0x1] =	stream.linear.gather [hbm4b:s6+s3], $0x2710, $0x38;
	[tilespmem:$0xED00] =	vst v63  }
0x14: {  	_ =	swait.ge [sflag:s10], $0x2710  }
0x15: {  	[sflag:s10] =	ssyncset.done $0x0  }
0x16: {  	[sflag:s10] =	ssyncadd.s32 $0xFFFFD8F0  }
0x17: {  	[tilespmem:s12], [sflag:$0x1] =	stream.linear.gather [hbm4b:s2+s3], $0x2780, $0x38;
	[tilespmem:$0xED00] =	vst v63  }
0x18: {  	_ =	swait.ge [sflag:s10], $0x2780  }
0x19: {  	[sflag:s10] =	ssyncset.done $0x0  }
0x1a: {  	[sflag:s10] =	ssyncadd.s32 $0xFFFFD880  }
0x1b: {  	[tilespmem:s13], [sflag:$0x1] =	stream.linear.gather [hbm4b:s4+s3], $0x2780, $0x38;
	[tilespmem:$0xED00] =	vst v63  }
0x1c: {  	_ =	swait.ge [sflag:s10], $0x2780  }
0x1d: {  	[sflag:s10] =	ssyncset.done $0x0  }
0x1e: {  	s19 =	simm.s32 $0x0;
	[sflag:s10] =	ssyncadd.s32 $0xFFFFD880  }
.LBB2_2:
0x1f: {  	p0 =	sne.s32 s19, $0x9C00  }
.Ltmp0:
0x20: {  	_ = 	snop;
	(pc) =	sbr.rel @p0 .LBB2_2-.Ltmp0, $3  }
0x21: {  	_ =	sdelay $0x1  }
0x22: {  	s20 =	sshra.s32 s19, $0x2  }
0x23: {  	s19 =	sadd.s32 $0x40, s19;
	[tilespmem:s20+$0xC580] =	vst v0  }
0x24: {  	s19 =	simm.s32 $0xFFFFFFFB  }
0x25: {  	s20 =	simm.s32 $0x20;
	s21 =	simm.s32 $0x27A0;
	s22 =	simm.s32 $0x4F20  }
.LBB2_4:
0x26: {  	v1 =	vld [tilespmem:s20+$0xFFFFFFE0]  }
0x27: {  	v2 =	vld [tilespmem:s21+$0xFFFFFFE0];
	_ =	sdelay $0x6  }
0x28: {  	v1 =	vld.idx.msk [tilespmem:v1+s12+$0x0], $0xffff  }
0x29: {  	v3 =	vld.idx.msk [tilespmem:v2+s13+$0x0], $0xffff;
	_ =	sdelay $0x4  }
0x2a: {  	v1 =	vadd.f32 v3, v1;
	_ =	sdelay $0x1  }
0x2b: {  	v3 =	vmul.f32 $2.000000030e-01, v1  }
0x2c: {  	vm0 =	vge.f32 v1, $0.0e+00  }
0x2d: {  	v1 =	vsel vm0, v1, v3  }
0x2e: {  	v1 =	vmul.f32 $1.442695020e+00, v1;
	_ =	sdelay $0x1  }
0x2f: {  	(erf) = vpow2.f32 v1;
	_ =	sdelay $0x8  }
0x30: {  	v1 =	vpop (erf)  }
0x31: {  	[tilespmem:s22+$0xFFFFFFE0] =	vst v1  }
0x32: {  	[tilespmem:v2+s14+$0x0] =	vst.idx.add.f32.msk $0xffff, v1  }
0x33: {  	v1 =	vld [tilespmem:s20+$0xFFFFFFF0]  }
0x34: {  	v2 =	vld [tilespmem:s21+$0xFFFFFFF0];
	_ =	sdelay $0x6  }
0x35: {  	v1 =	vld.idx.msk [tilespmem:v1+s12+$0x0], $0xffff  }
0x36: {  	v3 =	vld.idx.msk [tilespmem:v2+s13+$0x0], $0xffff;
	_ =	sdelay $0x4  }
0x37: {  	v1 =	vadd.f32 v3, v1;
	_ =	sdelay $0x1  }
0x38: {  	v3 =	vmul.f32 $2.000000030e-01, v1  }
0x39: {  	vm12 =	vge.f32 v1, $0.0e+00  }
0x3a: {  	v1 =	vsel vm12, v1, v3  }
0x3b: {  	v1 =	vmul.f32 $1.442695020e+00, v1;
	_ =	sdelay $0x1  }
0x3c: {  	(erf) = vpow2.f32 v1;
	_ =	sdelay $0x8  }
0x3d: {  	v1 =	vpop (erf)  }
0x3e: {  	[tilespmem:s22+$0xFFFFFFF0] =	vst v1  }
0x3f: {  	[tilespmem:v2+s14+$0x0] =	vst.idx.add.f32.msk $0xffff, v1  }
0x40: {  	v1 =	vld [tilespmem:s20+$0x0]  }
0x41: {  	v2 =	vld [tilespmem:s21+$0x0];
	_ =	sdelay $0x6  }
0x42: {  	v1 =	vld.idx.msk [tilespmem:v1+s12+$0x0], $0xffff  }
0x43: {  	v3 =	vld.idx.msk [tilespmem:v2+s13+$0x0], $0xffff;
	_ =	sdelay $0x4  }
0x44: {  	v1 =	vadd.f32 v3, v1;
	_ =	sdelay $0x1  }
0x45: {  	v3 =	vmul.f32 $2.000000030e-01, v1  }
0x46: {  	vm13 =	vge.f32 v1, $0.0e+00  }
0x47: {  	v1 =	vsel vm13, v1, v3  }
0x48: {  	v1 =	vmul.f32 $1.442695020e+00, v1;
	_ =	sdelay $0x1  }
0x49: {  	(erf) = vpow2.f32 v1;
	_ =	sdelay $0x8  }
0x4a: {  	v1 =	vpop (erf)  }
0x4b: {  	[tilespmem:s22+$0x0] =	vst v1  }
0x4c: {  	[tilespmem:v2+s14+$0x0] =	vst.idx.add.f32.msk $0xffff, v1  }
0x4d: {  	v1 =	vld [tilespmem:s20+$0x10]  }
0x4e: {  	v2 =	vld [tilespmem:s21+$0x10];
	_ =	sdelay $0x6  }
0x4f: {  	v1 =	vld.idx.msk [tilespmem:v1+s12+$0x0], $0xffff  }
0x50: {  	v3 =	vld.idx.msk [tilespmem:v2+s13+$0x0], $0xffff;
	_ =	sdelay $0x4  }
0x51: {  	v1 =	vadd.f32 v3, v1;
	_ =	sdelay $0x1  }
0x52: {  	v3 =	vmul.f32 $2.000000030e-01, v1  }
0x53: {  	vm14 =	vge.f32 v1, $0.0e+00  }
0x54: {  	v1 =	vsel vm14, v1, v3  }
0x55: {  	v1 =	vmul.f32 $1.442695020e+00, v1;
	_ =	sdelay $0x1  }
0x56: {  	(erf) = vpow2.f32 v1;
	_ =	sdelay $0x8  }
0x57: {  	v1 =	vpop (erf)  }
0x58: {  	[tilespmem:s22+$0x10] =	vst v1  }
0x59: {  	[tilespmem:v2+s14+$0x0] =	vst.idx.add.f32.msk $0xffff, v1  }
0x5a: {  	v1 =	vld [tilespmem:s20+$0x20]  }
0x5b: {  	v2 =	vld [tilespmem:s21+$0x20];
	_ =	sdelay $0x6  }
0x5c: {  	v1 =	vld.idx.msk [tilespmem:v1+s12+$0x0], $0xffff  }
0x5d: {  	v3 =	vld.idx.msk [tilespmem:v2+s13+$0x0], $0xffff;
	_ =	sdelay $0x4  }
0x5e: {  	v1 =	vadd.f32 v3, v1;
	_ =	sdelay $0x1  }
0x5f: {  	v3 =	vmul.f32 $2.000000030e-01, v1  }
0x60: {  	vm15 =	vge.f32 v1, $0.0e+00  }
0x61: {  	v1 =	vsel vm15, v1, v3  }
0x62: {  	v1 =	vmul.f32 $1.442695020e+00, v1;
	_ =	sdelay $0x1  }
0x63: {  	(erf) = vpow2.f32 v1;
	_ =	sdelay $0x4  }
0x64: {  	s19 =	sadd.s32 $0x5, s19  }
0x65: {  	p0 =	slt.u32 s19, $0x26C  }
.Ltmp1:
0x66: {  	_ = 	snop;
	(pc) =	sbr.rel @p0 .LBB2_4-.Ltmp1, $4  }
0x67: {  	_ = 	snop  }
0x68: {  	v1 =	vpop (erf)  }
0x69: {  	[tilespmem:s22+$0x20] =	vst v1  }
0x6a: {  	s20 =	sadd.s32 $0x50, s20;
	s21 =	sadd.s32 $0x50, s21;
	s22 =	sadd.s32 $0x50, s22;
	[tilespmem:v2+s14+$0x0] =	vst.idx.add.f32.msk $0xffff, v1  }
0x6b: {  	[hbm4b:s7+s3] =	stream.linear.scatter [tilespmem:s15], [sflag:$0x1], $0x2710, $0x38;
	[tilespmem:$0xED00] =	vst v63  }
0x6c: {  	s18 =	sadd.s32 $0x1, s18;
	_ =	swait.ge [sflag:s10], $0x2710  }
0x6d: {  	p0 =	sne.s32 s18, s9;
	[sflag:s10] =	ssyncset.done $0x0  }
.Ltmp2:
0x6e: {  	[sflag:s10] =	ssyncadd.s32 $0xFFFFD8F0;
	(pc) =	sbr.rel @p0 .LBB2_1-.Ltmp2, $4  }
0x6f: {  	[hbm4b:s8+s16] =	stream.strided.scatter [tilespmem:s14], [sflag:$0x1], $0x2780, s17, s16, $0x38;
	[tilespmem:$0xED00] =	vst v63  }
0x70: {  	_ =	swait.ge [sflag:s10], $0x2780  }
0x71: {  	[sflag:s10] =	ssyncset.done $0x0  }
0x72: {  	[sflag:s10] =	ssyncadd.s32 $0xFFFFD880  }
0x73: {  	_ =	sfence.sel $0x180000  }
0x74: {  	[bflag:$0x0] =	sbarrier.arrive $0xFFFF  }
0x75: {  	p0 =	sne.s32 s0, $0x0;
	_ =	strace $0x90000047  }
0x76: {  	s0 =	sadd.s32 @!p0 $0x100000, s1;
	[bflag:$0x2] =	sbarrier.arrive $0xFFFF  }
0x77: {  	[sflag:s0] =	ssyncadd.tile.s32 @!p0 $0x1;
	_ =	shalt  }
.Lfunc_end2:
_tile_overlayer_lowered:
.L_overlay_start_2:
0x78: {  	(tag) =	ssettag $0x2  }
0x79: {  	s0 =	rddreg [dreg:$0x0];
	s2 =	stileid.u32  }
0x7a: {  	s1 =	rddreg [dreg:$0x1];
	p0 =	sne.s32 s2, $0x0  }
0x7b: {  	s3 =	rddreg [dreg:$0x2];
	[bflag:$0x3] =	sbarrier.arrive $0xFFFF;
	s2 =	simm.s32 @!p0 $0x1C01  }
0x7c: {  	[timem:s3], [sflag:s2] =	dma.local @!p0 [hbm:s0], s1  }
0x7d: {  	s0 =	simm.s32 @!p0 $0x1  }
0x7e: {  	_ =	swait.ge @!p0 [sflag:s0], s1  }
0x7f: {  	s1 =	ssub.s32 @!p0 $0x0, s1;
	[sflag:s0] =	ssyncset.done @!p0 $0x0  }
0x80: {  	[sflag:s0] =	ssyncadd.s32 @!p0 s1  }
0x81: {  	[bflag:$0x3] =	sbarrier.arrive $0xFFFF  }
0x82: {  	_ =	shalt  }

// kernel: kernel.9.cloned.1.call-start
scs
__scs_entry_jumppad:
0x0: {  	(pc) =	sbr.rel $0x88, $3  }
0x1: {  	(tag) =	ssettag $0x0;
	lr =	simm.s32 $0x1  }
0x2: {  	[smem:$0x3F96] =	sst lr;
	_ =	strace $0xD0000000  }
0x3: {  	_ = 	snop  }
0x4: {  	_ = 	snop  }
0x5: {  	_ = 	snop  }
0x6: {  	_ = 	snop  }
0x7: {  	_ = 	snop  }
__scs_overlays_trampoline_lowered:
0x8: {  	[smem:$0x3FA5] =	sst s0  }
0x9: {  	[smem:$0x3FA6] =	sst s1  }
0xa: {  	[smem:$0x3FA7] =	sst s2  }
0xb: {  	[smem:$0x3FA8] =	sst s3  }
0xc: {  	[smem:$0x3FA9] =	sst s4  }
0xd: {  	[smem:$0x3FAA] =	sst s5  }
0xe: {  	[smem:$0x3FAB] =	sst s6  }
0xf: {  	[smem:$0x3FAC] =	sst s7  }
0x10: {  	[smem:$0x3FAD] =	sst s8  }
0x11: {  	[smem:$0x3FAE] =	sst s9;
	s0 =	simm.s32 @!p0 $0x0  }
0x12: {  	s1 =	sld [smem:$0x3F94];
	s0 =	simm.s32 @p0 $0x1  }
0x13: {  	[smem:$0x3FAF] =	sst s0;
	s0 =	simm.s32 @!p1 $0x0  }
0x14: {  	s2 =	sld [smem:$0x3F93];
	s0 =	simm.s32 @p1 $0x1  }
0x15: {  	[smem:$0x3FB0] =	sst s0;
	s0 =	simm.s32 @!p2 $0x0  }
0x16: {  	s3 =	sld [smem:$0x3FDB];
	s0 =	simm.s32 @p2 $0x1  }
0x17: {  	s4 =	simm.s32 $0x1BF5;
	[smem:$0x3FB2] =	sst s0  }
0x18: {  	s0 =	sld [smem:$0x3F95];
	_ =	swait.ge [sflag:s4], $0x0  }
0x19: {  	s7 =	sld [smem:$0x3F96]  }
0x1a: {  	s8 =	sadd.s32 $0xFFFFE003, lr  }
0x1b: {  	s9 =	sadd.s32 $0xFFFFFEF7, lr;
	s5 =	simm.s32 $0xFFFFFFFF;
	p2 =	slt.u32 s8, $0xFFFFF086  }
0x1c: {  	p1 =	slt.u32 s9, $0xF7A;
	s5 =	simm.s32 @!p2 $0x0  }
0x1d: {  	s5 =	simm.s32 @p1 $0x1;
	p0 =	seq.s32 s7, s2  }
0x1e: {  	s7 =	smul.u32 @!p0 $0xF7A, s2;
	p2 =	seq.s32 @!p0 s5, $0x0  }
0x1f: {  	s9 =	smul.u32 $0xF7A, s1;
	s8 =	simm.s32 @!p0 $0x1BF5;
	p2 =	por !p2, p0  }
0x20: {  	[sflag:s8] =	ssyncset.s32 @!p0 $0xFFFFF086;
	s6 =	sadd.s32 @!p0 s3, s7;
	s7 =	simm.s32 @!p0 $0x108  }
0x21: {  	s3 =	sadd.s32 s3, s9;
	s6 =	sadd.s32 @!p0 $0x88, s6;
	s7 =	simm.s32 @p2 $0x1082  }
0x22: {  	[simem:s7], [sflag:s8] =	dma.local @!p0 [hbm:s6], $0xF7A  }
0x23: {  	s9 =	sor.u32 $0xD0000000, s2;
	s6 =	simm.s32 $0x108;
	_ =	swait.ge @!p0 [sflag:s8], $0x0  }
0x24: {  	s3 =	sadd.s32 $0x88, s3;
	s6 =	simm.s32 @!p1 $0x1082;
	[sflag:s4] =	ssyncset.s32 $0xFFFFF086  }
0x25: {  	[simem:s6], [sflag:s4] =	dma.local [hbm:s3], $0xF7A  }
0x26: {  	[smem:$0x3F96] =	sst s1;
	(tag) =	ssettag s2;
	_ =	strace s9  }
0x27: {  	s1 =	sld [smem:$0x3FA6]  }
0x28: {  	s2 =	sld [smem:$0x3FA7]  }
0x29: {  	s4 =	sld [smem:$0x3FA9]  }
0x2a: {  	p0 =	seq.s32 s5, $0x0;
	s5 =	sld [smem:$0x3FAA]  }
0x2b: {  	s6 =	sld [smem:$0x3FAB]  }
0x2c: {  	s7 =	sld [smem:$0x3FAC]  }
0x2d: {  	s3 =	simm.s32 $0x108;
	s8 =	sld [smem:$0x3FAD]  }
0x2e: {  	s3 =	simm.s32 @!p0 $0x1082;
	s9 =	sld [smem:$0x3FAE]  }
0x2f: {  	lr =	sadd.s32 s0, s3;
	s0 =	sld [smem:$0x3FA5]  }
0x30: {  	s3 =	sld [smem:$0x3FA8]  }
0x31: {  	[smem:$0x3FB1] =	sst s10  }
0x32: {  	s10 =	sld [smem:$0x3FAF];
	_ =	sdelay $0x3  }
0x33: {  	p0 =	seq.s32 s10, $0x1;
	s10 =	sld [smem:$0x3FB1];
	_ =	sdelay $0x3  }
0x34: {  	[smem:$0x3FB1] =	sst s10  }
0x35: {  	s10 =	sld [smem:$0x3FB0];
	_ =	sdelay $0x3  }
0x36: {  	p1 =	seq.s32 s10, $0x1;
	s10 =	sld [smem:$0x3FB1];
	_ =	sdelay $0x3  }
0x37: {  	[smem:$0x3FB1] =	sst s10  }
0x38: {  	s10 =	sld [smem:$0x3FB2]  }
0x39: {  	_ = 	snop;
	(pc) =	sbr.ind lr, $3  }
0x3a: {  	_ = 	snop  }
0x3b: {  	_ = 	snop  }
0x3c: {  	p2 =	seq.s32 s10, $0x1;
	s10 =	sld [smem:$0x3FB1]  }
0x3d: {  	_ =	shalt  }
0x3e: {  	_ =	shalt  }
0x3f: {  	_ =	shalt  }
0x40: {  	_ =	shalt  }
0x41: {  	_ =	shalt  }
0x42: {  	_ =	shalt  }
0x43: {  	_ =	shalt  }
0x44: {  	_ =	shalt  }
0x45: {  	_ =	shalt  }
0x46: {  	_ =	shalt  }
0x47: {  	_ =	shalt  }
0x48: {  	_ =	shalt  }
0x49: {  	_ =	shalt  }
0x4a: {  	_ =	shalt  }
0x4b: {  	_ =	shalt  }
0x4c: {  	_ =	shalt  }
0x4d: {  	_ =	shalt  }
0x4e: {  	_ =	shalt  }
0x4f: {  	_ =	shalt  }
0x50: {  	_ =	shalt  }
0x51: {  	_ =	shalt  }
0x52: {  	_ =	shalt  }
0x53: {  	_ =	shalt  }
0x54: {  	_ =	shalt  }
0x55: {  	_ =	shalt  }
0x56: {  	_ =	shalt  }
0x57: {  	_ =	shalt  }
0x58: {  	_ =	shalt  }
0x59: {  	_ =	shalt  }
0x5a: {  	_ =	shalt  }
0x5b: {  	_ =	shalt  }
0x5c: {  	_ =	shalt  }
0x5d: {  	_ =	shalt  }
0x5e: {  	_ =	shalt  }
0x5f: {  	_ =	shalt  }
0x60: {  	_ =	shalt  }
0x61: {  	_ =	shalt  }
0x62: {  	_ =	shalt  }
0x63: {  	_ =	shalt  }
0x64: {  	_ =	shalt  }
0x65: {  	_ =	shalt  }
0x66: {  	_ =	shalt  }
0x67: {  	_ =	shalt  }
0x68: {  	_ =	shalt  }
0x69: {  	_ =	shalt  }
0x6a: {  	_ =	shalt  }
0x6b: {  	_ =	shalt  }
0x6c: {  	_ =	shalt  }
0x6d: {  	_ =	shalt  }
0x6e: {  	_ =	shalt  }
0x6f: {  	_ =	shalt  }
0x70: {  	_ =	shalt  }
0x71: {  	_ =	shalt  }
0x72: {  	_ =	shalt  }
0x73: {  	_ =	shalt  }
0x74: {  	_ =	shalt  }
0x75: {  	_ =	shalt  }
0x76: {  	_ =	shalt  }
0x77: {  	_ =	shalt  }
0x78: {  	_ =	shalt  }
0x79: {  	_ =	shalt  }
0x7a: {  	_ =	shalt  }
0x7b: {  	_ =	shalt  }
0x7c: {  	_ =	shalt  }
0x7d: {  	_ =	shalt  }
0x7e: {  	_ =	shalt  }
0x7f: {  	_ =	shalt  }
0x80: {  	_ =	shalt  }
0x81: {  	_ =	shalt  }
0x82: {  	_ =	shalt  }
0x83: {  	_ =	shalt  }
0x84: {  	_ =	shalt  }
0x85: {  	_ =	shalt  }
0x86: {  	_ =	shalt  }
0x87: {  	_ =	shalt  }
.Lfunc_end0:
.L_simem_size_0:
called_computation.1_lowered:
.L_overlay_start_0:
0x88: {  	s2 =	sld [smem:$0x3FD9]  }
0x89: {  	s3 =	sld [smem:$0x3FFE];
	_ =	sdelay $0x1  }
0x8a: {  	s1 =	srdreg.scid  }
0x8b: {  	s0 =	sand.u32 $0x1, s1  }
0x8c: {  	s16 =	sshll.u32 s0, $0xA;
	s2 =	sadd.s32 s3, s2  }
0x8d: {  	s2 =	sadd.s32 s2, s16  }
0x8e: {  	[smem:$0x3FBD] =	sst s2  }
0x8f: {  	_ = 	snop  }
0x90: {  	(tm) =	ssettm $0x1  }
0x91: {  	s17 =	sld [smem:$0x3FFB];
	_ =	sdelay $0x3  }
0x92: {  	_ =	strace s17  }
0x93: {  	s2 =	sld [smem:$0x3FFC];
	_ =	sdelay $0x3  }
0x94: {  	_ =	strace s2  }
0x95: {  	s2 =	sld [smem:$0x3FFD];
	_ =	sdelay $0x3  }
0x96: {  	_ =	strace s2  }
0x97: {  	_ =	strace $0x8FFFFFFF  }
0x98: {  	s18 =	sld [smem:$0x3FDB];
	_ =	sdelay $0x1  }
0x99: {  	s19 =	simm.s32 $_scs_section_size  }
0x9a: {  	s4 =	simm.s32 $_size__tile_overlayer_lowered;
	s5 =	simm.s32 $_tile_overlayer_lowered  }
0x9b: {  	s22 =	simm.s32 $0x1BFF;
	s21 =	sshll.u32 s5, $0x1;
	s2 =	sadd.s32 s19, s18  }
0x9c: {  	s6 =	simm.s32 $0x0;
	s20 =	sshll.u32 s4, $0x1;
	s4 =	sadd.s32 s21, s2  }
0x9d: {  	[timem:s6], [sflag:s22] =	dma.local [hbm:s4], s20  }
0x9e: {  	_ =	swait.ge [sflag:s22], s20  }
0x9f: {  	s3 =	ssub.s32 $0x0, s20;
	[sflag:s22] =	ssyncset.done $0x0  }
0xa0: {  	[sflag:s22] =	ssyncadd.s32 s3;
	_ =	sdelay $0x1  }
0xa1: {  	s23 =	simm.s32 $0x1B8B  }
0xa2: {  	_ =	swait.ge [sflag:s23], $0x1  }
0xa3: {  	[sflag:s23] =	ssyncset.done $0x0  }
0xa4: {  	s25 =	simm.s32 $0x1B8E;
	s24 =	sld [smem:$0x3FFE];
	[sflag:s23] =	ssyncadd.s32 $0xFFFFFFFF  }
0xa5: {  	s26 =	simm.s32 $execute0_lowered;
	[smem:$0x3FD2] =	sst s25  }
0xa6: {  	s4 =	sshll.u32 s26, $0x1;
	_ =	strace $0x80000049;
	[dreg:$0x1] =	wrdreg $0xFFFFFFFF  }
0xa7: {  	s28 =	simm.s32 $_size_execute0_lowered;
	s2 =	sadd.s32 s2, s4;
	[dreg:$0x0] =	wrdreg $0x0  }
0xa8: {  	s4 =	sshll.u32 s28, $0x1;
	[dreg:$0x2] =	wrdreg s2  }
0xa9: {  	[dreg:$0x3] =	wrdreg s4  }
0xaa: {  	[dreg:$0x4] =	wrdreg $0xC0  }
0xab: {  	_ =	task [dreg:s6], $0x5FFFF  }
0xac: {  	[dreg:$0x1] =	wrdreg $0xFFFFFFFF  }
0xad: {  	[dreg:$0x0] =	wrdreg $0x60  }
0xae: {  	[dreg:$0x2] =	wrdreg s24  }
0xaf: {  	[dreg:$0x3] =	wrdreg $0x58000  }
0xb0: {  	[dreg:$0x4] =	wrdreg $0x9  }
0xb1: {  	_ =	task.clear_ibuf [dreg:s6], $0x5FFFF;
	_ =	strace $0x90000049  }
0xb2: {  	s29 =	simm.s32 $0x9;
	_ =	strace $0x8000004B  }
0xb3: {  	_ =	swait.ge [sflag:s29], $0x1  }
0xb4: {  	[sflag:s29] =	ssyncadd.s32 $0xFFFFFFFF  }
0xb5: {  	_ =	strace $0x9000004B  }
0xb6: {  	_ =	sfence  }
0xb7: {  	s30 =	sld [smem:$0x0];
	_ =	sdelay $0x2  }
0xb8: {  	s31 =	sshll.u32 s1, $0xD;
	s1 =	sshrl.u32 s1, $0x2  }
0xb9: {  	s3 =	sand.u32 $0x4000, s31;
	s1 =	sadd.s32 s1, s30  }
0xba: {  	s0 =	sor.u32 s3, s0;
	s1 =	sshll.u32 s1, $0x11  }
0xbb: {  	s0 =	sor.u32 s1, s0  }
0xbc: {  	s0 =	sadd.s32 $0x8F2B, s0  }
0xbd: {  	[sflag:s0] =	ssyncadd.remote.s32 $0x1  }
0xbe: {  	_ =	sfence.sel $0xFFFF  }
0xbf: {  	[dreg:$0x0] =	wrdreg $0xFFFFFFFF;
	(pc) =	sbr.abs _section_cstart, $3  }
0xc0: {  	[dreg:$0x1] =	wrdreg $0xFFFFFFFF  }
0xc1: {  	_ =	task.clear_ibuf [dreg:s6], $0x2FFFF;
	_ =	strace $0x9FFFFFFF  }
0xc2: {  	(tm) =	ssettm $0x7FFFFFFF  }
0xc3: {  	_ =	shalt  }
tec
execute0_lowered:
.L_overlay_start_1:
0x0: {  	(tag) =	ssettag $0x1  }
0x1: {  	s0 =	rddreg [dreg:$0x0]  }
0x2: {  	s1 =	rddreg [dreg:$0x1];
	s2 =	simm.s32 $0x0  }
0x3: {  	s3 =	srdreg.scid;
	s15 =	stileid.u32;
	s31 =	simm.s32 $0x800  }
0x4: {  	[smem:$0x7FF] =	sst s2;
	s3 =	sand.u32 $0x1, s3;
	s8 =	smul.u32 $0x4E200, s15  }
0x5: {  	s4 =	sadd.s32 $0x16600, s0;
	s5 =	sadd.s32 $0x2600, s0;
	s17 =	smul.u32 $0x13800, s15  }
0x6: {  	s6 =	sadd.s32 $0x47600, s0;
	s0 =	sadd.s32 $0x51400, s0;
	s20 =	smul.u32 $0x4E000, s15  }
0x7: {  	p0 =	sne.s32 s15, $0x0;
	_ =	strace $0x8000004A;
	s7 =	sshll.u32 s3, $0x4  }
0x8: {  	s9 =	ssub.s32 $0x2, s3;
	s3 =	smul.u32 $0x138800, s3;
	s7 =	sor.u32 s15, s7  }
0x9: {  	s8 =	sshrl.u32 s8, $0x2;
	s10 =	sshrl.u32 s9, $0x1;
	s22 =	sshrl.u32 s20, $0x2  }
0xa: {  	s15 =	simm.s32 $0x3;
	s7 =	smul.u32 $0x2710, s7;
	s8 =	sadd.s32 s8, s1  }
0xb: {  	s9 =	ssub.s32 s9, s10;
	s19 =	sadd.s32 s17, s3;
	s3 =	sshrl.u32 s3, $0x3  }
0xc: {  	s23 =	sadd.s32 s22, s1;
	s24 =	sadd.s32 $0x11800, s8;
	s21 =	sshrl.u32 s19, $0x3  }
0xd: {  	s9 =	smax.u32 s9, $0x1;
	s28 =	sadd.s32 $0xA000, s8;
	s29 =	sadd.s32 $0xC800, s8  }
0xe: {  	[dreg:$0x3] =	wrdreg s24;
	s10 =	sadd.s32 $0x4E200, s7;
	s12 =	sshrl.u32 s7, $0x3  }
0xf: {  	[dreg:$0xd] =	wrdreg s9;
	s24 =	sadd.s32 $0x2800, s8;
	s13 =	sshrl.u32 s10, $0x3  }
0x10: {  	s11 =	sadd.s32 s5, s12;
	s26 =	sadd.s32 s6, s12;
	[dreg:$0xe] =	wrdreg s24  }
0x11: {  	s12 =	sadd.s32 $0xA, s12;
	s13 =	sadd.s32 s5, s13;
	[dreg:$0x6] =	wrdreg s26  }
0x12: {  	s30 =	sadd.s32 $0xF000, s8;
	s16 =	sadd.s32 s5, s12;
	[dreg:$0x4] =	wrdreg s13  }
0x13: {  	s14 =	sadd.s32 $0x4E228, s7;
	s18 =	sadd.s32 $0x9C4A, s11;
	[dreg:$0x7] =	wrdreg s16  }
0x14: {  	s9 =	simm.s32 $0x1;
	s12 =	sadd.s32 s6, s12;
	[dreg:$0x8] =	wrdreg s18  }
0x15: {  	s25 =	sshrl.u32 s14, $0x3;
	s26 =	sadd.s32 $0x7800, s8;
	[dreg:$0xa] =	wrdreg s12  }
0x16: {  	s14 =	sadd.s32 $0x4E278, s7;
	s13 =	sadd.s32 s5, s25;
	[dreg:$0x12] =	wrdreg s26  }
0x17: {  	s12 =	sadd.s32 s0, s21;
	s0 =	sadd.s32 s0, s3;
	[dreg:$0x5] =	wrdreg s13  }
0x18: {  	s25 =	sadd.s32 $0x5000, s8;
	s3 =	sshrl.u32 s23, $0x3;
	[dreg:$0xb] =	wrdreg s12  }
0x19: {  	s13 =	sshrl.u32 s14, $0x3;
	s0 =	sadd.s32 $0x27000, s0;
	[dreg:$0xf] =	wrdreg s25  }
0x1a: {  	[dreg:$0x10] =	wrdreg s3;
	s3 =	simm.s32 $0x600;
	s12 =	simm.s32 $0x50  }
0x1b: {  	s13 =	sadd.s32 s5, s13;
	[dreg:$0xc] =	wrdreg s0;
	s0 =	sadd.s32 $0x138000, s1  }
0x1c: {  	s14 =	simm.s32 $0x28;
	[dreg:$0x9] =	wrdreg s13;
	s0 =	sshrl.u32 @!p0 s0, $0x3  }
0x1d: {  	v0 =	vimm.f32 $0.0e+00;
	s13 =	simm.s32 $0x2;
	[dreg:$0x11] =	wrdreg s0;
	s0 =	simm.s32 $0x4  }
.LBB2_1:
0x1e: {  	s16 =	simm.s32 $0x0;
	s17 =	simm.s32 $0x200  }
.LBB2_2:
0x1f: {  	p1 =	sne.s32 s17, $0x9E00;
	[tilespmem:s16+$0x870] =	vst v0  }
0x20: {  	[tilespmem:s16+$0x800] =	vst v0  }
0x21: {  	[tilespmem:s16+$0x810] =	vst v0  }
.Ltmp0:
0x22: {  	[tilespmem:s16+$0x820] =	vst v0;
	(pc) =	sbr.rel @p1 .LBB2_2-.Ltmp0, $4  }
0x23: {  	[tilespmem:s16+$0x830] =	vst v0  }
0x24: {  	[tilespmem:s16+$0x840] =	vst v0  }
0x25: {  	[tilespmem:s16+$0x850] =	vst v0  }
0x26: {  	[tilespmem:s16+$0x860] =	vst v0;
	s16 =	sshra.s32 s17, $0x2;
	s17 =	sadd.s32 $0x200, s17  }
0x27: {  	[tilespmem:s16+$0x870] =	vst v0  }
0x28: {  	[tilespmem:s16+$0x800] =	vst v0  }
0x29: {  	[tilespmem:s16+$0x810] =	vst v0  }
0x2a: {  	[tilespmem:s16+$0x820] =	vst v0  }
0x2b: {  	[tilespmem:s16+$0x830] =	vst v0  }
0x2c: {  	[tilespmem:s16+$0x840] =	vst v0  }
0x2d: {  	[tilespmem:s16+$0x850] =	vst v0  }
0x2e: {  	[tilespmem:s16+$0x860] =	vst v0  }
0x2f: {  	[spmem:s8] =	stream.linear.scatter [tilespmem:s31], [sflag:$0x4], $0x2800, $0x38;
	[tilespmem:$0x19080] =	vst v63  }
0x30: {  	_ =	swait.ge [sflag:s0], $0x2800  }
0x31: {  	[sflag:s0] =	ssyncset.done $0x0  }
0x32: {  	s20 =	rddreg [dreg:$0xe];
	[sflag:s0] =	ssyncadd.s32 $0xFFFFD800  }
0x33: {  	[spmem:s20] =	stream.linear.scatter [tilespmem:s31], [sflag:$0x4], $0x2800, $0x38;
	[tilespmem:$0x19080] =	vst v63  }
0x34: {  	_ =	swait.ge [sflag:s0], $0x2800  }
0x35: {  	[sflag:s0] =	ssyncset.done $0x0  }
0x36: {  	s21 =	rddreg [dreg:$0xf];
	[sflag:s0] =	ssyncadd.s32 $0xFFFFD800  }
0x37: {  	[spmem:s21] =	stream.linear.scatter [tilespmem:s31], [sflag:$0x4], $0x2800, $0x38;
	[tilespmem:$0x19080] =	vst v63  }
0x38: {  	_ =	swait.ge [sflag:s0], $0x2800  }
0x39: {  	[sflag:s0] =	ssyncset.done $0x0  }
0x3a: {  	s22 =	rddreg [dreg:$0x12];
	[sflag:s0] =	ssyncadd.s32 $0xFFFFD800  }
0x3b: {  	[spmem:s22] =	stream.linear.scatter [tilespmem:s31], [sflag:$0x4], $0x2800, $0x38;
	[tilespmem:$0x19080] =	vst v63  }
0x3c: {  	_ =	swait.ge [sflag:s0], $0x2800  }
0x3d: {  	[sflag:s0] =	ssyncset.done $0x0  }
0x3e: {  	[sflag:s0] =	ssyncadd.s32 $0xFFFFD800  }
0x3f: {  	[spmem:s28] =	stream.linear.scatter [tilespmem:s31], [sflag:$0x4], $0x2800, $0x38;
	[tilespmem:$0x19080] =	vst v63  }
0x40: {  	_ =	swait.ge [sflag:s0], $0x2800  }
0x41: {  	[sflag:s0] =	ssyncset.done $0x0  }
0x42: {  	[sflag:s0] =	ssyncadd.s32 $0xFFFFD800  }
0x43: {  	[spmem:s29] =	stream.linear.scatter [tilespmem:s31], [sflag:$0x4], $0x2800, $0x38;
	[tilespmem:$0x19080] =	vst v63  }
0x44: {  	_ =	swait.ge [sflag:s0], $0x2800  }
0x45: {  	[sflag:s0] =	ssyncset.done $0x0  }
0x46: {  	[sflag:s0] =	ssyncadd.s32 $0xFFFFD800  }
0x47: {  	[spmem:s30] =	stream.linear.scatter [tilespmem:s31], [sflag:$0x4], $0x2800, $0x38;
	[tilespmem:$0x19080] =	vst v63  }
0x48: {  	_ =	swait.ge [sflag:s0], $0x2800  }
0x49: {  	[sflag:s0] =	ssyncset.done $0x0  }
0x4a: {  	s23 =	rddreg [dreg:$0x3];
	[sflag:s0] =	ssyncadd.s32 $0xFFFFD800  }
0x4b: {  	[spmem:s23] =	stream.linear.scatter [tilespmem:s31], [sflag:$0x4], $0x2080, $0x38;
	[tilespmem:$0x19080] =	vst v63  }
0x4c: {  	_ =	swait.ge [sflag:s0], $0x2080  }
0x4d: {  	[sflag:s0] =	ssyncset.done $0x0  }
0x4e: {  	[sflag:s0] =	ssyncadd.s32 $0xFFFFDF80  }
0x4f: {  	s18 =	simm.s32 $0x0;
	[bflag:$0x0] =	sbarrier.arrive $0xFFFF  }
0x50: {  	[tilespmem:s18], [sflag:$0x1] =	stream.linear.gather [hbm4b:s11+s18], $0x50, $0x38;
	[tilespmem:$0x19080] =	vst v63  }
0x51: {  	s17 =	simm.s32 $0x200;
	s24 =	rddreg [dreg:$0x4]  }
0x52: {  	[tilespmem:s17], [sflag:$0x1] =	stream.linear.gather [hbm4b:s24+s18], $0x28, $0x38;
	[tilespmem:$0x19080] =	vst v63  }
0x53: {  	s26 =	simm.s32 $0x280;
	s25 =	rddreg [dreg:$0x5]  }
0x54: {  	[tilespmem:s26], [sflag:$0x1] =	stream.linear.gather [hbm4b:s25+s18], $0x28, $0x38;
	[tilespmem:$0x19080] =	vst v63  }
0x55: {  	s17 =	rddreg [dreg:$0x6]  }
0x56: {  	[tilespmem:s3], [sflag:$0x1] =	stream.linear.gather [hbm4b:s17+s18], $0x50, $0x38;
	[tilespmem:$0x19080] =	vst v63  }
0x57: {  	_ =	swait.ge [sflag:s9], $0x50  }
0x58: {  	[sflag:s9] =	ssyncset.done $0x0  }
0x59: {  	[sflag:s9] =	ssyncadd.s32 $0xFFFFFFB0  }
0x5a: {  	_ =	swait.ge [sflag:s9], $0x28  }
0x5b: {  	[sflag:s9] =	ssyncset.done $0x0  }
0x5c: {  	[sflag:s9] =	ssyncadd.s32 $0xFFFFFFD8  }
0x5d: {  	_ =	swait.ge [sflag:s9], $0x28  }
0x5e: {  	[sflag:s9] =	ssyncset.done $0x0  }
0x5f: {  	[sflag:s9] =	ssyncadd.s32 $0xFFFFFFD8  }
0x60: {  	_ =	swait.ge [sflag:s9], $0x50  }
0x61: {  	[sflag:s9] =	ssyncset.done $0x0  }
0x62: {  	[sflag:s9] =	ssyncadd.s32 $0xFFFFFFB0  }
0x63: {  	[tilespmem:s31], [sflag:$0x2] =	stream.indirect.gather [hbm4b:s4+s12], $0x80, s18, s12, $0xb8;
	[tilespmem:$0x19080] =	vst v63  }
0x64: {  	s20 =	simm.s32 $0x80;
	s19 =	rddreg [dreg:$0x7]  }
0x65: {  	[tilespmem:s20], [sflag:$0x1] =	stream.linear.gather [hbm4b:s19+s18], $0x50, $0x38;
	[tilespmem:$0x19080] =	vst v63  }
0x66: {  	s22 =	simm.s32 $0x300;
	s21 =	rddreg [dreg:$0x8]  }
0x67: {  	[tilespmem:s22], [sflag:$0x1] =	stream.linear.gather [hbm4b:s21+s18], $0x28, $0x38;
	[tilespmem:$0x19080] =	vst v63  }
0x68: {  	s24 =	simm.s32 $0x380;
	s23 =	rddreg [dreg:$0x9]  }
0x69: {  	[tilespmem:s24], [sflag:$0x1] =	stream.linear.gather [hbm4b:s23+s18], $0x28, $0x38;
	[tilespmem:$0x19080] =	vst v63  }
0x6a: {  	p1 =	por $0x0, $0x0;
	s26 =	simm.s32 $0x680;
	s25 =	rddreg [dreg:$0xa]  }
0x6b: {  	[tilespmem:s26], [sflag:$0x1] =	stream.linear.gather [hbm4b:s25+s18], $0x50, $0x38;
	[tilespmem:$0x19080] =	vst v63  }
.LBB2_4:
0x6c: {  	_ =	swait.ge [sflag:s13], $0x2800  }
0x6d: {  	p2 =	seq.s32 s18, $0x0;
	[sflag:s13] =	ssyncset.done $0x0  }
0x6e: {  	s19 =	simm.s32 @!p2 $0x3;
	p3 =	seq.s32 @!p2 s18, $0x7C;
	[sflag:s13] =	ssyncadd.s32 $0xFFFFD800  }
0x6f: {  	p3 =	por p2, !p3;
	_ =	swait.ge @!p2 [sflag:s19], $0x1400  }
.Ltmp1:
0x70: {  	[sflag:s19] =	ssyncset.done @!p2 $0x0;
	(pc) =	sbr.rel @!p3 .LBB2_6-.Ltmp1, $4  }
0x71: {  	[sflag:s19] =	ssyncadd.s32 @!p2 $0xFFFFEC00  }
0x72: {  	_ =	swait.ge @!p2 [sflag:s19], $0x1400  }
0x73: {  	[sflag:s19] =	ssyncset.done @!p2 $0x0  }
0x74: {  	s17 =	sand.u32 $0x1, s18;
	s16 =	sadd.s32 $0x1, s18;
	[sflag:s19] =	ssyncadd.s32 @!p2 $0xFFFFEC00  }
0x75: {  	_ =	swait.ge [sflag:s9], $0x50  }
0x76: {  	[sflag:s9] =	ssyncset.done $0x0  }
0x77: {  	[sflag:s9] =	ssyncadd.s32 $0xFFFFFFB0  }
0x78: {  	_ =	swait.ge [sflag:s9], $0x28  }
0x79: {  	[sflag:s9] =	ssyncset.done $0x0  }
0x7a: {  	[sflag:s9] =	ssyncadd.s32 $0xFFFFFFD8  }
0x7b: {  	_ =	swait.ge [sflag:s9], $0x28  }
0x7c: {  	s19 =	sxor.u32 $0x1, s17;
	[sflag:s9] =	ssyncset.done $0x0  }
0x7d: {  	s20 =	sshll.u32 s16, $0x7;
	s19 =	smul.u32 $0xA000, s19;
	[sflag:s9] =	ssyncadd.s32 $0xFFFFFFD8  }
0x7e: {  	s21 =	sadd.s32 $0x2, s18;
	p2 =	sgt.u32 s18, $0x7A;
	_ =	swait.ge [sflag:s9], $0x50  }
0x7f: {  	s20 =	sand.u32 $0x180, s20;
	s19 =	sshrl.u32 s19, $0x2;
	[sflag:s9] =	ssyncset.done $0x0  }
0x80: {  	s22 =	smul.u32 @!p2 $0x50, s21;
	s19 =	sadd.s32 $0x800, s19;
	[sflag:s9] =	ssyncadd.s32 $0xFFFFFFB0  }
0x81: {  	[tilespmem:s19], [sflag:$0x2] =	stream.indirect.gather [hbm4b:s4+s12], $0x80, s20, s12, $0xb8;
	[tilespmem:$0x19080] =	vst v63  }
0x82: {  	s19 =	sadd.s32 @!p2 s7, s22  }
0x83: {  	s24 =	simm.s32 @!p2 $0x0;
	s20 =	sand.u32 $0x3, s21;
	s19 =	sshrl.u32 @!p2 s19, $0x3  }
0x84: {  	s22 =	sadd.s32 @!p2 s10, s22;
	s21 =	sshll.u32 @!p2 s20, $0x7;
	s23 =	sadd.s32 @!p2 s5, s19  }
0x85: {  	[tilespmem:s21], [sflag:$0x1] =	stream.linear.gather @!p2 [hbm4b:s23+s24], $0x50, $0x38;
	[tilespmem:$0x19080] =	vst v63  }
0x86: {  	s20 =	sshll.u32 @!p2 s20, $0x8;
	s23 =	sshrl.u32 @!p2 s22, $0x3;
	s22 =	sadd.s32 @!p2 $0x28, s22  }
0x87: {  	s25 =	sadd.s32 @!p2 $0x200, s20;
	s23 =	sadd.s32 @!p2 s5, s23;
	s22 =	sshrl.u32 @!p2 s22, $0x3  }
0x88: {  	[tilespmem:s25], [sflag:$0x1] =	stream.linear.gather @!p2 [hbm4b:s23+s24], $0x28, $0x38;
	[tilespmem:$0x19080] =	vst v63  }
0x89: {  	s20 =	sadd.s32 @!p2 $0x280, s20;
	s22 =	sadd.s32 @!p2 s5, s22  }
0x8a: {  	[tilespmem:s20], [sflag:$0x1] =	stream.linear.gather @!p2 [hbm4b:s22+s24], $0x28, $0x38;
	[tilespmem:$0x19080] =	vst v63  }
0x8b: {  	s19 =	sadd.s32 @!p2 s6, s19;
	s20 =	sor.u32 @!p2 $0x600, s21  }
0x8c: {  	[tilespmem:s20], [sflag:$0x1] =	stream.linear.gather @!p2 [hbm4b:s19+s24], $0x50, $0x38;
	[tilespmem:$0x19080] =	vst v63  }
.LBB2_6:
0x8d: {  	s19 =	sand.u32 $0x3, s18;
	s21 =	simm.s32 $0x0  }
0x8e: {  	v1 =	vmov s19;
	v2 =	vmov s21  }
0x8f: {  	v1 =	vshll.u32 v1, $0x7;
	v2 =	vand.u32 $0x7F, v2  }
0x90: {  	s18 =	simm.s32 $0x1;
	v2 =	vor.u32 v1, v2  }
0x91: {  	s18 =	simm.s32 @!p1 $0x0;
	v2 =	vbroadcast v2, $0x0  }
0x92: {  	s18 =	smul.u32 $0xA000, s18;
	_ =	sdelay $0x1  }
0x93: {  	s18 =	sshrl.u32 s18, $0x2  }
0x94: {  	s24 =	sadd.s32 $0x940, s18  }
0x95: {  	v3 =	vld [tilespmem:s24+$0xFFFFFF30]  }
0x96: {  	v2 =	vld.idx.msk [tilespmem:v2+s3+$0x0], $0xffff  }
0x97: {  	v4 =	vld [tilespmem:s24+$0xFFFFFEC0]  }
0x98: {  	v5 =	vld [tilespmem:s24+$0xFFFFFF10]  }
0x99: {  	v6 =	vld [tilespmem:s24+$0xFFFFFEE0]  }
0x9a: {  	v7 =	vld [tilespmem:s24+$0xFFFFFF20]  }
0x9b: {  	s20 =	simm.s32 $0x1;
	v8 =	vld [tilespmem:s24+$0xFFFFFEF0];
	v3 =	vmul.f32 v3, v2  }
0x9c: {  	v10 =	vmov s20;
	v9 =	vld [tilespmem:s24+$0xFFFFFF00];
	v4 =	vmul.f32 v4, v2  }
0x9d: {  	v11 =	vld [tilespmem:s24+$0xFFFFFED0];
	v5 =	vmul.f32 v5, v2;
	[tilespmem:s24+$0xFFFFFF30] =	vst v3;
	v3 =	vand.u32 $0x7F, v10  }
0x9e: {  	v6 =	vmul.f32 v6, v2;
	[tilespmem:s24+$0xFFFFFEC0] =	vst v4;
	v3 =	vor.u32 v1, v3  }
0x9f: {  	v4 =	vmul.f32 v7, v2;
	[tilespmem:s24+$0xFFFFFF10] =	vst v5;
	v3 =	vbroadcast v3, $0x0  }
0xa0: {  	v5 =	vmul.f32 v8, v2;
	[tilespmem:s24+$0xFFFFFEE0] =	vst v6  }
0xa1: {  	v6 =	vmul.f32 v9, v2;
	[tilespmem:s24+$0xFFFFFF20] =	vst v4  }
0xa2: {  	v2 =	vmul.f32 v11, v2;
	[tilespmem:s24+$0xFFFFFEF0] =	vst v5  }
0xa3: {  	[tilespmem:s24+$0xFFFFFF00] =	vst v6  }
0xa4: {  	[tilespmem:s24+$0xFFFFFED0] =	vst v2  }
0xa5: {  	v2 =	vld.idx.msk [tilespmem:v3+s3+$0x0], $0xffff  }
0xa6: {  	v3 =	vld [tilespmem:s24+$0xFFFFFF70]  }
0xa7: {  	v5 =	vld [tilespmem:s24+$0xFFFFFF60]  }
0xa8: {  	v6 =	vld [tilespmem:s24+$0xFFFFFF40]  }
0xa9: {  	v4 =	vld [tilespmem:s24+$0xFFFFFFB0]  }
0xaa: {  	v7 =	vld [tilespmem:s24+$0xFFFFFFA0]  }
0xab: {  	s25 =	simm.s32 $0x2;
	v8 =	vld [tilespmem:s24+$0xFFFFFF90];
	v3 =	vmul.f32 v3, v2  }
0xac: {  	v59 =	vmov s25;
	v57 =	vld [tilespmem:s24+$0xFFFFFF80];
	v5 =	vmul.f32 v5, v2  }
0xad: {  	v58 =	vld [tilespmem:s24+$0xFFFFFF50];
	v6 =	vmul.f32 v6, v2;
	[tilespmem:s24+$0xFFFFFF70] =	vst v3;
	v3 =	vand.u32 $0x7F, v59  }
0xae: {  	v4 =	vmul.f32 v4, v2;
	[tilespmem:s24+$0xFFFFFF60] =	vst v5;
	v3 =	vor.u32 v1, v3  }
0xaf: {  	v5 =	vmul.f32 v7, v2;
	[tilespmem:s24+$0xFFFFFF40] =	vst v6;
	v3 =	vbroadcast v3, $0x0  }
0xb0: {  	v7 =	vmul.f32 v8, v2;
	[tilespmem:s24+$0xFFFFFFB0] =	vst v4  }
0xb1: {  	[tilespmem:s24+$0xFFFFFFA0] =	vst v5;
	v5 =	vmul.f32 v57, v2  }
0xb2: {  	v60 =	vld [tilespmem:s24+$0x10];
	[tilespmem:s24+$0xFFFFFF90] =	vst v7;
	v2 =	vmul.f32 v58, v2  }
0xb3: {  	v4 =	vld [tilespmem:s24+$0x0];
	[tilespmem:s24+$0xFFFFFF80] =	vst v5  }
0xb4: {  	[tilespmem:s24+$0xFFFFFF50] =	vst v2;
	v2 =	vld [tilespmem:s24+$0xFFFFFFC0]  }
0xb5: {  	v6 =	vld.idx.msk [tilespmem:v3+s3+$0x0], $0xffff  }
0xb6: {  	v3 =	vld [tilespmem:s24+$0xFFFFFFD0]  }
0xb7: {  	v7 =	vld [tilespmem:s24+$0xFFFFFFE0]  }
0xb8: {  	v5 =	vld [tilespmem:s24+$0xFFFFFFF0]  }
0xb9: {  	v8 =	vld [tilespmem:s24+$0x20]  }
0xba: {  	v61 =	vld [tilespmem:s24+$0x30];
	v62 =	vmul.f32 v2, v6  }
0xbb: {  	s26 =	simm.s32 $0x3;
	v3 =	vmul.f32 v3, v6  }
0xbc: {  	s17 =	smul.u32 $0xA000, s17;
	v12 =	vmov s26;
	v2 =	vbroadcast v1, $0x0;
	v7 =	vmul.f32 v7, v6;
	[tilespmem:s24+$0xFFFFFFC0] =	vst v62  }
0xbd: {  	v12 =	vand.u32 $0x7F, v12;
	v63 =	vmul.f32 v5, v6;
	v5 =	vmul.f32 v4, v6;
	[tilespmem:s24+$0xFFFFFFD0] =	vst v3  }
0xbe: {  	s23 =	simm.s32 $0x5;
	s17 =	sshrl.u32 s17, $0x2;
	v4 =	vmul.f32 v8, v6;
	v8 =	vor.u32 v1, v12;
	v3 =	vmul.f32 v60, v6;
	[tilespmem:s24+$0xFFFFFFE0] =	vst v7  }
0xbf: {  	s22 =	sadd.s32 $0x800, s17;
	s18 =	sadd.s32 $0x1E70, s18;
	s20 =	smov.u32 s24;
	v6 =	vmul.f32 v61, v6;
	v7 =	vbroadcast v8, $0x0;
	[tilespmem:s24+$0xFFFFFFF0] =	vst v63  }
.LBB2_7:
0xc0: {  	p2 =	slt.u32 s23, $0x23  }
0xc1: {  	[tilespmem:s24+$0x0] =	vst v5;
	v5 =	vld [tilespmem:s24+$0x40];
	s20 =	sadd.s32 $0x280, s20;
	s25 =	smov.u32 s23;
	s23 =	sadd.s32 $0x5, s23  }
0xc2: {  	[tilespmem:s24+$0x10] =	vst v3;
	v3 =	vld [tilespmem:s24+$0x70]  }
0xc3: {  	[tilespmem:s24+$0x20] =	vst v4;
	v4 =	vld [tilespmem:s24+$0xA0]  }
0xc4: {  	[tilespmem:s24+$0x30] =	vst v6;
	v6 =	vld [tilespmem:s24+$0x90]  }
0xc5: {  	v7 =	vld.idx.msk [tilespmem:v7+s3+$0x0], $0xffff  }
0xc6: {  	v8 =	vld [tilespmem:s24+$0x50]  }
0xc7: {  	v9 =	vld [tilespmem:s24+$0x60]  }
0xc8: {  	v10 =	vld [tilespmem:s24+$0x80]  }
0xc9: {  	v11 =	vld [tilespmem:s24+$0xB0];
	_ =	sdelay $0x1  }
0xca: {  	s26 =	sadd.s32 $0x4, s21;
	s21 =	smov.u32 s25;
	v5 =	vmul.f32 v5, v7;
	v8 =	vmul.f32 v8, v7  }
0xcb: {  	v12 =	vmov s26;
	v3 =	vmul.f32 v3, v7;
	v9 =	vmul.f32 v9, v7  }
0xcc: {  	v6 =	vmul.f32 v6, v7;
	[tilespmem:s24+$0x40] =	vst v5;
	v5 =	vmul.f32 v10, v7;
	v10 =	vand.u32 $0x7F, v12  }
0xcd: {  	[tilespmem:s24+$0x70] =	vst v3;
	v3 =	vmul.f32 v4, v7;
	v4 =	vmul.f32 v11, v7;
	v7 =	vor.u32 v1, v10  }
0xce: {  	[tilespmem:s24+$0x90] =	vst v6;
	v6 =	vbroadcast v7, $0x0  }
0xcf: {  	[tilespmem:s24+$0xB0] =	vst v4  }
0xd0: {  	[tilespmem:s24+$0x80] =	vst v5;
	v4 =	vld [tilespmem:s24+$0xC0]  }
0xd1: {  	[tilespmem:s24+$0xA0] =	vst v3;
	v3 =	vld [tilespmem:s24+$0x110]  }
0xd2: {  	[tilespmem:s24+$0x60] =	vst v9;
	v5 =	vld [tilespmem:s24+$0xF0]  }
0xd3: {  	[tilespmem:s24+$0x50] =	vst v8;
	v7 =	vld [tilespmem:s24+$0xE0]  }
0xd4: {  	v6 =	vld.idx.msk [tilespmem:v6+s3+$0x0], $0xffff  }
0xd5: {  	v8 =	vld [tilespmem:s24+$0xD0]  }
0xd6: {  	v9 =	vld [tilespmem:s24+$0x130]  }
0xd7: {  	v10 =	vld [tilespmem:s24+$0x100]  }
0xd8: {  	v11 =	vld [tilespmem:s24+$0x120];
	_ =	sdelay $0x1  }
0xd9: {  	v4 =	vmul.f32 v4, v6;
	v8 =	vmul.f32 v8, v6  }
0xda: {  	v12 =	vmov s21;
	v7 =	vmul.f32 v7, v6;
	v5 =	vmul.f32 v5, v6  }
0xdb: {  	v12 =	vand.u32 $0x7F, v12;
	v3 =	vmul.f32 v3, v6;
	[tilespmem:s24+$0xC0] =	vst v4;
	v4 =	vmul.f32 v10, v6  }
0xdc: {  	v10 =	vor.u32 v1, v12;
	[tilespmem:s24+$0xF0] =	vst v5;
	v5 =	vmul.f32 v11, v6;
	v6 =	vmul.f32 v9, v6  }
0xdd: {  	v9 =	vbroadcast v10, $0x0;
	[tilespmem:s24+$0xE0] =	vst v7  }
0xde: {  	[tilespmem:s24+$0x110] =	vst v3  }
0xdf: {  	v3 =	vld [tilespmem:s20+$0xFFFFFF20];
	[tilespmem:s24+$0x120] =	vst v5  }
0xe0: {  	v5 =	vld [tilespmem:s20+$0xFFFFFEF0];
	[tilespmem:s24+$0x130] =	vst v6  }
0xe1: {  	v6 =	vld [tilespmem:s20+$0xFFFFFF10];
	[tilespmem:s24+$0xD0] =	vst v8  }
0xe2: {  	v7 =	vld [tilespmem:s20+$0xFFFFFF30];
	[tilespmem:s24+$0x100] =	vst v4;
	s24 =	smov.u32 s20  }
0xe3: {  	v4 =	vld.idx.msk [tilespmem:v9+s3+$0x0], $0xffff  }
0xe4: {  	v8 =	vld [tilespmem:s20+$0xFFFFFEC0]  }
0xe5: {  	v9 =	vld [tilespmem:s20+$0xFFFFFEE0]  }
0xe6: {  	v10 =	vld [tilespmem:s20+$0xFFFFFED0]  }
0xe7: {  	v11 =	vld [tilespmem:s20+$0xFFFFFF00];
	_ =	sdelay $0x1  }
0xe8: {  	s25 =	sadd.s32 $0x1, s21;
	v7 =	vmul.f32 v7, v4;
	v8 =	vmul.f32 v8, v4  }
0xe9: {  	v12 =	vmov s25;
	v6 =	vmul.f32 v6, v4;
	v9 =	vmul.f32 v9, v4  }
0xea: {  	v5 =	vmul.f32 v5, v4;
	v10 =	vmul.f32 v10, v4;
	[tilespmem:s20+$0xFFFFFF30] =	vst v7;
	v7 =	vand.u32 $0x7F, v12  }
0xeb: {  	v3 =	vmul.f32 v3, v4;
	[tilespmem:s20+$0xFFFFFEC0] =	vst v8;
	v8 =	vmul.f32 v11, v4;
	v4 =	vor.u32 v1, v7  }
0xec: {  	[tilespmem:s20+$0xFFFFFF10] =	vst v6;
	v4 =	vbroadcast v4, $0x0  }
0xed: {  	[tilespmem:s20+$0xFFFFFEE0] =	vst v9  }
0xee: {  	[tilespmem:s20+$0xFFFFFF20] =	vst v3;
	v3 =	vld [tilespmem:s20+$0xFFFFFFB0]  }
0xef: {  	[tilespmem:s20+$0xFFFFFEF0] =	vst v5;
	v5 =	vld [tilespmem:s20+$0xFFFFFF90]  }
0xf0: {  	[tilespmem:s20+$0xFFFFFF00] =	vst v8;
	v6 =	vld [tilespmem:s20+$0xFFFFFF60]  }
0xf1: {  	[tilespmem:s20+$0xFFFFFED0] =	vst v10;
	v7 =	vld [tilespmem:s20+$0xFFFFFF80]  }
0xf2: {  	v4 =	vld.idx.msk [tilespmem:v4+s3+$0x0], $0xffff  }
0xf3: {  	v8 =	vld [tilespmem:s20+$0xFFFFFF70]  }
0xf4: {  	v9 =	vld [tilespmem:s20+$0xFFFFFF50]  }
0xf5: {  	v10 =	vld [tilespmem:s20+$0xFFFFFF40]  }
0xf6: {  	v11 =	vld [tilespmem:s20+$0xFFFFFFA0];
	_ =	sdelay $0x1  }
0xf7: {  	s25 =	sadd.s32 $0x2, s21;
	v7 =	vmul.f32 v7, v4;
	v8 =	vmul.f32 v8, v4  }
0xf8: {  	v12 =	vmov s25;
	v6 =	vmul.f32 v6, v4;
	v9 =	vmul.f32 v9, v4  }
0xf9: {  	v5 =	vmul.f32 v5, v4;
	v10 =	vmul.f32 v10, v4;
	[tilespmem:s20+$0xFFFFFF70] =	vst v8;
	v8 =	vand.u32 $0x7F, v12  }
0xfa: {  	v3 =	vmul.f32 v3, v4;
	[tilespmem:s20+$0xFFFFFF60] =	vst v6;
	v6 =	vmul.f32 v11, v4;
	v4 =	vor.u32 v1, v8  }
0xfb: {  	[tilespmem:s20+$0xFFFFFF40] =	vst v10;
	v4 =	vbroadcast v4, $0x0  }
0xfc: {  	[tilespmem:s20+$0xFFFFFFA0] =	vst v6  }
0xfd: {  	[tilespmem:s20+$0xFFFFFF90] =	vst v5;
	v5 =	vld [tilespmem:s20+$0x0]  }
0xfe: {  	[tilespmem:s20+$0xFFFFFFB0] =	vst v3;
	v3 =	vld [tilespmem:s20+$0xFFFFFFF0]  }
0xff: {  	[tilespmem:s20+$0xFFFFFF80] =	vst v7;
	v6 =	vld [tilespmem:s20+$0xFFFFFFE0]  }
0x100: {  	[tilespmem:s20+$0xFFFFFF50] =	vst v9;
	v7 =	vld [tilespmem:s20+$0xFFFFFFD0]  }
0x101: {  	v8 =	vld.idx.msk [tilespmem:v4+s3+$0x0], $0xffff  }
0x102: {  	v4 =	vld [tilespmem:s20+$0xFFFFFFC0]  }
0x103: {  	v9 =	vld [tilespmem:s20+$0x20]  }
0x104: {  	v10 =	vld [tilespmem:s20+$0x10]  }
0x105: {  	v11 =	vld [tilespmem:s20+$0x30];
	_ =	sdelay $0x1  }
0x106: {  	s25 =	sadd.s32 $0x3, s21;
	v7 =	vmul.f32 v7, v8;
	v4 =	vmul.f32 v4, v8  }
.Ltmp2:
0x107: {  	v12 =	vmul.f32 v6, v8;
	v13 =	vmul.f32 v3, v8;
	v6 =	vmov s25;
	(pc) =	sbr.rel @p2 .LBB2_7-.Ltmp2, $4  }
0x108: {  	v5 =	vmul.f32 v5, v8;
	[tilespmem:s20+$0xFFFFFFC0] =	vst v4;
	v3 =	vmul.f32 v10, v8;
	v10 =	vand.u32 $0x7F, v6  }
0x109: {  	v4 =	vmul.f32 v9, v8;
	[tilespmem:s20+$0xFFFFFFD0] =	vst v7;
	v6 =	vmul.f32 v11, v8;
	v7 =	vor.u32 v1, v10  }
0x10a: {  	[tilespmem:s20+$0xFFFFFFE0] =	vst v12;
	v7 =	vbroadcast v7, $0x0  }
0x10b: {  	[tilespmem:s20+$0xFFFFFFF0] =	vst v13  }
0x10c: {  	[tilespmem:s24+$0x0] =	vst v5  }
0x10d: {  	[tilespmem:s24+$0x10] =	vst v3  }
0x10e: {  	[tilespmem:s24+$0x20] =	vst v4  }
0x10f: {  	v5 =	vld [tilespmem:s24+$0x40];
	[tilespmem:s24+$0x30] =	vst v6  }
0x110: {  	v4 =	vld.idx.msk [tilespmem:v7+s3+$0x0], $0xffff  }
0x111: {  	v3 =	vld [tilespmem:s24+$0x70]  }
0x112: {  	v7 =	vld [tilespmem:s24+$0x90]  }
0x113: {  	v6 =	vld [tilespmem:s24+$0xA0]  }
0x114: {  	v8 =	vld [tilespmem:s24+$0xB0]  }
0x115: {  	v9 =	vld [tilespmem:s24+$0x80];
	s20 =	sadd.s32 $0x4, s21;
	v5 =	vmul.f32 v5, v4  }
0x116: {  	v11 =	vld [tilespmem:s24+$0x60];
	v12 =	vmov s20;
	v3 =	vmul.f32 v3, v4  }
0x117: {  	v10 =	vld [tilespmem:s24+$0x50];
	[tilespmem:s24+$0x40] =	vst v5;
	v5 =	vmul.f32 v7, v4;
	v7 =	vand.u32 $0x7F, v12  }
0x118: {  	v6 =	vmul.f32 v6, v4;
	[tilespmem:s24+$0x70] =	vst v3;
	v7 =	vor.u32 v1, v7  }
0x119: {  	v3 =	vmul.f32 v8, v4;
	[tilespmem:s24+$0x90] =	vst v5;
	v5 =	vbroadcast v7, $0x0  }
0x11a: {  	v8 =	vmul.f32 v9, v4;
	[tilespmem:s24+$0xA0] =	vst v6  }
0x11b: {  	[tilespmem:s24+$0xB0] =	vst v3;
	v3 =	vmul.f32 v11, v4  }
0x11c: {  	[tilespmem:s24+$0x80] =	vst v8;
	v4 =	vmul.f32 v10, v4  }
0x11d: {  	[tilespmem:s24+$0x60] =	vst v3  }
0x11e: {  	[tilespmem:s24+$0x50] =	vst v4;
	v4 =	vld [tilespmem:s24+$0xF0]  }
0x11f: {  	v3 =	vld.idx.msk [tilespmem:v5+s3+$0x0], $0xffff  }
0x120: {  	v5 =	vld [tilespmem:s24+$0xE0]  }
0x121: {  	v7 =	vld [tilespmem:s24+$0xC0]  }
0x122: {  	v8 =	vld [tilespmem:s24+$0x120]  }
0x123: {  	v6 =	vld [tilespmem:s24+$0x110]  }
0x124: {  	v9 =	vld [tilespmem:s24+$0x130];
	v4 =	vmul.f32 v4, v3  }
0x125: {  	v10 =	vld [tilespmem:s24+$0xD0];
	v5 =	vmul.f32 v5, v3  }
0x126: {  	s21 =	simm.s32 $0x28;
	v11 =	vld [tilespmem:s24+$0x100];
	v7 =	vmul.f32 v7, v3;
	[tilespmem:s24+$0xF0] =	vst v4  }
0x127: {  	v4 =	vmul.f32 v8, v3;
	[tilespmem:s24+$0xE0] =	vst v5;
	v5 =	vmov s21  }
0x128: {  	v6 =	vmul.f32 v6, v3;
	[tilespmem:s24+$0xC0] =	vst v7;
	v5 =	vand.u32 $0x7F, v5  }
0x129: {  	v7 =	vmul.f32 v9, v3;
	[tilespmem:s24+$0x120] =	vst v4;
	v4 =	vor.u32 v1, v5  }
0x12a: {  	[tilespmem:s24+$0x110] =	vst v6;
	v6 =	vmul.f32 v10, v3;
	v4 =	vbroadcast v4, $0x0  }
0x12b: {  	v3 =	vmul.f32 v11, v3;
	[tilespmem:s24+$0x130] =	vst v7  }
0x12c: {  	s19 =	sshll.u32 s19, $0x8;
	[tilespmem:s24+$0xD0] =	vst v6  }
0x12d: {  	s23 =	sadd.s32 $0x200, s19;
	[tilespmem:s24+$0x100] =	vst v3  }
0x12e: {  	[spmem:s1] =	stream.indirect.scatter.add.f32 [tilespmem:s22], [sflag:$0x3], $0x80, s23, s21, $0xb8;
	[tilespmem:$0x19080] =	vst v63  }
0x12f: {  	v5 =	vld [tilespmem:s18+$0xFFFFFE00]  }
0x130: {  	v4 =	vld.idx.msk [tilespmem:v4+s3+$0x0], $0xffff  }
0x131: {  	v6 =	vld [tilespmem:s18+$0xFFFFFD90]  }
0x132: {  	v7 =	vld [tilespmem:s18+$0xFFFFFDB0]  }
0x133: {  	v8 =	vld [tilespmem:s18+$0xFFFFFDC0]  }
0x134: {  	v3 =	vld [tilespmem:s18+$0xFFFFFDE0]  }
0x135: {  	v10 =	vld [tilespmem:s18+$0xFFFFFDA0];
	v5 =	vmul.f32 v5, v4  }
0x136: {  	s24 =	simm.s32 $0x29;
	v11 =	vld [tilespmem:s18+$0xFFFFFDD0];
	v6 =	vmul.f32 v6, v4  }
0x137: {  	v9 =	vld [tilespmem:s18+$0xFFFFFDF0];
	v7 =	vmul.f32 v7, v4;
	[tilespmem:s18+$0xFFFFFE00] =	vst v5;
	v5 =	vmov s24  }
0x138: {  	v8 =	vmul.f32 v8, v4;
	[tilespmem:s18+$0xFFFFFD90] =	vst v6;
	v6 =	vand.u32 $0x80, v5  }
0x139: {  	v3 =	vmul.f32 v3, v4;
	[tilespmem:s18+$0xFFFFFDB0] =	vst v7;
	v5 =	vand.u32 $0x7F, v5;
	v6 =	vadd.s32 v2, v6  }
0x13a: {  	v7 =	vmul.f32 v10, v4;
	[tilespmem:s18+$0xFFFFFDC0] =	vst v8;
	v5 =	vor.u32 v5, v6  }
0x13b: {  	[tilespmem:s18+$0xFFFFFDE0] =	vst v3;
	v3 =	vmul.f32 v11, v4  }
0x13c: {  	[tilespmem:s18+$0xFFFFFDA0] =	vst v7;
	v6 =	vmul.f32 v9, v4  }
0x13d: {  	v8 =	vld [tilespmem:s18+$0xFFFFFE10];
	[tilespmem:s18+$0xFFFFFDD0] =	vst v3  }
0x13e: {  	v3 =	vld [tilespmem:s18+$0xFFFFFE50];
	[tilespmem:s18+$0xFFFFFDF0] =	vst v6  }
0x13f: {  	v5 =	vld.idx.msk [tilespmem:v5+s3+$0x0], $0xffff  }
0x140: {  	v6 =	vld [tilespmem:s18+$0xFFFFFE20]  }
0x141: {  	v7 =	vld [tilespmem:s18+$0xFFFFFE30]  }
0x142: {  	v9 =	vld [tilespmem:s18+$0xFFFFFE60]  }
0x143: {  	v10 =	vld [tilespmem:s18+$0xFFFFFE40]  }
0x144: {  	v4 =	vld [tilespmem:s18+$0xFFFFFE80];
	v3 =	vmul.f32 v3, v5  }
0x145: {  	s25 =	simm.s32 $0x2A;
	v6 =	vmul.f32 v6, v5  }
0x146: {  	v11 =	vld [tilespmem:s18+$0xFFFFFE70];
	v7 =	vmul.f32 v7, v5;
	[tilespmem:s18+$0xFFFFFE50] =	vst v3;
	v3 =	vmul.f32 v8, v5;
	v8 =	vmov s25  }
0x147: {  	[tilespmem:s18+$0xFFFFFE20] =	vst v6;
	v6 =	vmul.f32 v9, v5;
	v9 =	vand.u32 $0x80, v8  }
0x148: {  	[tilespmem:s18+$0xFFFFFE30] =	vst v7;
	v8 =	vand.u32 $0x7F, v8;
	v9 =	vadd.s32 v2, v9  }
0x149: {  	v7 =	vmul.f32 v10, v5;
	[tilespmem:s18+$0xFFFFFE10] =	vst v3;
	v3 =	vmul.f32 v4, v5;
	v4 =	vor.u32 v8, v9  }
0x14a: {  	[tilespmem:s18+$0xFFFFFE60] =	vst v6  }
0x14b: {  	v10 =	vld [tilespmem:s18+$0xFFFFFEA0];
	v5 =	vmul.f32 v11, v5;
	[tilespmem:s18+$0xFFFFFE40] =	vst v7  }
0x14c: {  	v6 =	vld [tilespmem:s18+$0xFFFFFEE0];
	[tilespmem:s18+$0xFFFFFE80] =	vst v3  }
0x14d: {  	[tilespmem:s18+$0xFFFFFE70] =	vst v5;
	v5 =	vld [tilespmem:s18+$0xFFFFFE90]  }
0x14e: {  	v4 =	vld.idx.msk [tilespmem:v4+s3+$0x0], $0xffff  }
0x14f: {  	v7 =	vld [tilespmem:s18+$0xFFFFFEC0]  }
0x150: {  	v3 =	vld [tilespmem:s18+$0xFFFFFED0]  }
0x151: {  	v8 =	vld [tilespmem:s18+$0xFFFFFEF0]  }
0x152: {  	v9 =	vld [tilespmem:s18+$0xFFFFFEB0]  }
0x153: {  	v11 =	vld [tilespmem:s18+$0xFFFFFF00];
	v5 =	vmul.f32 v5, v4  }
0x154: {  	v7 =	vmul.f32 v7, v4  }
0x155: {  	v63 =	vmul.f32 v3, v4;
	[tilespmem:s18+$0xFFFFFE90] =	vst v5  }
0x156: {  	s26 =	simm.s32 $0x2B;
	v3 =	vmul.f32 v8, v4;
	v8 =	vmul.f32 v6, v4;
	[tilespmem:s18+$0xFFFFFEC0] =	vst v7  }
0x157: {  	v6 =	vmul.f32 v10, v4;
	v5 =	vmul.f32 v9, v4;
	[tilespmem:s18+$0xFFFFFED0] =	vst v63;
	v7 =	vmov s26  }
0x158: {  	s20 =	simm.s32 $0x2D;
	s22 =	smov.u32 s18;
	v4 =	vmul.f32 v11, v4;
	[tilespmem:s18+$0xFFFFFEE0] =	vst v8;
	v8 =	vand.u32 $0x80, v7;
	v7 =	vand.u32 $0x7F, v7  }
.LBB2_9:
0x159: {  	p2 =	slt.u32 s20, $0x4B  }
0x15a: {  	[tilespmem:s18+$0xFFFFFEB0] =	vst v5;
	v5 =	vadd.s32 v2, v8;
	s22 =	sadd.s32 $0x280, s22;
	s23 =	smov.u32 s20;
	s20 =	sadd.s32 $0x5, s20  }
0x15b: {  	[tilespmem:s18+$0xFFFFFEA0] =	vst v6;
	v5 =	vor.u32 v7, v5  }
0x15c: {  	[tilespmem:s18+$0xFFFFFEF0] =	vst v3;
	v3 =	vld [tilespmem:s18+$0xFFFFFF80]  }
0x15d: {  	[tilespmem:s18+$0xFFFFFF00] =	vst v4;
	v4 =	vld [tilespmem:s18+$0xFFFFFF40]  }
0x15e: {  	v6 =	vld [tilespmem:s18+$0xFFFFFF30]  }
0x15f: {  	v7 =	vld [tilespmem:s18+$0xFFFFFF10]  }
0x160: {  	v5 =	vld.idx.msk [tilespmem:v5+s3+$0x0], $0xffff  }
0x161: {  	v8 =	vld [tilespmem:s18+$0xFFFFFF60]  }
0x162: {  	v9 =	vld [tilespmem:s18+$0xFFFFFF70]  }
0x163: {  	v10 =	vld [tilespmem:s18+$0xFFFFFF20]  }
0x164: {  	v11 =	vld [tilespmem:s18+$0xFFFFFF50];
	_ =	sdelay $0x1  }
0x165: {  	v7 =	vmul.f32 v7, v5;
	v3 =	vmul.f32 v3, v5  }
0x166: {  	s24 =	sadd.s32 $0x4, s21;
	s21 =	smov.u32 s23;
	v6 =	vmul.f32 v6, v5;
	v9 =	vmul.f32 v9, v5  }
0x167: {  	v4 =	vmul.f32 v4, v5;
	v10 =	vmul.f32 v10, v5;
	[tilespmem:s18+$0xFFFFFF80] =	vst v3;
	v3 =	vmov s24  }
0x168: {  	[tilespmem:s18+$0xFFFFFF10] =	vst v7;
	v7 =	vmul.f32 v11, v5;
	v5 =	vmul.f32 v8, v5;
	v8 =	vand.u32 $0x80, v3  }
0x169: {  	v3 =	vand.u32 $0x7F, v3;
	[tilespmem:s18+$0xFFFFFF30] =	vst v6;
	v6 =	vadd.s32 v2, v8  }
0x16a: {  	[tilespmem:s18+$0xFFFFFF40] =	vst v4;
	v3 =	vor.u32 v3, v6  }
0x16b: {  	[tilespmem:s18+$0xFFFFFF20] =	vst v10;
	v4 =	vld [tilespmem:s18+$0xFFFFFFF0]  }
0x16c: {  	[tilespmem:s18+$0xFFFFFF60] =	vst v5;
	v5 =	vld [tilespmem:s18+$0xFFFFFF90]  }
0x16d: {  	[tilespmem:s18+$0xFFFFFF70] =	vst v9;
	v6 =	vld [tilespmem:s18+$0xFFFFFFC0]  }
0x16e: {  	[tilespmem:s18+$0xFFFFFF50] =	vst v7;
	v7 =	vld [tilespmem:s18+$0xFFFFFFA0]  }
0x16f: {  	v3 =	vld.idx.msk [tilespmem:v3+s3+$0x0], $0xffff  }
0x170: {  	v8 =	vld [tilespmem:s18+$0xFFFFFFB0]  }
0x171: {  	v9 =	vld [tilespmem:s18+$0xFFFFFFD0]  }
0x172: {  	v10 =	vld [tilespmem:s18+$0xFFFFFFE0]  }
0x173: {  	v11 =	vld [tilespmem:s18+$0x0];
	_ =	sdelay $0x1  }
0x174: {  	v5 =	vmul.f32 v5, v3;
	v7 =	vmul.f32 v7, v3  }
0x175: {  	v12 =	vmov s21;
	v6 =	vmul.f32 v6, v3;
	v8 =	vmul.f32 v8, v3  }
0x176: {  	v12 =	vand.u32 $0x7F, v12;
	[tilespmem:s18+$0xFFFFFF90] =	vst v5;
	v5 =	vmul.f32 v9, v3;
	v9 =	vmul.f32 v10, v3  }
0x177: {  	v4 =	vmul.f32 v4, v3;
	v10 =	vor.u32 v1, v12;
	[tilespmem:s18+$0xFFFFFFA0] =	vst v7;
	v3 =	vmul.f32 v11, v3  }
0x178: {  	v7 =	vbroadcast v10, $0x0;
	[tilespmem:s18+$0xFFFFFFC0] =	vst v6  }
0x179: {  	[tilespmem:s18+$0xFFFFFFB0] =	vst v8  }
0x17a: {  	v6 =	vld [tilespmem:s22+$0xFFFFFDE0];
	[tilespmem:s18+$0x0] =	vst v3  }
0x17b: {  	v3 =	vld [tilespmem:s22+$0xFFFFFDC0];
	[tilespmem:s18+$0xFFFFFFF0] =	vst v4  }
0x17c: {  	v4 =	vld [tilespmem:s22+$0xFFFFFDF0];
	[tilespmem:s18+$0xFFFFFFD0] =	vst v5  }
0x17d: {  	v5 =	vld [tilespmem:s22+$0xFFFFFE00];
	[tilespmem:s18+$0xFFFFFFE0] =	vst v9;
	s18 =	smov.u32 s22  }
0x17e: {  	v7 =	vld.idx.msk [tilespmem:v7+s3+$0x0], $0xffff  }
0x17f: {  	v8 =	vld [tilespmem:s22+$0xFFFFFD90]  }
0x180: {  	v9 =	vld [tilespmem:s22+$0xFFFFFDB0]  }
0x181: {  	v10 =	vld [tilespmem:s22+$0xFFFFFDA0]  }
0x182: {  	v11 =	vld [tilespmem:s22+$0xFFFFFDD0];
	_ =	sdelay $0x1  }
0x183: {  	v5 =	vmul.f32 v5, v7;
	v8 =	vmul.f32 v8, v7  }
0x184: {  	s23 =	sadd.s32 $0x1, s21;
	v4 =	vmul.f32 v4, v7;
	v9 =	vmul.f32 v9, v7  }
0x185: {  	v3 =	vmul.f32 v3, v7;
	v10 =	vmul.f32 v10, v7;
	[tilespmem:s22+$0xFFFFFE00] =	vst v5;
	v5 =	vmov s23  }
0x186: {  	v6 =	vmul.f32 v6, v7;
	[tilespmem:s22+$0xFFFFFD90] =	vst v8;
	v8 =	vmul.f32 v11, v7;
	v7 =	vand.u32 $0x80, v5  }
0x187: {  	v5 =	vand.u32 $0x7F, v5;
	[tilespmem:s22+$0xFFFFFDB0] =	vst v9;
	v7 =	vadd.s32 v2, v7  }
0x188: {  	[tilespmem:s22+$0xFFFFFDC0] =	vst v3;
	v3 =	vor.u32 v5, v7  }
0x189: {  	[tilespmem:s22+$0xFFFFFDE0] =	vst v6;
	v5 =	vld [tilespmem:s22+$0xFFFFFE80]  }
0x18a: {  	[tilespmem:s22+$0xFFFFFDA0] =	vst v10;
	v6 =	vld [tilespmem:s22+$0xFFFFFE60]  }
0x18b: {  	[tilespmem:s22+$0xFFFFFDF0] =	vst v4;
	v4 =	vld [tilespmem:s22+$0xFFFFFE40]  }
0x18c: {  	[tilespmem:s22+$0xFFFFFDD0] =	vst v8;
	v7 =	vld [tilespmem:s22+$0xFFFFFE50]  }
0x18d: {  	v3 =	vld.idx.msk [tilespmem:v3+s3+$0x0], $0xffff  }
0x18e: {  	v8 =	vld [tilespmem:s22+$0xFFFFFE10]  }
0x18f: {  	v9 =	vld [tilespmem:s22+$0xFFFFFE20]  }
0x190: {  	v10 =	vld [tilespmem:s22+$0xFFFFFE30]  }
0x191: {  	v11 =	vld [tilespmem:s22+$0xFFFFFE70];
	_ =	sdelay $0x1  }
0x192: {  	v7 =	vmul.f32 v7, v3;
	v8 =	vmul.f32 v8, v3  }
0x193: {  	s23 =	sadd.s32 $0x2, s21;
	v4 =	vmul.f32 v4, v3;
	v9 =	vmul.f32 v9, v3  }
0x194: {  	v6 =	vmul.f32 v6, v3;
	v10 =	vmul.f32 v10, v3;
	[tilespmem:s22+$0xFFFFFE50] =	vst v7;
	v7 =	vmov s23  }
0x195: {  	[tilespmem:s22+$0xFFFFFE20] =	vst v9;
	v9 =	vmul.f32 v11, v3;
	v3 =	vmul.f32 v5, v3;
	v5 =	vand.u32 $0x80, v7  }
0x196: {  	v7 =	vand.u32 $0x7F, v7;
	[tilespmem:s22+$0xFFFFFE30] =	vst v10;
	v5 =	vadd.s32 v2, v5  }
0x197: {  	[tilespmem:s22+$0xFFFFFE10] =	vst v8;
	v5 =	vor.u32 v7, v5  }
0x198: {  	[tilespmem:s22+$0xFFFFFE60] =	vst v6;
	v6 =	vld [tilespmem:s22+$0xFFFFFEE0]  }
0x199: {  	[tilespmem:s22+$0xFFFFFE40] =	vst v4;
	v4 =	vld [tilespmem:s22+$0xFFFFFED0]  }
0x19a: {  	[tilespmem:s22+$0xFFFFFE80] =	vst v3;
	v7 =	vld [tilespmem:s22+$0xFFFFFEC0]  }
0x19b: {  	[tilespmem:s22+$0xFFFFFE70] =	vst v9;
	v3 =	vld [tilespmem:s22+$0xFFFFFE90]  }
0x19c: {  	v8 =	vld.idx.msk [tilespmem:v5+s3+$0x0], $0xffff  }
0x19d: {  	v5 =	vld [tilespmem:s22+$0xFFFFFEF0]  }
0x19e: {  	v9 =	vld [tilespmem:s22+$0xFFFFFEB0]  }
0x19f: {  	v10 =	vld [tilespmem:s22+$0xFFFFFEA0]  }
0x1a0: {  	v11 =	vld [tilespmem:s22+$0xFFFFFF00];
	_ =	sdelay $0x1  }
0x1a1: {  	v12 =	vmul.f32 v3, v8;
	v3 =	vmul.f32 v5, v8  }
.Ltmp3:
0x1a2: {  	v7 =	vmul.f32 v7, v8;
	v5 =	vmul.f32 v9, v8;
	(pc) =	sbr.rel @p2 .LBB2_9-.Ltmp3, $4  }
0x1a3: {  	v9 =	vmul.f32 v4, v8;
	[tilespmem:s22+$0xFFFFFE90] =	vst v12;
	v12 =	vmul.f32 v6, v8  }
0x1a4: {  	s23 =	sadd.s32 $0x3, s21;
	v6 =	vmul.f32 v10, v8;
	[tilespmem:s22+$0xFFFFFEC0] =	vst v7;
	v4 =	vmul.f32 v11, v8  }
0x1a5: {  	v7 =	vmov s23;
	[tilespmem:s22+$0xFFFFFED0] =	vst v9  }
0x1a6: {  	v8 =	vand.u32 $0x80, v7;
	v7 =	vand.u32 $0x7F, v7;
	[tilespmem:s22+$0xFFFFFEE0] =	vst v12  }
0x1a7: {  	v1 =	vadd.s32 v2, v8  }
0x1a8: {  	v1 =	vor.u32 v7, v1  }
0x1a9: {  	[tilespmem:s18+$0xFFFFFEB0] =	vst v5  }
0x1aa: {  	[tilespmem:s18+$0xFFFFFEA0] =	vst v6  }
0x1ab: {  	[tilespmem:s18+$0xFFFFFEF0] =	vst v3  }
0x1ac: {  	v3 =	vld [tilespmem:s18+$0xFFFFFF80];
	[tilespmem:s18+$0xFFFFFF00] =	vst v4  }
0x1ad: {  	v1 =	vld.idx.msk [tilespmem:v1+s3+$0x0], $0xffff  }
0x1ae: {  	v50 =	vld [tilespmem:s18+$0xFFFFFF10]  }
0x1af: {  	v51 =	vld [tilespmem:s18+$0xFFFFFF30]  }
0x1b0: {  	v49 =	vld [tilespmem:s18+$0xFFFFFF40]  }
0x1b1: {  	v52 =	vld [tilespmem:s18+$0xFFFFFF60]  }
0x1b2: {  	v9 =	vld [tilespmem:s18+$0xFFFFFF20];
	v3 =	vmul.f32 v3, v1  }
0x1b3: {  	v53 =	vld [tilespmem:s18+$0xFFFFFF70];
	s20 =	sadd.s32 $0x4, s21;
	v5 =	vmul.f32 v50, v1  }
0x1b4: {  	v10 =	vld [tilespmem:s18+$0xFFFFFF50];
	v6 =	vmul.f32 v51, v1;
	[tilespmem:s18+$0xFFFFFF80] =	vst v3;
	v3 =	vmov s20  }
0x1b5: {  	v4 =	vmul.f32 v49, v1;
	[tilespmem:s18+$0xFFFFFF10] =	vst v5;
	v54 =	vand.u32 $0x80, v3  }
0x1b6: {  	v7 =	vmul.f32 v52, v1;
	[tilespmem:s18+$0xFFFFFF30] =	vst v6;
	v3 =	vand.u32 $0x7F, v3;
	v2 =	vadd.s32 v2, v54  }
0x1b7: {  	v55 =	vmul.f32 v9, v1;
	[tilespmem:s18+$0xFFFFFF40] =	vst v4;
	v2 =	vor.u32 v3, v2  }
0x1b8: {  	[tilespmem:s18+$0xFFFFFF60] =	vst v7;
	v3 =	vmul.f32 v53, v1  }
0x1b9: {  	[tilespmem:s18+$0xFFFFFF20] =	vst v55;
	v1 =	vmul.f32 v10, v1  }
0x1ba: {  	[tilespmem:s18+$0xFFFFFF70] =	vst v3  }
0x1bb: {  	v56 =	vld [tilespmem:s18+$0xFFFFFF90];
	[tilespmem:s18+$0xFFFFFF50] =	vst v1  }
0x1bc: {  	v1 =	vld.idx.msk [tilespmem:v2+s3+$0x0], $0xffff  }
0x1bd: {  	v2 =	vld [tilespmem:s18+$0xFFFFFFA0]  }
0x1be: {  	v3 =	vld [tilespmem:s18+$0xFFFFFFC0]  }
0x1bf: {  	v57 =	vld [tilespmem:s18+$0xFFFFFFB0]  }
0x1c0: {  	v60 =	vld [tilespmem:s18+$0xFFFFFFD0]  }
0x1c1: {  	v58 =	vld [tilespmem:s18+$0x0];
	v4 =	vmul.f32 v56, v1  }
0x1c2: {  	v59 =	vld [tilespmem:s18+$0xFFFFFFF0];
	v2 =	vmul.f32 v2, v1  }
0x1c3: {  	v61 =	vld [tilespmem:s18+$0xFFFFFFE0];
	v3 =	vmul.f32 v3, v1;
	[tilespmem:s18+$0xFFFFFF90] =	vst v4  }
0x1c4: {  	v62 =	vmul.f32 v57, v1;
	[tilespmem:s18+$0xFFFFFFA0] =	vst v2  }
0x1c5: {  	v63 =	vmul.f32 v60, v1;
	[tilespmem:s18+$0xFFFFFFC0] =	vst v3  }
0x1c6: {  	p2 =	sne.s32 s16, $0x7D;
	v2 =	vmul.f32 v58, v1;
	[tilespmem:s18+$0xFFFFFFB0] =	vst v62  }
.Ltmp4:
0x1c7: {  	v3 =	vmul.f32 v59, v1;
	[tilespmem:s18+$0xFFFFFFD0] =	vst v63;
	(pc) =	sbr.rel @p2 .LBB2_4-.Ltmp4, $4  }
0x1c8: {  	v1 =	vmul.f32 v61, v1;
	[tilespmem:s18+$0x0] =	vst v2  }
0x1c9: {  	s17 =	sadd.s32 $0x1C00, s17;
	[tilespmem:s18+$0xFFFFFFF0] =	vst v3  }
0x1ca: {  	s26 =	sadd.s32 $0x280, s19;
	p1 =	por !p1, !p1;
	[tilespmem:s18+$0xFFFFFFE0] =	vst v1;
	s18 =	smov.u32 s16  }
0x1cb: {  	[spmem:s1] =	stream.indirect.scatter.add.f32 [tilespmem:s17], [sflag:$0x3], $0x80, s26, s14, $0xb8;
	[tilespmem:$0x19080] =	vst v63  }
0x1cc: {  	_ =	swait.ge [sflag:s15], $0x1400  }
0x1cd: {  	[sflag:s15] =	ssyncset.done $0x0  }
0x1ce: {  	[sflag:s15] =	ssyncadd.s32 $0xFFFFEC00  }
0x1cf: {  	_ =	swait.ge [sflag:s15], $0x1400  }
0x1d0: {  	[sflag:s15] =	ssyncset.done $0x0  }
0x1d1: {  	[sflag:s15] =	ssyncadd.s32 $0xFFFFEC00  }
0x1d2: {  	s16 =	stileid.u32;
	[bflag:$0x0] =	sbarrier.arrive $0xFFFF  }
0x1d3: {  	s16 =	sshll.u32 s16, $0x6;
	s17 =	rddreg [dreg:$0xb]  }
0x1d4: {  	s16 =	sor.u32 $0x1C04, s16;
	s18 =	rddreg [dreg:$0x10]  }
0x1d5: {  	[hbm:s17], [sflag:s16] =	dma.local [spmem:s18], $0x2700  }
0x1d6: {  	_ =	swait.ge [sflag:s0], $0x2700  }
0x1d7: {  	[sflag:s0] =	ssyncset.done $0x0;
	s17 =	rddreg [dreg:$0xc]  }
0x1d8: {  	s18 =	rddreg [dreg:$0x11];
	[sflag:s0] =	ssyncadd.s32 $0xFFFFD900  }
0x1d9: {  	[hbm:s17], [sflag:s16] =	dma.local @!p0 [spmem:s18], $0x100  }
0x1da: {  	s16 =	simm.s32 @!p0 $0x4  }
0x1db: {  	_ =	swait.ge @!p0 [sflag:s16], $0x100  }
0x1dc: {  	s2 =	sadd.s32 $0x1, s2;
	s26 =	rddreg [dreg:$0xd]  }
0x1dd: {  	p1 =	sne.s32 s2, s26  }
.Ltmp5:
0x1de: {  	_ = 	snop;
	(pc) =	sbr.rel @p1 .LBB2_1-.Ltmp5, $3  }
0x1df: {  	_ =	sdelay $0x1  }
0x1e0: {  	[sflag:s16] =	ssyncset.done @!p0 $0x0  }
0x1e1: {  	[sflag:s16] =	ssyncadd.s32 @!p0 $0xFFFFFF00  }
0x1e2: {  	_ =	sfence.sel $0x180000  }
0x1e3: {  	[bflag:$0x0] =	sbarrier.arrive $0xFFFF  }
0x1e4: {  	_ =	strace $0x9000004A  }
0x1e5: {  	[bflag:$0x2] =	sbarrier.arrive $0xFFFF  }
0x1e6: {  	s0 =	rddreg [dreg:$0x2]  }
0x1e7: {  	s0 =	sadd.s32 @!p0 $0x100000, s0  }
0x1e8: {  	[sflag:s0] =	ssyncadd.tile.s32 @!p0 $0x1;
	_ =	shalt  }
.Lfunc_end2:
_tile_overlayer_lowered:
.L_overlay_start_2:
0x1e9: {  	(tag) =	ssettag $0x2  }
0x1ea: {  	s0 =	rddreg [dreg:$0x0];
	s2 =	stileid.u32  }
0x1eb: {  	s1 =	rddreg [dreg:$0x1];
	p0 =	sne.s32 s2, $0x0  }
0x1ec: {  	s3 =	rddreg [dreg:$0x2];
	[bflag:$0x3] =	sbarrier.arrive $0xFFFF;
	s2 =	simm.s32 @!p0 $0x1C04  }
0x1ed: {  	[timem:s3], [sflag:s2] =	dma.local @!p0 [hbm:s0], s1  }
0x1ee: {  	s0 =	simm.s32 @!p0 $0x4  }
0x1ef: {  	_ =	swait.ge @!p0 [sflag:s0], s1  }
0x1f0: {  	s1 =	ssub.s32 @!p0 $0x0, s1;
	[sflag:s0] =	ssyncset.done @!p0 $0x0  }
0x1f1: {  	[sflag:s0] =	ssyncadd.s32 @!p0 s1  }
0x1f2: {  	[bflag:$0x3] =	sbarrier.arrive $0xFFFF  }
0x1f3: {  	_ =	shalt  }

</sc_bundles>
